<compile_context>
chip_gen: v7x
topology: tpu7x:2x2x1
jax: 0.10.2.dev20260603
libtpu: 0.0.44.dev20260713+nightly
codegen_flags: <defaults>
</compile_context>

<pallas_src>
import functools

import jax
import jax.numpy as jnp
from jax import lax
from jax.experimental import pallas as pl
from jax.experimental.pallas import tpu as pltpu
from jax.experimental.pallas import tpu_sc as plsc

N = 10000
E = 320000
D = 128
D_EDGE = 16

BN = 1000
BEDGE = 4000

NC, NS = 2, 16
NW = NC * NS
EPT = E // NW
BE = 40
NB = EPT // BE
NB2 = NB // 2
NPAD = 10240
RPT = NPAD // NS


def _node_dense(x, aw, ab, bw, bb, dw, db, ew, eb):
    def body(x_ref, aw_ref, ab_ref, bw_ref, bb_ref, dw_ref, db_ref,
             ew_ref, eb_ref, ax_ref, bx_ref, dx_ref, ex_ref):
        xb = x_ref[...]
        dn = (((1,), (1,)), ((), ()))
        ax_ref[...] = lax.dot_general(xb, aw_ref[...], dn,
                                      preferred_element_type=jnp.float32) + ab_ref[...]
        bx_ref[...] = lax.dot_general(xb, bw_ref[...], dn,
                                      preferred_element_type=jnp.float32) + bb_ref[...]
        dx_ref[...] = lax.dot_general(xb, dw_ref[...], dn,
                                      preferred_element_type=jnp.float32) + db_ref[...]
        ex_ref[...] = lax.dot_general(xb, ew_ref[...], dn,
                                      preferred_element_type=jnp.float32) + eb_ref[...]

    return pl.pallas_call(
        body,
        grid=(N // BN,),
        in_specs=[
            pl.BlockSpec((BN, D), lambda i: (i, 0)),
            pl.BlockSpec((D, D), lambda i: (0, 0)),
            pl.BlockSpec((1, D), lambda i: (0, 0)),
            pl.BlockSpec((D, D), lambda i: (0, 0)),
            pl.BlockSpec((1, D), lambda i: (0, 0)),
            pl.BlockSpec((D, D), lambda i: (0, 0)),
            pl.BlockSpec((1, D), lambda i: (0, 0)),
            pl.BlockSpec((D, D), lambda i: (0, 0)),
            pl.BlockSpec((1, D), lambda i: (0, 0)),
        ],
        out_specs=[pl.BlockSpec((BN, D), lambda i: (i, 0))] * 4,
        out_shape=[jax.ShapeDtypeStruct((N, D), jnp.float32)] * 4,
    )(x, aw, ab, bw, bb, dw, db, ew, eb)


def _edge_proj(ea, cw, cb):
    def body(ea_ref, cw_ref, cb_ref, ce_ref):
        dn = (((1,), (1,)), ((), ()))
        ce_ref[...] = lax.dot_general(ea_ref[...], cw_ref[...], dn,
                                      preferred_element_type=jnp.float32) + cb_ref[...]

    return pl.pallas_call(
        body,
        grid=(E // BEDGE,),
        in_specs=[
            pl.BlockSpec((BEDGE, D_EDGE), lambda i: (i, 0)),
            pl.BlockSpec((D, D_EDGE), lambda i: (0, 0)),
            pl.BlockSpec((1, D), lambda i: (0, 0)),
        ],
        out_specs=pl.BlockSpec((BEDGE, D), lambda i: (i, 0)),
        out_shape=jax.ShapeDtypeStruct((E, D), jnp.float32),
    )(ea, cw, cb)


def _e_final(ea, wres, eij):
    def body(ea_ref, w_ref, r_ref, out_ref):
        dn = (((1,), (1,)), ((), ()))
        out_ref[...] = lax.dot_general(ea_ref[...], w_ref[...], dn,
                                       preferred_element_type=jnp.float32) + jnp.maximum(r_ref[...], 0.0)

    return pl.pallas_call(
        body,
        grid=(E // BEDGE,),
        in_specs=[
            pl.BlockSpec((BEDGE, D_EDGE), lambda i: (i, 0)),
            pl.BlockSpec((D, D_EDGE), lambda i: (0, 0)),
            pl.BlockSpec((BEDGE, D), lambda i: (i, 0)),
        ],
        out_specs=pl.BlockSpec((BEDGE, D), lambda i: (i, 0)),
        out_shape=jax.ShapeDtypeStruct((E, D), jnp.float32),
    )(ea, wres, eij)


def _x_final(x, ax, a0, a1):
    def body(x_ref, ax_ref, a0_ref, a1_ref, out_ref):
        out_ref[...] = x_ref[...] + jnp.maximum(
            ax_ref[...] + a0_ref[...] + a1_ref[...], 0.0)

    return pl.pallas_call(
        body,
        grid=(N // BN,),
        in_specs=[pl.BlockSpec((BN, D), lambda i: (i, 0))] * 4,
        out_specs=pl.BlockSpec((BN, D), lambda i: (i, 0)),
        out_shape=jax.ShapeDtypeStruct((N, D), jnp.float32),
    )(x, ax, a0, a1)


def _sc_edge(dx, ex, bx, ce, row, col, w, zeros):
    mesh = plsc.VectorSubcoreMesh(core_axis_name="c", subcore_axis_name="s")

    buf_scratch = [
        pltpu.VMEM((BE,), jnp.int32),
        pltpu.VMEM((BE,), jnp.int32),
        pltpu.VMEM((BE,), jnp.float32),
        pltpu.VMEM((BE, D), jnp.float32),
        pltpu.VMEM((BE, D), jnp.float32),
        pltpu.SemaphoreType.DMA,
        pltpu.SemaphoreType.DMA,
    ]

    @functools.partial(
        pl.kernel,
        out_type=(
            jax.ShapeDtypeStruct((E, D), jnp.float32),
            jax.ShapeDtypeStruct((NPAD, D), jnp.float32),
            jax.ShapeDtypeStruct((NPAD, D), jnp.float32),
        ),
        mesh=mesh,
        scratch_types=buf_scratch + buf_scratch + [
            pltpu.VMEM((BE, D), jnp.float32),
            pltpu.VMEM_SHARED((NPAD, D), jnp.float32),
        ],
    )
    def k(dx_hbm, ex_hbm, bx_hbm, ce_hbm, row_hbm, col_hbm, w_hbm, z_hbm,
          eij_out, a0_out, a1_out, *rest):
        buf0 = rest[0:7]
        buf1 = rest[7:14]
        m_v = rest[14]
        aggr_sh = rest[15]
        cid = lax.axis_index("c")
        sid = lax.axis_index("s")
        wid = cid * NS + sid
        ebase = wid * EPT

        pltpu.sync_copy(z_hbm.at[pl.ds(sid * RPT, RPT)],
                        aggr_sh.at[pl.ds(sid * RPT, RPT)])
        plsc.subcore_barrier()

        def idx_load(b, buf):
            base = ebase + b * BE
            pltpu.sync_copy(row_hbm.at[pl.ds(base, BE)], buf[0])
            pltpu.sync_copy(col_hbm.at[pl.ds(base, BE)], buf[1])
            pltpu.sync_copy(w_hbm.at[pl.ds(base, BE)], buf[2])

        def ce_copy(b, buf):
            base = ebase + b * BE
            return pltpu.make_async_copy(ce_hbm.at[pl.ds(base, BE)], buf[3],
                                         buf[5])

        def gather_start(b, buf):
            pltpu.async_copy(dx_hbm.at[buf[0]], buf[3], buf[6], add=True)
            pltpu.async_copy(ex_hbm.at[buf[1]], buf[3], buf[6], add=True)
            pltpu.async_copy(bx_hbm.at[buf[1]], buf[4], buf[6])

        def gather_wait(b, buf):
            pltpu.make_async_copy(dx_hbm.at[buf[0]], buf[3], buf[6]).wait()
            pltpu.make_async_copy(ex_hbm.at[buf[1]], buf[3], buf[6]).wait()
            pltpu.make_async_copy(bx_hbm.at[buf[1]], buf[4], buf[6]).wait()

        def compute(buf):
            w_v, c_v, b_v = buf[2], buf[3], buf[4]

            def edge_body(j, carry2):
                g = (j // 16) * 16
                w16 = w_v[pl.ds(g, 16)]
                jv = jnp.full((16, 1), j - g, dtype=jnp.int32)
                wj = lax.gather(
                    w16, jv,
                    lax.GatherDimensionNumbers(offset_dims=(),
                                               collapsed_slice_dims=(0,),
                                               start_index_map=(0,)),
                    (1,), mode=lax.GatherScatterMode.PROMISE_IN_BOUNDS)
                for kk in range(D // 16):
                    sl = pl.ds(kk * 16, 16)
                    eij = c_v[j, sl]
                    bb = b_v[j, sl]
                    sig = 1.0 / (1.0 + jnp.exp(-eij))
                    m_v[j, sl] = sig * bb * wj
                return carry2

            lax.fori_loop(0, BE, edge_body, 0, unroll=4)

        def step(b, bufp, bufq):
            gather_wait(b, bufp)

            @pl.when(b + 1 < NB)
            def _():
                ce_copy(b + 1, bufq).start()
                idx_load(b + 1, bufq)
                ce_copy(b + 1, bufq).wait()
                gather_start(b + 1, bufq)

            compute(bufp)
            base = ebase + b * BE
            pltpu.sync_copy(bufp[3], eij_out.at[pl.ds(base, BE)])
            pltpu.sync_copy(m_v, aggr_sh.at[bufp[0]], add=True)

        idx_load(0, buf0)
        ce_copy(0, buf0).start()
        ce_copy(0, buf0).wait()
        gather_start(0, buf0)

        def body2(i2, carry):
            step(i2 * 2, buf0, buf1)
            step(i2 * 2 + 1, buf1, buf0)
            return carry

        lax.fori_loop(0, NB2, body2, 0)
        plsc.subcore_barrier()

        @pl.when(cid == 0)
        def _():
            pltpu.sync_copy(aggr_sh.at[pl.ds(sid * RPT, RPT)],
                            a0_out.at[pl.ds(sid * RPT, RPT)])

        @pl.when(cid == 1)
        def _():
            pltpu.sync_copy(aggr_sh.at[pl.ds(sid * RPT, RPT)],
                            a1_out.at[pl.ds(sid * RPT, RPT)])

    return k(dx, ex, bx, ce, row, col, w, zeros)


def kernel(x_in_node, edge_idx, edge_in_attr, edge_scalar_weights,
           A_w, A_b, B_w, B_b, C_w, C_b, D_w, D_b, E_w, E_b, Wres_e):
    ax, bxp, dxp, exp_ = _node_dense(x_in_node, A_w, A_b[None, :],
                                     B_w, B_b[None, :], D_w, D_b[None, :],
                                     E_w, E_b[None, :])
    ce = _edge_proj(edge_in_attr, C_w, C_b[None, :])
    row = edge_idx[0]
    col = edge_idx[1]
    zeros = jnp.zeros((NPAD, D), jnp.float32)
    eij, a0, a1 = _sc_edge(dxp, exp_, bxp, ce, row, col,
                           edge_scalar_weights, zeros)
    e_final = _e_final(edge_in_attr, Wres_e, eij)
    x_final = _x_final(x_in_node, ax, a0, a1)
    return (x_final, e_final)

# --- scband reference (transcript-rebuilt; emitter-appended) ---
"""Pipeline reference for scband-standalone-gated-gcnlayer-31344671326721 (READ-ONLY COPY).

The authoritative reference and input builder live on the scoring server;
editing this copy changes nothing except your own understanding.
"""

import jax, jax.numpy as jnp
import numpy as np

N = 10000
E = 320000
D_NODE = 128
D_EDGE = 16
D_OUT = 128


def setup_inputs(seed: int = 0) -> dict:
    key = jax.random.key(seed)
    ks = jax.random.split(key, 20)
    x_in_node = jax.random.normal(ks[0], (N, D_NODE), dtype=jnp.float32)
    edge_idx = jax.random.randint(ks[1], (2, E), 0, N, dtype=jnp.int32)
    edge_in_attr = jax.random.normal(ks[2], (E, D_EDGE), dtype=jnp.float32)
    edge_scalar_weights = jax.random.uniform(ks[3], (E,), dtype=jnp.float32)
    s = 0.05
    A_w = jax.random.normal(ks[4], (D_OUT, D_NODE), dtype=jnp.float32) * s
    A_b = jax.random.normal(ks[5], (D_OUT,), dtype=jnp.float32) * s
    B_w = jax.random.normal(ks[6], (D_OUT, D_NODE), dtype=jnp.float32) * s
    B_b = jax.random.normal(ks[7], (D_OUT,), dtype=jnp.float32) * s
    C_w = jax.random.normal(ks[8], (D_OUT, D_EDGE), dtype=jnp.float32) * s
    C_b = jax.random.normal(ks[9], (D_OUT,), dtype=jnp.float32) * s
    D_w = jax.random.normal(ks[10], (D_OUT, D_NODE), dtype=jnp.float32) * s
    D_b = jax.random.normal(ks[11], (D_OUT,), dtype=jnp.float32) * s
    E_w = jax.random.normal(ks[12], (D_OUT, D_NODE), dtype=jnp.float32) * s
    E_b = jax.random.normal(ks[13], (D_OUT,), dtype=jnp.float32) * s
    Wres_e = jax.random.normal(ks[14], (D_OUT, D_EDGE), dtype=jnp.float32) * s
    return {
        'x_in_node': x_in_node, 'edge_idx': edge_idx,
        'edge_in_attr': edge_in_attr, 'edge_scalar_weights': edge_scalar_weights,
        'A_w': A_w, 'A_b': A_b, 'B_w': B_w, 'B_b': B_b,
        'C_w': C_w, 'C_b': C_b, 'D_w': D_w, 'D_b': D_b,
        'E_w': E_w, 'E_b': E_b, 'Wres_e': Wres_e,
    }


def reference(x_in_node, edge_idx, edge_in_attr, edge_scalar_weights,
              A_w, A_b, B_w, B_b, C_w, C_b, D_w, D_b, E_w, E_b, Wres_e):
    # dropout=0.0 (eval), batchnorm disabled, ffn disabled, residual enabled
    Ax = x_in_node @ A_w.T + A_b
    Bx = x_in_node @ B_w.T + B_b
    Ce = edge_in_attr @ C_w.T + C_b
    Dx = x_in_node @ D_w.T + D_b
    Ex = x_in_node @ E_w.T + E_b
    row = edge_idx[0]
    col = edge_idx[1]
    e_ij = Dx[row] + Ex[col] + Ce
    w = edge_scalar_weights[:, None]
    aggr_messages = jax.nn.sigmoid(e_ij) * Bx[col]
    weighted = w * aggr_messages
    aggr_out = jax.ops.segment_sum(weighted, row, num_segments=x_in_node.shape[0])
    x_trans = jax.nn.relu(Ax + aggr_out)
    e_trans = jax.nn.relu(e_ij)
    # residual: node dims match -> identity; edge dims differ -> linear proj (no bias)
    x_final = x_in_node + x_trans
    e_final = edge_in_attr @ Wres_e.T + e_trans
    return (x_final, e_final)

if __name__ == "__main__":
    import jax
    _d = setup_inputs()
    print(jax.jit(kernel)(*tuple(_d.values())))

</pallas_src>

<mosaic_0001>
#map = affine_map<(d0, d1) -> (0, 0)>
#map1 = affine_map<(d0, d1) -> (0)>
module attributes {stable_mosaic.version = 14 : i64} {
  func.func @k(%arg0: i32, %arg1: i32, %arg2: memref<10000x128xf32, #tpu.memory_space<hbm>>, %arg3: memref<10000x128xf32, #tpu.memory_space<hbm>>, %arg4: memref<10000x128xf32, #tpu.memory_space<hbm>>, %arg5: memref<320000x128xf32, #tpu.memory_space<hbm>>, %arg6: memref<320000xi32, #tpu.memory_space<hbm>>, %arg7: memref<320000xi32, #tpu.memory_space<hbm>>, %arg8: memref<320000xf32, #tpu.memory_space<hbm>>, %arg9: memref<10240x128xf32, #tpu.memory_space<hbm>>, %arg10: memref<320000x128xf32, #tpu.memory_space<hbm>>, %arg11: memref<10240x128xf32, #tpu.memory_space<hbm>>, %arg12: memref<10240x128xf32, #tpu.memory_space<hbm>>, %arg13: memref<40xi32, #tpu.memory_space<vmem>>, %arg14: memref<40xi32, #tpu.memory_space<vmem>>, %arg15: memref<40xf32, #tpu.memory_space<vmem>>, %arg16: memref<40x128xf32, #tpu.memory_space<vmem>>, %arg17: memref<40x128xf32, #tpu.memory_space<vmem>>, %arg18: memref<!tpu.dma_semaphore, #tpu.memory_space<semaphore_mem>>, %arg19: memref<!tpu.dma_semaphore, #tpu.memory_space<semaphore_mem>>, %arg20: memref<40xi32, #tpu.memory_space<vmem>>, %arg21: memref<40xi32, #tpu.memory_space<vmem>>, %arg22: memref<40xf32, #tpu.memory_space<vmem>>, %arg23: memref<40x128xf32, #tpu.memory_space<vmem>>, %arg24: memref<40x128xf32, #tpu.memory_space<vmem>>, %arg25: memref<!tpu.dma_semaphore, #tpu.memory_space<semaphore_mem>>, %arg26: memref<!tpu.dma_semaphore, #tpu.memory_space<semaphore_mem>>, %arg27: memref<40x128xf32, #tpu.memory_space<vmem>>, %arg28: memref<10240x128xf32, #tpu.memory_space<vmem_shared>>) attributes {dimension_semantics = [#tpu.dimension_semantics<core_parallel>, #tpu.dimension_semantics<subcore_parallel>], iteration_bounds = array<i64: 2, 16>, scalar_prefetch = 0 : i64, scratch_operands = 16 : i64, tpu.core_type = #tpu.core_type<sc_vector_subcore>, window_params = [{transform_indices = #map}, {transform_indices = #map}, {transform_indices = #map}, {transform_indices = #map}, {transform_indices = #map1}, {transform_indices = #map1}, {transform_indices = #map1}, {transform_indices = #map}, {transform_indices = #map}, {transform_indices = #map}, {transform_indices = #map}]} {
    %mul3A = arith.constant 16 : i32
    %mul3A_0 = arith.muli %arg0, %mul3A : i32
    %add3A = arith.addi %mul3A_0, %arg1 : i32
    %mul3A_1 = arith.constant 10000 : i32
    %mul3A_2 = arith.muli %add3A, %mul3A_1 : i32
    %mul3A_3 = arith.constant 640 : i32
    %mul3A_4 = arith.muli %arg1, %mul3A_3 : i32
    %mul3A_5 = arith.constant 640 : i32
    %mul3A_6 = arith.muli %arg1, %mul3A_5 : i32
    "tpu.region"() ({
      %run_scoped3A = tpu.sem_alloc : memref<!tpu.dma_semaphore, #tpu.memory_space<semaphore_mem>>
      %dma_start3A_41 = arith.constant 0 : i32
      %dma_start3A_42 = tpu.memref_slice %arg28[%mul3A_6, %dma_start3A_41] : memref<10240x128xf32, #tpu.memory_space<vmem_shared>> -> memref<640x128xf32, #tpu.memory_space<vmem_shared>>
      %dma_start3A_43 = arith.constant 0 : i32
      %dma_start3A_44 = tpu.memref_slice %arg9[%mul3A_4, %dma_start3A_43] : memref<10240x128xf32, #tpu.memory_space<hbm>> -> memref<640x128xf32, #tpu.memory_space<hbm>>
      tpu.enqueue_dma source(%dma_start3A_44 : memref<640x128xf32, #tpu.memory_space<hbm>>) target(%dma_start3A_42 : memref<640x128xf32, #tpu.memory_space<vmem_shared>>) target_semaphore(%run_scoped3A : memref<!tpu.dma_semaphore, #tpu.memory_space<semaphore_mem>>)
      %dma_wait3A_45 = arith.constant 0 : i32
      %dma_wait3A_46 = tpu.memref_slice %arg28[%mul3A_6, %dma_wait3A_45] : memref<10240x128xf32, #tpu.memory_space<vmem_shared>> -> memref<640x128xf32, #tpu.memory_space<vmem_shared>>
      %dma_wait3A_47 = arith.constant 0 : i32
      %dma_wait3A_48 = tpu.memref_slice %arg9[%mul3A_4, %dma_wait3A_47] : memref<10240x128xf32, #tpu.memory_space<hbm>> -> memref<640x128xf32, #tpu.memory_space<hbm>>
      tpu.wait_dma2 semaphore(%run_scoped3A : memref<!tpu.dma_semaphore, #tpu.memory_space<semaphore_mem>>) src(%dma_wait3A_48 : memref<640x128xf32, #tpu.memory_space<hbm>>) dst(%dma_wait3A_46 : memref<640x128xf32, #tpu.memory_space<vmem_shared>>)
      tpu.yield
    }) : () -> ()
    %barrier3A = arith.constant 0 : index
    tpu.barrier barrier_id(%barrier3A)
    %add3A_7 = arith.constant 0 : i32
    %add3A_8 = arith.addi %mul3A_2, %add3A_7 : i32
    "tpu.region"() ({
      %run_scoped3A = tpu.sem_alloc : memref<!tpu.dma_semaphore, #tpu.memory_space<semaphore_mem>>
      %dma_start3A_41 = tpu.memref_slice %arg6[%add3A_8] : memref<320000xi32, #tpu.memory_space<hbm>> -> memref<40xi32, #tpu.memory_space<hbm>>
      %dma_start3A_42 = tpu.memref_slice %arg6[%add3A_8] : memref<320000xi32, #tpu.memory_space<hbm>> -> memref<40xi32, #tpu.memory_space<hbm>>
      tpu.enqueue_dma source(%dma_start3A_42 : memref<40xi32, #tpu.memory_space<hbm>>) target(%arg13 : memref<40xi32, #tpu.memory_space<vmem>>) target_semaphore(%run_scoped3A : memref<!tpu.dma_semaphore, #tpu.memory_space<semaphore_mem>>)
      %dma_wait3A_43 = tpu.memref_slice %arg6[%add3A_8] : memref<320000xi32, #tpu.memory_space<hbm>> -> memref<40xi32, #tpu.memory_space<hbm>>
      %dma_wait3A_44 = tpu.memref_slice %arg6[%add3A_8] : memref<320000xi32, #tpu.memory_space<hbm>> -> memref<40xi32, #tpu.memory_space<hbm>>
      tpu.wait_dma2 semaphore(%run_scoped3A : memref<!tpu.dma_semaphore, #tpu.memory_space<semaphore_mem>>) src(%dma_wait3A_44 : memref<40xi32, #tpu.memory_space<hbm>>) dst(%arg13 : memref<40xi32, #tpu.memory_space<vmem>>)
      tpu.yield
    }) : () -> ()
    "tpu.region"() ({
      %run_scoped3A = tpu.sem_alloc : memref<!tpu.dma_semaphore, #tpu.memory_space<semaphore_mem>>
      %dma_start3A_41 = tpu.memref_slice %arg7[%add3A_8] : memref<320000xi32, #tpu.memory_space<hbm>> -> memref<40xi32, #tpu.memory_space<hbm>>
      %dma_start3A_42 = tpu.memref_slice %arg7[%add3A_8] : memref<320000xi32, #tpu.memory_space<hbm>> -> memref<40xi32, #tpu.memory_space<hbm>>
      tpu.enqueue_dma source(%dma_start3A_42 : memref<40xi32, #tpu.memory_space<hbm>>) target(%arg14 : memref<40xi32, #tpu.memory_space<vmem>>) target_semaphore(%run_scoped3A : memref<!tpu.dma_semaphore, #tpu.memory_space<semaphore_mem>>)
      %dma_wait3A_43 = tpu.memref_slice %arg7[%add3A_8] : memref<320000xi32, #tpu.memory_space<hbm>> -> memref<40xi32, #tpu.memory_space<hbm>>
      %dma_wait3A_44 = tpu.memref_slice %arg7[%add3A_8] : memref<320000xi32, #tpu.memory_space<hbm>> -> memref<40xi32, #tpu.memory_space<hbm>>
      tpu.wait_dma2 semaphore(%run_scoped3A : memref<!tpu.dma_semaphore, #tpu.memory_space<semaphore_mem>>) src(%dma_wait3A_44 : memref<40xi32, #tpu.memory_space<hbm>>) dst(%arg14 : memref<40xi32, #tpu.memory_space<vmem>>)
      tpu.yield
    }) : () -> ()
    "tpu.region"() ({
      %run_scoped3A = tpu.sem_alloc : memref<!tpu.dma_semaphore, #tpu.memory_space<semaphore_mem>>
      %dma_start3A_41 = tpu.memref_slice %arg8[%add3A_8] : memref<320000xf32, #tpu.memory_space<hbm>> -> memref<40xf32, #tpu.memory_space<hbm>>
      %dma_start3A_42 = tpu.memref_slice %arg8[%add3A_8] : memref<320000xf32, #tpu.memory_space<hbm>> -> memref<40xf32, #tpu.memory_space<hbm>>
      tpu.enqueue_dma source(%dma_start3A_42 : memref<40xf32, #tpu.memory_space<hbm>>) target(%arg15 : memref<40xf32, #tpu.memory_space<vmem>>) target_semaphore(%run_scoped3A : memref<!tpu.dma_semaphore, #tpu.memory_space<semaphore_mem>>)
      %dma_wait3A_43 = tpu.memref_slice %arg8[%add3A_8] : memref<320000xf32, #tpu.memory_space<hbm>> -> memref<40xf32, #tpu.memory_space<hbm>>
      %dma_wait3A_44 = tpu.memref_slice %arg8[%add3A_8] : memref<320000xf32, #tpu.memory_space<hbm>> -> memref<40xf32, #tpu.memory_space<hbm>>
      tpu.wait_dma2 semaphore(%run_scoped3A : memref<!tpu.dma_semaphore, #tpu.memory_space<semaphore_mem>>) src(%dma_wait3A_44 : memref<40xf32, #tpu.memory_space<hbm>>) dst(%arg15 : memref<40xf32, #tpu.memory_space<vmem>>)
      tpu.yield
    }) : () -> ()
    %add3A_9 = arith.constant 0 : i32
    %add3A_10 = arith.addi %mul3A_2, %add3A_9 : i32
    %dma_start3A = arith.constant 0 : i32
    %dma_start3A_11 = tpu.memref_slice %arg5[%add3A_10, %dma_start3A] : memref<320000x128xf32, #tpu.memory_space<hbm>> -> memref<40x128xf32, #tpu.memory_space<hbm>>
    %dma_start3A_12 = arith.constant 0 : i32
    %dma_start3A_13 = tpu.memref_slice %arg5[%add3A_10, %dma_start3A_12] : memref<320000x128xf32, #tpu.memory_space<hbm>> -> memref<40x128xf32, #tpu.memory_space<hbm>>
    tpu.enqueue_dma source(%dma_start3A_13 : memref<40x128xf32, #tpu.memory_space<hbm>>) target(%arg16 : memref<40x128xf32, #tpu.memory_space<vmem>>) target_semaphore(%arg18 : memref<!tpu.dma_semaphore, #tpu.memory_space<semaphore_mem>>)
    %add3A_14 = arith.constant 0 : i32
    %add3A_15 = arith.addi %mul3A_2, %add3A_14 : i32
    %dma_wait3A = arith.constant 0 : i32
    %dma_wait3A_16 = tpu.memref_slice %arg5[%add3A_15, %dma_wait3A] : memref<320000x128xf32, #tpu.memory_space<hbm>> -> memref<40x128xf32, #tpu.memory_space<hbm>>
    %dma_wait3A_17 = arith.constant 0 : i32
    %dma_wait3A_18 = tpu.memref_slice %arg5[%add3A_15, %dma_wait3A_17] : memref<320000x128xf32, #tpu.memory_space<hbm>> -> memref<40x128xf32, #tpu.memory_space<hbm>>
    tpu.wait_dma2 semaphore(%arg18 : memref<!tpu.dma_semaphore, #tpu.memory_space<semaphore_mem>>) src(%dma_wait3A_18 : memref<40x128xf32, #tpu.memory_space<hbm>>) dst(%arg16 : memref<40x128xf32, #tpu.memory_space<vmem>>)
    %dma_start3A_19 = arith.constant 0 : i32
    %dma_start3A_20 = arith.constant 0 : i32
    %dma_start3A_21 = tpu.memref_slice %arg2[%dma_start3A_19, %dma_start3A_20] : memref<10000x128xf32, #tpu.memory_space<hbm>> -> memref<10000x128xf32, #tpu.memory_space<hbm>>
    tpu.enqueue_indirect_dma source(%dma_start3A_21 : memref<10000x128xf32, #tpu.memory_space<hbm>>) target(%arg16 : memref<40x128xf32, #tpu.memory_space<vmem>>) offsets(%arg13 : memref<40xi32, #tpu.memory_space<vmem>>) semaphore(%arg19 : memref<!tpu.dma_semaphore, #tpu.memory_space<semaphore_mem>>) {add = true}
    %dma_start3A_22 = arith.constant 0 : i32
    %dma_start3A_23 = arith.constant 0 : i32
    %dma_start3A_24 = tpu.memref_slice %arg3[%dma_start3A_22, %dma_start3A_23] : memref<10000x128xf32, #tpu.memory_space<hbm>> -> memref<10000x128xf32, #tpu.memory_space<hbm>>
    tpu.enqueue_indirect_dma source(%dma_start3A_24 : memref<10000x128xf32, #tpu.memory_space<hbm>>) target(%arg16 : memref<40x128xf32, #tpu.memory_space<vmem>>) offsets(%arg14 : memref<40xi32, #tpu.memory_space<vmem>>) semaphore(%arg19 : memref<!tpu.dma_semaphore, #tpu.memory_space<semaphore_mem>>) {add = true}
    %dma_start3A_25 = arith.constant 0 : i32
    %dma_start3A_26 = arith.constant 0 : i32
    %dma_start3A_27 = tpu.memref_slice %arg4[%dma_start3A_25, %dma_start3A_26] : memref<10000x128xf32, #tpu.memory_space<hbm>> -> memref<10000x128xf32, #tpu.memory_space<hbm>>
    tpu.enqueue_indirect_dma source(%dma_start3A_27 : memref<10000x128xf32, #tpu.memory_space<hbm>>) target(%arg17 : memref<40x128xf32, #tpu.memory_space<vmem>>) offsets(%arg14 : memref<40xi32, #tpu.memory_space<vmem>>) semaphore(%arg19 : memref<!tpu.dma_semaphore, #tpu.memory_space<semaphore_mem>>)
    %scan3A = arith.constant 0 : i32
    %scan3A_28 = arith.constant 0 : i32
    %scan3A_29 = arith.constant 125 : i32
    %scan3A_30 = arith.addi %scan3A_28, %scan3A_29 : i32
    %scan3A_31 = arith.constant 1 : i32
    scf.for %scan3A_41 = %scan3A_28 to %scan3A_30 step %scan3A_31  : i32 {
      %mul3A_42 = arith.constant 2 : i32
      %mul3A_43 = arith.muli %scan3A_41, %mul3A_42 : i32
      %dma_wait3A_44 = arith.constant 0 : i32
      %dma_wait3A_45 = arith.constant 0 : i32
      %dma_wait3A_46 = tpu.memref_slice %arg2[%dma_wait3A_44, %dma_wait3A_45] : memref<10000x128xf32, #tpu.memory_space<hbm>> -> memref<10000x128xf32, #tpu.memory_space<hbm>>
      tpu.wait_indirect_dma semaphore(%arg19 : memref<!tpu.dma_semaphore, #tpu.memory_space<semaphore_mem>>) src(%dma_wait3A_46 : memref<10000x128xf32, #tpu.memory_space<hbm>>) dst(%arg16 : memref<40x128xf32, #tpu.memory_space<vmem>>)
      %dma_wait3A_47 = arith.constant 0 : i32
      %dma_wait3A_48 = arith.constant 0 : i32
      %dma_wait3A_49 = tpu.memref_slice %arg3[%dma_wait3A_47, %dma_wait3A_48] : memref<10000x128xf32, #tpu.memory_space<hbm>> -> memref<10000x128xf32, #tpu.memory_space<hbm>>
      tpu.wait_indirect_dma semaphore(%arg19 : memref<!tpu.dma_semaphore, #tpu.memory_space<semaphore_mem>>) src(%dma_wait3A_49 : memref<10000x128xf32, #tpu.memory_space<hbm>>) dst(%arg16 : memref<40x128xf32, #tpu.memory_space<vmem>>)
      %dma_wait3A_50 = arith.constant 0 : i32
      %dma_wait3A_51 = arith.constant 0 : i32
      %dma_wait3A_52 = tpu.memref_slice %arg4[%dma_wait3A_50, %dma_wait3A_51] : memref<10000x128xf32, #tpu.memory_space<hbm>> -> memref<10000x128xf32, #tpu.memory_space<hbm>>
      tpu.wait_indirect_dma semaphore(%arg19 : memref<!tpu.dma_semaphore, #tpu.memory_space<semaphore_mem>>) src(%dma_wait3A_52 : memref<10000x128xf32, #tpu.memory_space<hbm>>) dst(%arg17 : memref<40x128xf32, #tpu.memory_space<vmem>>)
      %add3A_53 = arith.constant 1 : i32
      %add3A_54 = arith.addi %mul3A_43, %add3A_53 : i32
      %lt3A = arith.constant 250 : i32
      %lt3A_55 = arith.cmpi slt, %add3A_54, %lt3A : i32
      %convert_element_type3A_56 = arith.extui %lt3A_55 : i1 to i32
      %cond3A_57 = arith.constant 0 : i32
      %cond3A_58 = arith.cmpi ne, %convert_element_type3A_56, %cond3A_57 : i32
      scf.if %cond3A_58 {
        %add3A_97 = arith.constant 1 : i32
        %add3A_98 = arith.addi %mul3A_43, %add3A_97 : i32
        %mul3A_99 = arith.constant 40 : i32
        %mul3A_100 = arith.muli %add3A_98, %mul3A_99 : i32
        %add3A_101 = arith.addi %mul3A_2, %mul3A_100 : i32
        %dma_start3A_102 = arith.constant 0 : i32
        %dma_start3A_103 = tpu.memref_slice %arg5[%add3A_101, %dma_start3A_102] : memref<320000x128xf32, #tpu.memory_space<hbm>> -> memref<40x128xf32, #tpu.memory_space<hbm>>
        %dma_start3A_104 = arith.constant 0 : i32
        %dma_start3A_105 = tpu.memref_slice %arg5[%add3A_101, %dma_start3A_104] : memref<320000x128xf32, #tpu.memory_space<hbm>> -> memref<40x128xf32, #tpu.memory_space<hbm>>
        tpu.enqueue_dma source(%dma_start3A_105 : memref<40x128xf32, #tpu.memory_space<hbm>>) target(%arg23 : memref<40x128xf32, #tpu.memory_space<vmem>>) target_semaphore(%arg25 : memref<!tpu.dma_semaphore, #tpu.memory_space<semaphore_mem>>)
        %add3A_106 = arith.constant 1 : i32
        %add3A_107 = arith.addi %mul3A_43, %add3A_106 : i32
        %mul3A_108 = arith.constant 40 : i32
        %mul3A_109 = arith.muli %add3A_107, %mul3A_108 : i32
        %add3A_110 = arith.addi %mul3A_2, %mul3A_109 : i32
        "tpu.region"() ({
          %run_scoped3A = tpu.sem_alloc : memref<!tpu.dma_semaphore, #tpu.memory_space<semaphore_mem>>
          %dma_start3A_131 = tpu.memref_slice %arg6[%add3A_110] : memref<320000xi32, #tpu.memory_space<hbm>> -> memref<40xi32, #tpu.memory_space<hbm>>
          %dma_start3A_132 = tpu.memref_slice %arg6[%add3A_110] : memref<320000xi32, #tpu.memory_space<hbm>> -> memref<40xi32, #tpu.memory_space<hbm>>
          tpu.enqueue_dma source(%dma_start3A_132 : memref<40xi32, #tpu.memory_space<hbm>>) target(%arg20 : memref<40xi32, #tpu.memory_space<vmem>>) target_semaphore(%run_scoped3A : memref<!tpu.dma_semaphore, #tpu.memory_space<semaphore_mem>>)
          %dma_wait3A_133 = tpu.memref_slice %arg6[%add3A_110] : memref<320000xi32, #tpu.memory_space<hbm>> -> memref<40xi32, #tpu.memory_space<hbm>>
          %dma_wait3A_134 = tpu.memref_slice %arg6[%add3A_110] : memref<320000xi32, #tpu.memory_space<hbm>> -> memref<40xi32, #tpu.memory_space<hbm>>
          tpu.wait_dma2 semaphore(%run_scoped3A : memref<!tpu.dma_semaphore, #tpu.memory_space<semaphore_mem>>) src(%dma_wait3A_134 : memref<40xi32, #tpu.memory_space<hbm>>) dst(%arg20 : memref<40xi32, #tpu.memory_space<vmem>>)
          tpu.yield
        }) : () -> ()
        "tpu.region"() ({
          %run_scoped3A = tpu.sem_alloc : memref<!tpu.dma_semaphore, #tpu.memory_space<semaphore_mem>>
          %dma_start3A_131 = tpu.memref_slice %arg7[%add3A_110] : memref<320000xi32, #tpu.memory_space<hbm>> -> memref<40xi32, #tpu.memory_space<hbm>>
          %dma_start3A_132 = tpu.memref_slice %arg7[%add3A_110] : memref<320000xi32, #tpu.memory_space<hbm>> -> memref<40xi32, #tpu.memory_space<hbm>>
          tpu.enqueue_dma source(%dma_start3A_132 : memref<40xi32, #tpu.memory_space<hbm>>) target(%arg21 : memref<40xi32, #tpu.memory_space<vmem>>) target_semaphore(%run_scoped3A : memref<!tpu.dma_semaphore, #tpu.memory_space<semaphore_mem>>)
          %dma_wait3A_133 = tpu.memref_slice %arg7[%add3A_110] : memref<320000xi32, #tpu.memory_space<hbm>> -> memref<40xi32, #tpu.memory_space<hbm>>
          %dma_wait3A_134 = tpu.memref_slice %arg7[%add3A_110] : memref<320000xi32, #tpu.memory_space<hbm>> -> memref<40xi32, #tpu.memory_space<hbm>>
          tpu.wait_dma2 semaphore(%run_scoped3A : memref<!tpu.dma_semaphore, #tpu.memory_space<semaphore_mem>>) src(%dma_wait3A_134 : memref<40xi32, #tpu.memory_space<hbm>>) dst(%arg21 : memref<40xi32, #tpu.memory_space<vmem>>)
          tpu.yield
        }) : () -> ()
        "tpu.region"() ({
          %run_scoped3A = tpu.sem_alloc : memref<!tpu.dma_semaphore, #tpu.memory_space<semaphore_mem>>
          %dma_start3A_131 = tpu.memref_slice %arg8[%add3A_110] : memref<320000xf32, #tpu.memory_space<hbm>> -> memref<40xf32, #tpu.memory_space<hbm>>
          %dma_start3A_132 = tpu.memref_slice %arg8[%add3A_110] : memref<320000xf32, #tpu.memory_space<hbm>> -> memref<40xf32, #tpu.memory_space<hbm>>
          tpu.enqueue_dma source(%dma_start3A_132 : memref<40xf32, #tpu.memory_space<hbm>>) target(%arg22 : memref<40xf32, #tpu.memory_space<vmem>>) target_semaphore(%run_scoped3A : memref<!tpu.dma_semaphore, #tpu.memory_space<semaphore_mem>>)
          %dma_wait3A_133 = tpu.memref_slice %arg8[%add3A_110] : memref<320000xf32, #tpu.memory_space<hbm>> -> memref<40xf32, #tpu.memory_space<hbm>>
          %dma_wait3A_134 = tpu.memref_slice %arg8[%add3A_110] : memref<320000xf32, #tpu.memory_space<hbm>> -> memref<40xf32, #tpu.memory_space<hbm>>
          tpu.wait_dma2 semaphore(%run_scoped3A : memref<!tpu.dma_semaphore, #tpu.memory_space<semaphore_mem>>) src(%dma_wait3A_134 : memref<40xf32, #tpu.memory_space<hbm>>) dst(%arg22 : memref<40xf32, #tpu.memory_space<vmem>>)
          tpu.yield
        }) : () -> ()
        %add3A_111 = arith.constant 1 : i32
        %add3A_112 = arith.addi %mul3A_43, %add3A_111 : i32
        %mul3A_113 = arith.constant 40 : i32
        %mul3A_114 = arith.muli %add3A_112, %mul3A_113 : i32
        %add3A_115 = arith.addi %mul3A_2, %mul3A_114 : i32
        %dma_wait3A_116 = arith.constant 0 : i32
        %dma_wait3A_117 = tpu.memref_slice %arg5[%add3A_115, %dma_wait3A_116] : memref<320000x128xf32, #tpu.memory_space<hbm>> -> memref<40x128xf32, #tpu.memory_space<hbm>>
        %dma_wait3A_118 = arith.constant 0 : i32
        %dma_wait3A_119 = tpu.memref_slice %arg5[%add3A_115, %dma_wait3A_118] : memref<320000x128xf32, #tpu.memory_space<hbm>> -> memref<40x128xf32, #tpu.memory_space<hbm>>
        tpu.wait_dma2 semaphore(%arg25 : memref<!tpu.dma_semaphore, #tpu.memory_space<semaphore_mem>>) src(%dma_wait3A_119 : memref<40x128xf32, #tpu.memory_space<hbm>>) dst(%arg23 : memref<40x128xf32, #tpu.memory_space<vmem>>)
        %add3A_120 = arith.constant 1 : i32
        %add3A_121 = arith.addi %mul3A_43, %add3A_120 : i32
        %dma_start3A_122 = arith.constant 0 : i32
        %dma_start3A_123 = arith.constant 0 : i32
        %dma_start3A_124 = tpu.memref_slice %arg2[%dma_start3A_122, %dma_start3A_123] : memref<10000x128xf32, #tpu.memory_space<hbm>> -> memref<10000x128xf32, #tpu.memory_space<hbm>>
        tpu.enqueue_indirect_dma source(%dma_start3A_124 : memref<10000x128xf32, #tpu.memory_space<hbm>>) target(%arg23 : memref<40x128xf32, #tpu.memory_space<vmem>>) offsets(%arg20 : memref<40xi32, #tpu.memory_space<vmem>>) semaphore(%arg26 : memref<!tpu.dma_semaphore, #tpu.memory_space<semaphore_mem>>) {add = true}
        %dma_start3A_125 = arith.constant 0 : i32
        %dma_start3A_126 = arith.constant 0 : i32
        %dma_start3A_127 = tpu.memref_slice %arg3[%dma_start3A_125, %dma_start3A_126] : memref<10000x128xf32, #tpu.memory_space<hbm>> -> memref<10000x128xf32, #tpu.memory_space<hbm>>
        tpu.enqueue_indirect_dma source(%dma_start3A_127 : memref<10000x128xf32, #tpu.memory_space<hbm>>) target(%arg23 : memref<40x128xf32, #tpu.memory_space<vmem>>) offsets(%arg21 : memref<40xi32, #tpu.memory_space<vmem>>) semaphore(%arg26 : memref<!tpu.dma_semaphore, #tpu.memory_space<semaphore_mem>>) {add = true}
        %dma_start3A_128 = arith.constant 0 : i32
        %dma_start3A_129 = arith.constant 0 : i32
        %dma_start3A_130 = tpu.memref_slice %arg4[%dma_start3A_128, %dma_start3A_129] : memref<10000x128xf32, #tpu.memory_space<hbm>> -> memref<10000x128xf32, #tpu.memory_space<hbm>>
        tpu.enqueue_indirect_dma source(%dma_start3A_130 : memref<10000x128xf32, #tpu.memory_space<hbm>>) target(%arg24 : memref<40x128xf32, #tpu.memory_space<vmem>>) offsets(%arg21 : memref<40xi32, #tpu.memory_space<vmem>>) semaphore(%arg26 : memref<!tpu.dma_semaphore, #tpu.memory_space<semaphore_mem>>)
      } else {
      }
      %scan3A_59 = arith.constant 0 : i32
      %scan3A_60 = arith.constant 0 : i32
      %scan3A_61 = arith.constant 40 : i32
      %scan3A_62 = arith.addi %scan3A_60, %scan3A_61 : i32
      %scan3A_63 = arith.constant 4 : i32
      scf.for %scan3A_97 = %scan3A_60 to %scan3A_62 step %scan3A_63  : i32 {
        %jit3A = arith.constant 16 : i32
        %div3A = arith.divsi %scan3A_97, %jit3A : i32
        %sign3A = arith.constant 0 : i32
        %sign3A_98 = arith.cmpi sgt, %scan3A_97, %sign3A : i32
        %sign3A_99 = arith.extui %sign3A_98 : i1 to i32
        %sign3A_100 = arith.constant 0 : i32
        %sign3A_101 = arith.cmpi slt, %scan3A_97, %sign3A_100 : i32
        %sign3A_102 = arith.extui %sign3A_101 : i1 to i32
        %sign3A_103 = arith.subi %sign3A_99, %sign3A_102 : i32
        %sign3A_104 = arith.constant 0 : i32
        %sign3A_105 = arith.cmpi sgt, %jit3A, %sign3A_104 : i32
        %sign3A_106 = arith.extui %sign3A_105 : i1 to i32
        %sign3A_107 = arith.constant 0 : i32
        %sign3A_108 = arith.cmpi slt, %jit3A, %sign3A_107 : i32
        %sign3A_109 = arith.extui %sign3A_108 : i1 to i32
        %sign3A_110 = arith.subi %sign3A_106, %sign3A_109 : i32
        %ne3A = arith.cmpi ne, %sign3A_103, %sign3A_110 : i32
        %rem3A = arith.remsi %scan3A_97, %jit3A : i32
        %ne3A_111 = arith.constant 0 : i32
        %ne3A_112 = arith.cmpi ne, %rem3A, %ne3A_111 : i32
        %and3A = arith.andi %ne3A, %ne3A_112 : i1
        %sub3A = arith.constant 1 : i32
        %sub3A_113 = arith.subi %div3A, %sub3A : i32
        %select_n3A = arith.select %and3A, %sub3A_113, %div3A : i32
        %mul3A_114 = arith.constant 16 : i32
        %mul3A_115 = arith.muli %select_n3A, %mul3A_114 : i32
        %get3A = arith.index_cast %mul3A_115 : i32 to index
        %get3A_116 = tpu.vector_load %arg15[%get3A] {strides = array<i32>} : memref<40xf32, #tpu.memory_space<vmem>>, vector<16xf32>,
        %get3A_117 = vector.shape_cast %get3A_116 : vector<16xf32> to vector<16xf32>
        %sub3A_118 = arith.subi %scan3A_97, %mul3A_115 : i32
        %broadcast_in_dim3A = vector.broadcast %sub3A_118 : i32 to vector<16x1xi32>
        %gather3A = vector.shape_cast %broadcast_in_dim3A : vector<16x1xi32> to vector<16xi32>
        %gather3A_119 = tpu.dynamic_gather %get3A_117[%gather3A] in [0] : vector<16xf32>, vector<16xi32> -> vector<16xf32>
        %get3A_120 = arith.index_cast %scan3A_97 : i32 to index
        %get3A_121 = arith.constant 0 : index
        %get3A_122 = tpu.vector_load %arg16[%get3A_120, %get3A_121] {strides = array<i32>} : memref<40x128xf32, #tpu.memory_space<vmem>>, vector<1x16xf32>,
        %get3A_123 = vector.shape_cast %get3A_122 : vector<1x16xf32> to vector<16xf32>
        %get3A_124 = arith.index_cast %scan3A_97 : i32 to index
        %get3A_125 = arith.constant 0 : index
        %get3A_126 = tpu.vector_load %arg17[%get3A_124, %get3A_125] {strides = array<i32>} : memref<40x128xf32, #tpu.memory_space<vmem>>, vector<1x16xf32>,
        %get3A_127 = vector.shape_cast %get3A_126 : vector<1x16xf32> to vector<16xf32>
        %neg3A = arith.constant 0.000000e+00 : f32
        %neg3A_128 = vector.broadcast %neg3A : f32 to vector<16xf32>
        %neg3A_129 = arith.subf %neg3A_128, %get3A_123 : vector<16xf32>
        %exp3A = math.exp %neg3A_129 : vector<16xf32>
        %add3A_130 = arith.constant 1.000000e+00 : f32
        %add3A_131 = vector.broadcast %add3A_130 : f32 to vector<16xf32>
        %add3A_132 = arith.addf %add3A_131, %exp3A : vector<16xf32>
        %div3A_133 = arith.constant 1.000000e+00 : f32
        %div3A_134 = vector.broadcast %div3A_133 : f32 to vector<16xf32>
        %div3A_135 = arith.divf %div3A_134, %add3A_132 : vector<16xf32>
        %mul3A_136 = arith.mulf %div3A_135, %get3A_127 : vector<16xf32>
        %mul3A_137 = arith.mulf %mul3A_136, %gather3A_119 : vector<16xf32>
        %swap3A = arith.index_cast %scan3A_97 : i32 to index
        %swap3A_138 = arith.constant 0 : index
        %swap3A_139 = tpu.vector_load %arg27[%swap3A, %swap3A_138] {strides = array<i32>} : memref<40x128xf32, #tpu.memory_space<vmem>>, vector<1x16xf32>,
        %swap3A_140 = vector.shape_cast %swap3A_139 : vector<1x16xf32> to vector<16xf32>
        %swap3A_141 = vector.shape_cast %mul3A_137 : vector<16xf32> to vector<1x16xf32>
        tpu.vector_store %arg27[%swap3A, %swap3A_138], %swap3A_141 {strides = array<i32>} : memref<40x128xf32, #tpu.memory_space<vmem>>, vector<1x16xf32>,
        %get3A_142 = arith.index_cast %scan3A_97 : i32 to index
        %get3A_143 = arith.constant 16 : index
        %get3A_144 = tpu.vector_load %arg16[%get3A_142, %get3A_143] {strides = array<i32>} : memref<40x128xf32, #tpu.memory_space<vmem>>, vector<1x16xf32>,
        %get3A_145 = vector.shape_cast %get3A_144 : vector<1x16xf32> to vector<16xf32>
        %get3A_146 = arith.index_cast %scan3A_97 : i32 to index
        %get3A_147 = arith.constant 16 : index
        %get3A_148 = tpu.vector_load %arg17[%get3A_146, %get3A_147] {strides = array<i32>} : memref<40x128xf32, #tpu.memory_space<vmem>>, vector<1x16xf32>,
        %get3A_149 = vector.shape_cast %get3A_148 : vector<1x16xf32> to vector<16xf32>
        %neg3A_150 = arith.constant 0.000000e+00 : f32
        %neg3A_151 = vector.broadcast %neg3A_150 : f32 to vector<16xf32>
        %neg3A_152 = arith.subf %neg3A_151, %get3A_145 : vector<16xf32>
        %exp3A_153 = math.exp %neg3A_152 : vector<16xf32>
        %add3A_154 = arith.constant 1.000000e+00 : f32
        %add3A_155 = vector.broadcast %add3A_154 : f32 to vector<16xf32>
        %add3A_156 = arith.addf %add3A_155, %exp3A_153 : vector<16xf32>
        %div3A_157 = arith.constant 1.000000e+00 : f32
        %div3A_158 = vector.broadcast %div3A_157 : f32 to vector<16xf32>
        %div3A_159 = arith.divf %div3A_158, %add3A_156 : vector<16xf32>
        %mul3A_160 = arith.mulf %div3A_159, %get3A_149 : vector<16xf32>
        %mul3A_161 = arith.mulf %mul3A_160, %gather3A_119 : vector<16xf32>
        %swap3A_162 = arith.index_cast %scan3A_97 : i32 to index
        %swap3A_163 = arith.constant 16 : index
        %swap3A_164 = tpu.vector_load %arg27[%swap3A_162, %swap3A_163] {strides = array<i32>} : memref<40x128xf32, #tpu.memory_space<vmem>>, vector<1x16xf32>,
        %swap3A_165 = vector.shape_cast %swap3A_164 : vector<1x16xf32> to vector<16xf32>
        %swap3A_166 = vector.shape_cast %mul3A_161 : vector<16xf32> to vector<1x16xf32>
        tpu.vector_store %arg27[%swap3A_162, %swap3A_163], %swap3A_166 {strides = array<i32>} : memref<40x128xf32, #tpu.memory_space<vmem>>, vector<1x16xf32>,
        %get3A_167 = arith.index_cast %scan3A_97 : i32 to index
        %get3A_168 = arith.constant 32 : index
        %get3A_169 = tpu.vector_load %arg16[%get3A_167, %get3A_168] {strides = array<i32>} : memref<40x128xf32, #tpu.memory_space<vmem>>, vector<1x16xf32>,
        %get3A_170 = vector.shape_cast %get3A_169 : vector<1x16xf32> to vector<16xf32>
        %get3A_171 = arith.index_cast %scan3A_97 : i32 to index
        %get3A_172 = arith.constant 32 : index
        %get3A_173 = tpu.vector_load %arg17[%get3A_171, %get3A_172] {strides = array<i32>} : memref<40x128xf32, #tpu.memory_space<vmem>>, vector<1x16xf32>,
        %get3A_174 = vector.shape_cast %get3A_173 : vector<1x16xf32> to vector<16xf32>
        %neg3A_175 = arith.constant 0.000000e+00 : f32
        %neg3A_176 = vector.broadcast %neg3A_175 : f32 to vector<16xf32>
        %neg3A_177 = arith.subf %neg3A_176, %get3A_170 : vector<16xf32>
        %exp3A_178 = math.exp %neg3A_177 : vector<16xf32>
        %add3A_179 = arith.constant 1.000000e+00 : f32
        %add3A_180 = vector.broadcast %add3A_179 : f32 to vector<16xf32>
        %add3A_181 = arith.addf %add3A_180, %exp3A_178 : vector<16xf32>
        %div3A_182 = arith.constant 1.000000e+00 : f32
        %div3A_183 = vector.broadcast %div3A_182 : f32 to vector<16xf32>
        %div3A_184 = arith.divf %div3A_183, %add3A_181 : vector<16xf32>
        %mul3A_185 = arith.mulf %div3A_184, %get3A_174 : vector<16xf32>
        %mul3A_186 = arith.mulf %mul3A_185, %gather3A_119 : vector<16xf32>
        %swap3A_187 = arith.index_cast %scan3A_97 : i32 to index
        %swap3A_188 = arith.constant 32 : index
        %swap3A_189 = tpu.vector_load %arg27[%swap3A_187, %swap3A_188] {strides = array<i32>} : memref<40x128xf32, #tpu.memory_space<vmem>>, vector<1x16xf32>,
        %swap3A_190 = vector.shape_cast %swap3A_189 : vector<1x16xf32> to vector<16xf32>
        %swap3A_191 = vector.shape_cast %mul3A_186 : vector<16xf32> to vector<1x16xf32>
        tpu.vector_store %arg27[%swap3A_187, %swap3A_188], %swap3A_191 {strides = array<i32>} : memref<40x128xf32, #tpu.memory_space<vmem>>, vector<1x16xf32>,
        %get3A_192 = arith.index_cast %scan3A_97 : i32 to index
        %get3A_193 = arith.constant 48 : index
        %get3A_194 = tpu.vector_load %arg16[%get3A_192, %get3A_193] {strides = array<i32>} : memref<40x128xf32, #tpu.memory_space<vmem>>, vector<1x16xf32>,
        %get3A_195 = vector.shape_cast %get3A_194 : vector<1x16xf32> to vector<16xf32>
        %get3A_196 = arith.index_cast %scan3A_97 : i32 to index
        %get3A_197 = arith.constant 48 : index
        %get3A_198 = tpu.vector_load %arg17[%get3A_196, %get3A_197] {strides = array<i32>} : memref<40x128xf32, #tpu.memory_space<vmem>>, vector<1x16xf32>,
        %get3A_199 = vector.shape_cast %get3A_198 : vector<1x16xf32> to vector<16xf32>
        %neg3A_200 = arith.constant 0.000000e+00 : f32
        %neg3A_201 = vector.broadcast %neg3A_200 : f32 to vector<16xf32>
        %neg3A_202 = arith.subf %neg3A_201, %get3A_195 : vector<16xf32>
        %exp3A_203 = math.exp %neg3A_202 : vector<16xf32>
        %add3A_204 = arith.constant 1.000000e+00 : f32
        %add3A_205 = vector.broadcast %add3A_204 : f32 to vector<16xf32>
        %add3A_206 = arith.addf %add3A_205, %exp3A_203 : vector<16xf32>
        %div3A_207 = arith.constant 1.000000e+00 : f32
        %div3A_208 = vector.broadcast %div3A_207 : f32 to vector<16xf32>
        %div3A_209 = arith.divf %div3A_208, %add3A_206 : vector<16xf32>
        %mul3A_210 = arith.mulf %div3A_209, %get3A_199 : vector<16xf32>
        %mul3A_211 = arith.mulf %mul3A_210, %gather3A_119 : vector<16xf32>
        %swap3A_212 = arith.index_cast %scan3A_97 : i32 to index
        %swap3A_213 = arith.constant 48 : index
        %swap3A_214 = tpu.vector_load %arg27[%swap3A_212, %swap3A_213] {strides = array<i32>} : memref<40x128xf32, #tpu.memory_space<vmem>>, vector<1x16xf32>,
        %swap3A_215 = vector.shape_cast %swap3A_214 : vector<1x16xf32> to vector<16xf32>
        %swap3A_216 = vector.shape_cast %mul3A_211 : vector<16xf32> to vector<1x16xf32>
        tpu.vector_store %arg27[%swap3A_212, %swap3A_213], %swap3A_216 {strides = array<i32>} : memref<40x128xf32, #tpu.memory_space<vmem>>, vector<1x16xf32>,
        %get3A_217 = arith.index_cast %scan3A_97 : i32 to index
        %get3A_218 = arith.constant 64 : index
        %get3A_219 = tpu.vector_load %arg16[%get3A_217, %get3A_218] {strides = array<i32>} : memref<40x128xf32, #tpu.memory_space<vmem>>, vector<1x16xf32>,
        %get3A_220 = vector.shape_cast %get3A_219 : vector<1x16xf32> to vector<16xf32>
        %get3A_221 = arith.index_cast %scan3A_97 : i32 to index
        %get3A_222 = arith.constant 64 : index
        %get3A_223 = tpu.vector_load %arg17[%get3A_221, %get3A_222] {strides = array<i32>} : memref<40x128xf32, #tpu.memory_space<vmem>>, vector<1x16xf32>,
        %get3A_224 = vector.shape_cast %get3A_223 : vector<1x16xf32> to vector<16xf32>
        %neg3A_225 = arith.constant 0.000000e+00 : f32
        %neg3A_226 = vector.broadcast %neg3A_225 : f32 to vector<16xf32>
        %neg3A_227 = arith.subf %neg3A_226, %get3A_220 : vector<16xf32>
        %exp3A_228 = math.exp %neg3A_227 : vector<16xf32>
        %add3A_229 = arith.constant 1.000000e+00 : f32
        %add3A_230 = vector.broadcast %add3A_229 : f32 to vector<16xf32>
        %add3A_231 = arith.addf %add3A_230, %exp3A_228 : vector<16xf32>
        %div3A_232 = arith.constant 1.000000e+00 : f32
        %div3A_233 = vector.broadcast %div3A_232 : f32 to vector<16xf32>
        %div3A_234 = arith.divf %div3A_233, %add3A_231 : vector<16xf32>
        %mul3A_235 = arith.mulf %div3A_234, %get3A_224 : vector<16xf32>
        %mul3A_236 = arith.mulf %mul3A_235, %gather3A_119 : vector<16xf32>
        %swap3A_237 = arith.index_cast %scan3A_97 : i32 to index
        %swap3A_238 = arith.constant 64 : index
        %swap3A_239 = tpu.vector_load %arg27[%swap3A_237, %swap3A_238] {strides = array<i32>} : memref<40x128xf32, #tpu.memory_space<vmem>>, vector<1x16xf32>,
        %swap3A_240 = vector.shape_cast %swap3A_239 : vector<1x16xf32> to vector<16xf32>
        %swap3A_241 = vector.shape_cast %mul3A_236 : vector<16xf32> to vector<1x16xf32>
        tpu.vector_store %arg27[%swap3A_237, %swap3A_238], %swap3A_241 {strides = array<i32>} : memref<40x128xf32, #tpu.memory_space<vmem>>, vector<1x16xf32>,
        %get3A_242 = arith.index_cast %scan3A_97 : i32 to index
        %get3A_243 = arith.constant 80 : index
        %get3A_244 = tpu.vector_load %arg16[%get3A_242, %get3A_243] {strides = array<i32>} : memref<40x128xf32, #tpu.memory_space<vmem>>, vector<1x16xf32>,
        %get3A_245 = vector.shape_cast %get3A_244 : vector<1x16xf32> to vector<16xf32>
        %get3A_246 = arith.index_cast %scan3A_97 : i32 to index
        %get3A_247 = arith.constant 80 : index
        %get3A_248 = tpu.vector_load %arg17[%get3A_246, %get3A_247] {strides = array<i32>} : memref<40x128xf32, #tpu.memory_space<vmem>>, vector<1x16xf32>,
        %get3A_249 = vector.shape_cast %get3A_248 : vector<1x16xf32> to vector<16xf32>
        %neg3A_250 = arith.constant 0.000000e+00 : f32
        %neg3A_251 = vector.broadcast %neg3A_250 : f32 to vector<16xf32>
        %neg3A_252 = arith.subf %neg3A_251, %get3A_245 : vector<16xf32>
        %exp3A_253 = math.exp %neg3A_252 : vector<16xf32>
        %add3A_254 = arith.constant 1.000000e+00 : f32
        %add3A_255 = vector.broadcast %add3A_254 : f32 to vector<16xf32>
        %add3A_256 = arith.addf %add3A_255, %exp3A_253 : vector<16xf32>
        %div3A_257 = arith.constant 1.000000e+00 : f32
        %div3A_258 = vector.broadcast %div3A_257 : f32 to vector<16xf32>
        %div3A_259 = arith.divf %div3A_258, %add3A_256 : vector<16xf32>
        %mul3A_260 = arith.mulf %div3A_259, %get3A_249 : vector<16xf32>
        %mul3A_261 = arith.mulf %mul3A_260, %gather3A_119 : vector<16xf32>
        %swap3A_262 = arith.index_cast %scan3A_97 : i32 to index
        %swap3A_263 = arith.constant 80 : index
        %swap3A_264 = tpu.vector_load %arg27[%swap3A_262, %swap3A_263] {strides = array<i32>} : memref<40x128xf32, #tpu.memory_space<vmem>>, vector<1x16xf32>,
        %swap3A_265 = vector.shape_cast %swap3A_264 : vector<1x16xf32> to vector<16xf32>
        %swap3A_266 = vector.shape_cast %mul3A_261 : vector<16xf32> to vector<1x16xf32>
        tpu.vector_store %arg27[%swap3A_262, %swap3A_263], %swap3A_266 {strides = array<i32>} : memref<40x128xf32, #tpu.memory_space<vmem>>, vector<1x16xf32>,
        %get3A_267 = arith.index_cast %scan3A_97 : i32 to index
        %get3A_268 = arith.constant 96 : index
        %get3A_269 = tpu.vector_load %arg16[%get3A_267, %get3A_268] {strides = array<i32>} : memref<40x128xf32, #tpu.memory_space<vmem>>, vector<1x16xf32>,
        %get3A_270 = vector.shape_cast %get3A_269 : vector<1x16xf32> to vector<16xf32>
        %get3A_271 = arith.index_cast %scan3A_97 : i32 to index
        %get3A_272 = arith.constant 96 : index
        %get3A_273 = tpu.vector_load %arg17[%get3A_271, %get3A_272] {strides = array<i32>} : memref<40x128xf32, #tpu.memory_space<vmem>>, vector<1x16xf32>,
        %get3A_274 = vector.shape_cast %get3A_273 : vector<1x16xf32> to vector<16xf32>
        %neg3A_275 = arith.constant 0.000000e+00 : f32
        %neg3A_276 = vector.broadcast %neg3A_275 : f32 to vector<16xf32>
        %neg3A_277 = arith.subf %neg3A_276, %get3A_270 : vector<16xf32>
        %exp3A_278 = math.exp %neg3A_277 : vector<16xf32>
        %add3A_279 = arith.constant 1.000000e+00 : f32
        %add3A_280 = vector.broadcast %add3A_279 : f32 to vector<16xf32>
        %add3A_281 = arith.addf %add3A_280, %exp3A_278 : vector<16xf32>
        %div3A_282 = arith.constant 1.000000e+00 : f32
        %div3A_283 = vector.broadcast %div3A_282 : f32 to vector<16xf32>
        %div3A_284 = arith.divf %div3A_283, %add3A_281 : vector<16xf32>
        %mul3A_285 = arith.mulf %div3A_284, %get3A_274 : vector<16xf32>
        %mul3A_286 = arith.mulf %mul3A_285, %gather3A_119 : vector<16xf32>
        %swap3A_287 = arith.index_cast %scan3A_97 : i32 to index
        %swap3A_288 = arith.constant 96 : index
        %swap3A_289 = tpu.vector_load %arg27[%swap3A_287, %swap3A_288] {strides = array<i32>} : memref<40x128xf32, #tpu.memory_space<vmem>>, vector<1x16xf32>,
        %swap3A_290 = vector.shape_cast %swap3A_289 : vector<1x16xf32> to vector<16xf32>
        %swap3A_291 = vector.shape_cast %mul3A_286 : vector<16xf32> to vector<1x16xf32>
        tpu.vector_store %arg27[%swap3A_287, %swap3A_288], %swap3A_291 {strides = array<i32>} : memref<40x128xf32, #tpu.memory_space<vmem>>, vector<1x16xf32>,
        %get3A_292 = arith.index_cast %scan3A_97 : i32 to index
        %get3A_293 = arith.constant 112 : index
        %get3A_294 = tpu.vector_load %arg16[%get3A_292, %get3A_293] {strides = array<i32>} : memref<40x128xf32, #tpu.memory_space<vmem>>, vector<1x16xf32>,
        %get3A_295 = vector.shape_cast %get3A_294 : vector<1x16xf32> to vector<16xf32>
        %get3A_296 = arith.index_cast %scan3A_97 : i32 to index
        %get3A_297 = arith.constant 112 : index
        %get3A_298 = tpu.vector_load %arg17[%get3A_296, %get3A_297] {strides = array<i32>} : memref<40x128xf32, #tpu.memory_space<vmem>>, vector<1x16xf32>,
        %get3A_299 = vector.shape_cast %get3A_298 : vector<1x16xf32> to vector<16xf32>
        %neg3A_300 = arith.constant 0.000000e+00 : f32
        %neg3A_301 = vector.broadcast %neg3A_300 : f32 to vector<16xf32>
        %neg3A_302 = arith.subf %neg3A_301, %get3A_295 : vector<16xf32>
        %exp3A_303 = math.exp %neg3A_302 : vector<16xf32>
        %add3A_304 = arith.constant 1.000000e+00 : f32
        %add3A_305 = vector.broadcast %add3A_304 : f32 to vector<16xf32>
        %add3A_306 = arith.addf %add3A_305, %exp3A_303 : vector<16xf32>
        %div3A_307 = arith.constant 1.000000e+00 : f32
        %div3A_308 = vector.broadcast %div3A_307 : f32 to vector<16xf32>
        %div3A_309 = arith.divf %div3A_308, %add3A_306 : vector<16xf32>
        %mul3A_310 = arith.mulf %div3A_309, %get3A_299 : vector<16xf32>
        %mul3A_311 = arith.mulf %mul3A_310, %gather3A_119 : vector<16xf32>
        %swap3A_312 = arith.index_cast %scan3A_97 : i32 to index
        %swap3A_313 = arith.constant 112 : index
        %swap3A_314 = tpu.vector_load %arg27[%swap3A_312, %swap3A_313] {strides = array<i32>} : memref<40x128xf32, #tpu.memory_space<vmem>>, vector<1x16xf32>,
        %swap3A_315 = vector.shape_cast %swap3A_314 : vector<1x16xf32> to vector<16xf32>
        %swap3A_316 = vector.shape_cast %mul3A_311 : vector<16xf32> to vector<1x16xf32>
        tpu.vector_store %arg27[%swap3A_312, %swap3A_313], %swap3A_316 {strides = array<i32>} : memref<40x128xf32, #tpu.memory_space<vmem>>, vector<1x16xf32>,
        %scan3A_317 = arith.constant 1 : i32
        %scan3A_318 = arith.addi %scan3A_97, %scan3A_317 : i32
        %jit3A_319 = arith.constant 16 : i32
        %div3A_320 = arith.divsi %scan3A_318, %jit3A_319 : i32
        %sign3A_321 = arith.constant 0 : i32
        %sign3A_322 = arith.cmpi sgt, %scan3A_318, %sign3A_321 : i32
        %sign3A_323 = arith.extui %sign3A_322 : i1 to i32
        %sign3A_324 = arith.constant 0 : i32
        %sign3A_325 = arith.cmpi slt, %scan3A_318, %sign3A_324 : i32
        %sign3A_326 = arith.extui %sign3A_325 : i1 to i32
        %sign3A_327 = arith.subi %sign3A_323, %sign3A_326 : i32
        %sign3A_328 = arith.constant 0 : i32
        %sign3A_329 = arith.cmpi sgt, %jit3A_319, %sign3A_328 : i32
        %sign3A_330 = arith.extui %sign3A_329 : i1 to i32
        %sign3A_331 = arith.constant 0 : i32
        %sign3A_332 = arith.cmpi slt, %jit3A_319, %sign3A_331 : i32
        %sign3A_333 = arith.extui %sign3A_332 : i1 to i32
        %sign3A_334 = arith.subi %sign3A_330, %sign3A_333 : i32
        %ne3A_335 = arith.cmpi ne, %sign3A_327, %sign3A_334 : i32
        %rem3A_336 = arith.remsi %scan3A_318, %jit3A_319 : i32
        %ne3A_337 = arith.constant 0 : i32
        %ne3A_338 = arith.cmpi ne, %rem3A_336, %ne3A_337 : i32
        %and3A_339 = arith.andi %ne3A_335, %ne3A_338 : i1
        %sub3A_340 = arith.constant 1 : i32
        %sub3A_341 = arith.subi %div3A_320, %sub3A_340 : i32
        %select_n3A_342 = arith.select %and3A_339, %sub3A_341, %div3A_320 : i32
        %mul3A_343 = arith.constant 16 : i32
        %mul3A_344 = arith.muli %select_n3A_342, %mul3A_343 : i32
        %get3A_345 = arith.index_cast %mul3A_344 : i32 to index
        %get3A_346 = tpu.vector_load %arg15[%get3A_345] {strides = array<i32>} : memref<40xf32, #tpu.memory_space<vmem>>, vector<16xf32>,
        %get3A_347 = vector.shape_cast %get3A_346 : vector<16xf32> to vector<16xf32>
        %sub3A_348 = arith.subi %scan3A_318, %mul3A_344 : i32
        %broadcast_in_dim3A_349 = vector.broadcast %sub3A_348 : i32 to vector<16x1xi32>
        %gather3A_350 = vector.shape_cast %broadcast_in_dim3A_349 : vector<16x1xi32> to vector<16xi32>
        %gather3A_351 = tpu.dynamic_gather %get3A_347[%gather3A_350] in [0] : vector<16xf32>, vector<16xi32> -> vector<16xf32>
        %get3A_352 = arith.index_cast %scan3A_318 : i32 to index
        %get3A_353 = arith.constant 0 : index
        %get3A_354 = tpu.vector_load %arg16[%get3A_352, %get3A_353] {strides = array<i32>} : memref<40x128xf32, #tpu.memory_space<vmem>>, vector<1x16xf32>,
        %get3A_355 = vector.shape_cast %get3A_354 : vector<1x16xf32> to vector<16xf32>
        %get3A_356 = arith.index_cast %scan3A_318 : i32 to index
        %get3A_357 = arith.constant 0 : index
        %get3A_358 = tpu.vector_load %arg17[%get3A_356, %get3A_357] {strides = array<i32>} : memref<40x128xf32, #tpu.memory_space<vmem>>, vector<1x16xf32>,
        %get3A_359 = vector.shape_cast %get3A_358 : vector<1x16xf32> to vector<16xf32>
        %neg3A_360 = arith.constant 0.000000e+00 : f32
        %neg3A_361 = vector.broadcast %neg3A_360 : f32 to vector<16xf32>
        %neg3A_362 = arith.subf %neg3A_361, %get3A_355 : vector<16xf32>
        %exp3A_363 = math.exp %neg3A_362 : vector<16xf32>
        %add3A_364 = arith.constant 1.000000e+00 : f32
        %add3A_365 = vector.broadcast %add3A_364 : f32 to vector<16xf32>
        %add3A_366 = arith.addf %add3A_365, %exp3A_363 : vector<16xf32>
        %div3A_367 = arith.constant 1.000000e+00 : f32
        %div3A_368 = vector.broadcast %div3A_367 : f32 to vector<16xf32>
        %div3A_369 = arith.divf %div3A_368, %add3A_366 : vector<16xf32>
        %mul3A_370 = arith.mulf %div3A_369, %get3A_359 : vector<16xf32>
        %mul3A_371 = arith.mulf %mul3A_370, %gather3A_351 : vector<16xf32>
        %swap3A_372 = arith.index_cast %scan3A_318 : i32 to index
        %swap3A_373 = arith.constant 0 : index
        %swap3A_374 = tpu.vector_load %arg27[%swap3A_372, %swap3A_373] {strides = array<i32>} : memref<40x128xf32, #tpu.memory_space<vmem>>, vector<1x16xf32>,
        %swap3A_375 = vector.shape_cast %swap3A_374 : vector<1x16xf32> to vector<16xf32>
        %swap3A_376 = vector.shape_cast %mul3A_371 : vector<16xf32> to vector<1x16xf32>
        tpu.vector_store %arg27[%swap3A_372, %swap3A_373], %swap3A_376 {strides = array<i32>} : memref<40x128xf32, #tpu.memory_space<vmem>>, vector<1x16xf32>,
        %get3A_377 = arith.index_cast %scan3A_318 : i32 to index
        %get3A_378 = arith.constant 16 : index
        %get3A_379 = tpu.vector_load %arg16[%get3A_377, %get3A_378] {strides = array<i32>} : memref<40x128xf32, #tpu.memory_space<vmem>>, vector<1x16xf32>,
        %get3A_380 = vector.shape_cast %get3A_379 : vector<1x16xf32> to vector<16xf32>
        %get3A_381 = arith.index_cast %scan3A_318 : i32 to index
        %get3A_382 = arith.constant 16 : index
        %get3A_383 = tpu.vector_load %arg17[%get3A_381, %get3A_382] {strides = array<i32>} : memref<40x128xf32, #tpu.memory_space<vmem>>, vector<1x16xf32>,
        %get3A_384 = vector.shape_cast %get3A_383 : vector<1x16xf32> to vector<16xf32>
        %neg3A_385 = arith.constant 0.000000e+00 : f32
        %neg3A_386 = vector.broadcast %neg3A_385 : f32 to vector<16xf32>
        %neg3A_387 = arith.subf %neg3A_386, %get3A_380 : vector<16xf32>
        %exp3A_388 = math.exp %neg3A_387 : vector<16xf32>
        %add3A_389 = arith.constant 1.000000e+00 : f32
        %add3A_390 = vector.broadcast %add3A_389 : f32 to vector<16xf32>
        %add3A_391 = arith.addf %add3A_390, %exp3A_388 : vector<16xf32>
        %div3A_392 = arith.constant 1.000000e+00 : f32
        %div3A_393 = vector.broadcast %div3A_392 : f32 to vector<16xf32>
        %div3A_394 = arith.divf %div3A_393, %add3A_391 : vector<16xf32>
        %mul3A_395 = arith.mulf %div3A_394, %get3A_384 : vector<16xf32>
        %mul3A_396 = arith.mulf %mul3A_395, %gather3A_351 : vector<16xf32>
        %swap3A_397 = arith.index_cast %scan3A_318 : i32 to index
        %swap3A_398 = arith.constant 16 : index
        %swap3A_399 = tpu.vector_load %arg27[%swap3A_397, %swap3A_398] {strides = array<i32>} : memref<40x128xf32, #tpu.memory_space<vmem>>, vector<1x16xf32>,
        %swap3A_400 = vector.shape_cast %swap3A_399 : vector<1x16xf32> to vector<16xf32>
        %swap3A_401 = vector.shape_cast %mul3A_396 : vector<16xf32> to vector<1x16xf32>
        tpu.vector_store %arg27[%swap3A_397, %swap3A_398], %swap3A_401 {strides = array<i32>} : memref<40x128xf32, #tpu.memory_space<vmem>>, vector<1x16xf32>,
        %get3A_402 = arith.index_cast %scan3A_318 : i32 to index
        %get3A_403 = arith.constant 32 : index
        %get3A_404 = tpu.vector_load %arg16[%get3A_402, %get3A_403] {strides = array<i32>} : memref<40x128xf32, #tpu.memory_space<vmem>>, vector<1x16xf32>,
        %get3A_405 = vector.shape_cast %get3A_404 : vector<1x16xf32> to vector<16xf32>
        %get3A_406 = arith.index_cast %scan3A_318 : i32 to index
        %get3A_407 = arith.constant 32 : index
        %get3A_408 = tpu.vector_load %arg17[%get3A_406, %get3A_407] {strides = array<i32>} : memref<40x128xf32, #tpu.memory_space<vmem>>, vector<1x16xf32>,
        %get3A_409 = vector.shape_cast %get3A_408 : vector<1x16xf32> to vector<16xf32>
        %neg3A_410 = arith.constant 0.000000e+00 : f32
        %neg3A_411 = vector.broadcast %neg3A_410 : f32 to vector<16xf32>
        %neg3A_412 = arith.subf %neg3A_411, %get3A_405 : vector<16xf32>
        %exp3A_413 = math.exp %neg3A_412 : vector<16xf32>
        %add3A_414 = arith.constant 1.000000e+00 : f32
        %add3A_415 = vector.broadcast %add3A_414 : f32 to vector<16xf32>
        %add3A_416 = arith.addf %add3A_415, %exp3A_413 : vector<16xf32>
        %div3A_417 = arith.constant 1.000000e+00 : f32
        %div3A_418 = vector.broadcast %div3A_417 : f32 to vector<16xf32>
        %div3A_419 = arith.divf %div3A_418, %add3A_416 : vector<16xf32>
        %mul3A_420 = arith.mulf %div3A_419, %get3A_409 : vector<16xf32>
        %mul3A_421 = arith.mulf %mul3A_420, %gather3A_351 : vector<16xf32>
        %swap3A_422 = arith.index_cast %scan3A_318 : i32 to index
        %swap3A_423 = arith.constant 32 : index
        %swap3A_424 = tpu.vector_load %arg27[%swap3A_422, %swap3A_423] {strides = array<i32>} : memref<40x128xf32, #tpu.memory_space<vmem>>, vector<1x16xf32>,
        %swap3A_425 = vector.shape_cast %swap3A_424 : vector<1x16xf32> to vector<16xf32>
        %swap3A_426 = vector.shape_cast %mul3A_421 : vector<16xf32> to vector<1x16xf32>
        tpu.vector_store %arg27[%swap3A_422, %swap3A_423], %swap3A_426 {strides = array<i32>} : memref<40x128xf32, #tpu.memory_space<vmem>>, vector<1x16xf32>,
        %get3A_427 = arith.index_cast %scan3A_318 : i32 to index
        %get3A_428 = arith.constant 48 : index
        %get3A_429 = tpu.vector_load %arg16[%get3A_427, %get3A_428] {strides = array<i32>} : memref<40x128xf32, #tpu.memory_space<vmem>>, vector<1x16xf32>,
        %get3A_430 = vector.shape_cast %get3A_429 : vector<1x16xf32> to vector<16xf32>
        %get3A_431 = arith.index_cast %scan3A_318 : i32 to index
        %get3A_432 = arith.constant 48 : index
        %get3A_433 = tpu.vector_load %arg17[%get3A_431, %get3A_432] {strides = array<i32>} : memref<40x128xf32, #tpu.memory_space<vmem>>, vector<1x16xf32>,
        %get3A_434 = vector.shape_cast %get3A_433 : vector<1x16xf32> to vector<16xf32>
        %neg3A_435 = arith.constant 0.000000e+00 : f32
        %neg3A_436 = vector.broadcast %neg3A_435 : f32 to vector<16xf32>
        %neg3A_437 = arith.subf %neg3A_436, %get3A_430 : vector<16xf32>
        %exp3A_438 = math.exp %neg3A_437 : vector<16xf32>
        %add3A_439 = arith.constant 1.000000e+00 : f32
        %add3A_440 = vector.broadcast %add3A_439 : f32 to vector<16xf32>
        %add3A_441 = arith.addf %add3A_440, %exp3A_438 : vector<16xf32>
        %div3A_442 = arith.constant 1.000000e+00 : f32
        %div3A_443 = vector.broadcast %div3A_442 : f32 to vector<16xf32>
        %div3A_444 = arith.divf %div3A_443, %add3A_441 : vector<16xf32>
        %mul3A_445 = arith.mulf %div3A_444, %get3A_434 : vector<16xf32>
        %mul3A_446 = arith.mulf %mul3A_445, %gather3A_351 : vector<16xf32>
        %swap3A_447 = arith.index_cast %scan3A_318 : i32 to index
        %swap3A_448 = arith.constant 48 : index
        %swap3A_449 = tpu.vector_load %arg27[%swap3A_447, %swap3A_448] {strides = array<i32>} : memref<40x128xf32, #tpu.memory_space<vmem>>, vector<1x16xf32>,
        %swap3A_450 = vector.shape_cast %swap3A_449 : vector<1x16xf32> to vector<16xf32>
        %swap3A_451 = vector.shape_cast %mul3A_446 : vector<16xf32> to vector<1x16xf32>
        tpu.vector_store %arg27[%swap3A_447, %swap3A_448], %swap3A_451 {strides = array<i32>} : memref<40x128xf32, #tpu.memory_space<vmem>>, vector<1x16xf32>,
        %get3A_452 = arith.index_cast %scan3A_318 : i32 to index
        %get3A_453 = arith.constant 64 : index
        %get3A_454 = tpu.vector_load %arg16[%get3A_452, %get3A_453] {strides = array<i32>} : memref<40x128xf32, #tpu.memory_space<vmem>>, vector<1x16xf32>,
        %get3A_455 = vector.shape_cast %get3A_454 : vector<1x16xf32> to vector<16xf32>
        %get3A_456 = arith.index_cast %scan3A_318 : i32 to index
        %get3A_457 = arith.constant 64 : index
        %get3A_458 = tpu.vector_load %arg17[%get3A_456, %get3A_457] {strides = array<i32>} : memref<40x128xf32, #tpu.memory_space<vmem>>, vector<1x16xf32>,
        %get3A_459 = vector.shape_cast %get3A_458 : vector<1x16xf32> to vector<16xf32>
        %neg3A_460 = arith.constant 0.000000e+00 : f32
        %neg3A_461 = vector.broadcast %neg3A_460 : f32 to vector<16xf32>
        %neg3A_462 = arith.subf %neg3A_461, %get3A_455 : vector<16xf32>
        %exp3A_463 = math.exp %neg3A_462 : vector<16xf32>
        %add3A_464 = arith.constant 1.000000e+00 : f32
        %add3A_465 = vector.broadcast %add3A_464 : f32 to vector<16xf32>
        %add3A_466 = arith.addf %add3A_465, %exp3A_463 : vector<16xf32>
        %div3A_467 = arith.constant 1.000000e+00 : f32
        %div3A_468 = vector.broadcast %div3A_467 : f32 to vector<16xf32>
        %div3A_469 = arith.divf %div3A_468, %add3A_466 : vector<16xf32>
        %mul3A_470 = arith.mulf %div3A_469, %get3A_459 : vector<16xf32>
        %mul3A_471 = arith.mulf %mul3A_470, %gather3A_351 : vector<16xf32>
        %swap3A_472 = arith.index_cast %scan3A_318 : i32 to index
        %swap3A_473 = arith.constant 64 : index
        %swap3A_474 = tpu.vector_load %arg27[%swap3A_472, %swap3A_473] {strides = array<i32>} : memref<40x128xf32, #tpu.memory_space<vmem>>, vector<1x16xf32>,
        %swap3A_475 = vector.shape_cast %swap3A_474 : vector<1x16xf32> to vector<16xf32>
        %swap3A_476 = vector.shape_cast %mul3A_471 : vector<16xf32> to vector<1x16xf32>
        tpu.vector_store %arg27[%swap3A_472, %swap3A_473], %swap3A_476 {strides = array<i32>} : memref<40x128xf32, #tpu.memory_space<vmem>>, vector<1x16xf32>,
        %get3A_477 = arith.index_cast %scan3A_318 : i32 to index
        %get3A_478 = arith.constant 80 : index
        %get3A_479 = tpu.vector_load %arg16[%get3A_477, %get3A_478] {strides = array<i32>} : memref<40x128xf32, #tpu.memory_space<vmem>>, vector<1x16xf32>,
        %get3A_480 = vector.shape_cast %get3A_479 : vector<1x16xf32> to vector<16xf32>
        %get3A_481 = arith.index_cast %scan3A_318 : i32 to index
        %get3A_482 = arith.constant 80 : index
        %get3A_483 = tpu.vector_load %arg17[%get3A_481, %get3A_482] {strides = array<i32>} : memref<40x128xf32, #tpu.memory_space<vmem>>, vector<1x16xf32>,
        %get3A_484 = vector.shape_cast %get3A_483 : vector<1x16xf32> to vector<16xf32>
        %neg3A_485 = arith.constant 0.000000e+00 : f32
        %neg3A_486 = vector.broadcast %neg3A_485 : f32 to vector<16xf32>
        %neg3A_487 = arith.subf %neg3A_486, %get3A_480 : vector<16xf32>
        %exp3A_488 = math.exp %neg3A_487 : vector<16xf32>
        %add3A_489 = arith.constant 1.000000e+00 : f32
        %add3A_490 = vector.broadcast %add3A_489 : f32 to vector<16xf32>
        %add3A_491 = arith.addf %add3A_490, %exp3A_488 : vector<16xf32>
        %div3A_492 = arith.constant 1.000000e+00 : f32
        %div3A_493 = vector.broadcast %div3A_492 : f32 to vector<16xf32>
        %div3A_494 = arith.divf %div3A_493, %add3A_491 : vector<16xf32>
        %mul3A_495 = arith.mulf %div3A_494, %get3A_484 : vector<16xf32>
        %mul3A_496 = arith.mulf %mul3A_495, %gather3A_351 : vector<16xf32>
        %swap3A_497 = arith.index_cast %scan3A_318 : i32 to index
        %swap3A_498 = arith.constant 80 : index
        %swap3A_499 = tpu.vector_load %arg27[%swap3A_497, %swap3A_498] {strides = array<i32>} : memref<40x128xf32, #tpu.memory_space<vmem>>, vector<1x16xf32>,
        %swap3A_500 = vector.shape_cast %swap3A_499 : vector<1x16xf32> to vector<16xf32>
        %swap3A_501 = vector.shape_cast %mul3A_496 : vector<16xf32> to vector<1x16xf32>
        tpu.vector_store %arg27[%swap3A_497, %swap3A_498], %swap3A_501 {strides = array<i32>} : memref<40x128xf32, #tpu.memory_space<vmem>>, vector<1x16xf32>,
        %get3A_502 = arith.index_cast %scan3A_318 : i32 to index
        %get3A_503 = arith.constant 96 : index
        %get3A_504 = tpu.vector_load %arg16[%get3A_502, %get3A_503] {strides = array<i32>} : memref<40x128xf32, #tpu.memory_space<vmem>>, vector<1x16xf32>,
        %get3A_505 = vector.shape_cast %get3A_504 : vector<1x16xf32> to vector<16xf32>
        %get3A_506 = arith.index_cast %scan3A_318 : i32 to index
        %get3A_507 = arith.constant 96 : index
        %get3A_508 = tpu.vector_load %arg17[%get3A_506, %get3A_507] {strides = array<i32>} : memref<40x128xf32, #tpu.memory_space<vmem>>, vector<1x16xf32>,
        %get3A_509 = vector.shape_cast %get3A_508 : vector<1x16xf32> to vector<16xf32>
        %neg3A_510 = arith.constant 0.000000e+00 : f32
        %neg3A_511 = vector.broadcast %neg3A_510 : f32 to vector<16xf32>
        %neg3A_512 = arith.subf %neg3A_511, %get3A_505 : vector<16xf32>
        %exp3A_513 = math.exp %neg3A_512 : vector<16xf32>
        %add3A_514 = arith.constant 1.000000e+00 : f32
        %add3A_515 = vector.broadcast %add3A_514 : f32 to vector<16xf32>
        %add3A_516 = arith.addf %add3A_515, %exp3A_513 : vector<16xf32>
        %div3A_517 = arith.constant 1.000000e+00 : f32
        %div3A_518 = vector.broadcast %div3A_517 : f32 to vector<16xf32>
        %div3A_519 = arith.divf %div3A_518, %add3A_516 : vector<16xf32>
        %mul3A_520 = arith.mulf %div3A_519, %get3A_509 : vector<16xf32>
        %mul3A_521 = arith.mulf %mul3A_520, %gather3A_351 : vector<16xf32>
        %swap3A_522 = arith.index_cast %scan3A_318 : i32 to index
        %swap3A_523 = arith.constant 96 : index
        %swap3A_524 = tpu.vector_load %arg27[%swap3A_522, %swap3A_523] {strides = array<i32>} : memref<40x128xf32, #tpu.memory_space<vmem>>, vector<1x16xf32>,
        %swap3A_525 = vector.shape_cast %swap3A_524 : vector<1x16xf32> to vector<16xf32>
        %swap3A_526 = vector.shape_cast %mul3A_521 : vector<16xf32> to vector<1x16xf32>
        tpu.vector_store %arg27[%swap3A_522, %swap3A_523], %swap3A_526 {strides = array<i32>} : memref<40x128xf32, #tpu.memory_space<vmem>>, vector<1x16xf32>,
        %get3A_527 = arith.index_cast %scan3A_318 : i32 to index
        %get3A_528 = arith.constant 112 : index
        %get3A_529 = tpu.vector_load %arg16[%get3A_527, %get3A_528] {strides = array<i32>} : memref<40x128xf32, #tpu.memory_space<vmem>>, vector<1x16xf32>,
        %get3A_530 = vector.shape_cast %get3A_529 : vector<1x16xf32> to vector<16xf32>
        %get3A_531 = arith.index_cast %scan3A_318 : i32 to index
        %get3A_532 = arith.constant 112 : index
        %get3A_533 = tpu.vector_load %arg17[%get3A_531, %get3A_532] {strides = array<i32>} : memref<40x128xf32, #tpu.memory_space<vmem>>, vector<1x16xf32>,
        %get3A_534 = vector.shape_cast %get3A_533 : vector<1x16xf32> to vector<16xf32>
        %neg3A_535 = arith.constant 0.000000e+00 : f32
        %neg3A_536 = vector.broadcast %neg3A_535 : f32 to vector<16xf32>
        %neg3A_537 = arith.subf %neg3A_536, %get3A_530 : vector<16xf32>
        %exp3A_538 = math.exp %neg3A_537 : vector<16xf32>
        %add3A_539 = arith.constant 1.000000e+00 : f32
        %add3A_540 = vector.broadcast %add3A_539 : f32 to vector<16xf32>
        %add3A_541 = arith.addf %add3A_540, %exp3A_538 : vector<16xf32>
        %div3A_542 = arith.constant 1.000000e+00 : f32
        %div3A_543 = vector.broadcast %div3A_542 : f32 to vector<16xf32>
        %div3A_544 = arith.divf %div3A_543, %add3A_541 : vector<16xf32>
        %mul3A_545 = arith.mulf %div3A_544, %get3A_534 : vector<16xf32>
        %mul3A_546 = arith.mulf %mul3A_545, %gather3A_351 : vector<16xf32>
        %swap3A_547 = arith.index_cast %scan3A_318 : i32 to index
        %swap3A_548 = arith.constant 112 : index
        %swap3A_549 = tpu.vector_load %arg27[%swap3A_547, %swap3A_548] {strides = array<i32>} : memref<40x128xf32, #tpu.memory_space<vmem>>, vector<1x16xf32>,
        %swap3A_550 = vector.shape_cast %swap3A_549 : vector<1x16xf32> to vector<16xf32>
        %swap3A_551 = vector.shape_cast %mul3A_546 : vector<16xf32> to vector<1x16xf32>
        tpu.vector_store %arg27[%swap3A_547, %swap3A_548], %swap3A_551 {strides = array<i32>} : memref<40x128xf32, #tpu.memory_space<vmem>>, vector<1x16xf32>,
        %scan3A_552 = arith.constant 2 : i32
        %scan3A_553 = arith.addi %scan3A_97, %scan3A_552 : i32
        %jit3A_554 = arith.constant 16 : i32
        %div3A_555 = arith.divsi %scan3A_553, %jit3A_554 : i32
        %sign3A_556 = arith.constant 0 : i32
        %sign3A_557 = arith.cmpi sgt, %scan3A_553, %sign3A_556 : i32
        %sign3A_558 = arith.extui %sign3A_557 : i1 to i32
        %sign3A_559 = arith.constant 0 : i32
        %sign3A_560 = arith.cmpi slt, %scan3A_553, %sign3A_559 : i32
        %sign3A_561 = arith.extui %sign3A_560 : i1 to i32
        %sign3A_562 = arith.subi %sign3A_558, %sign3A_561 : i32
        %sign3A_563 = arith.constant 0 : i32
        %sign3A_564 = arith.cmpi sgt, %jit3A_554, %sign3A_563 : i32
        %sign3A_565 = arith.extui %sign3A_564 : i1 to i32
        %sign3A_566 = arith.constant 0 : i32
        %sign3A_567 = arith.cmpi slt, %jit3A_554, %sign3A_566 : i32
        %sign3A_568 = arith.extui %sign3A_567 : i1 to i32
        %sign3A_569 = arith.subi %sign3A_565, %sign3A_568 : i32
        %ne3A_570 = arith.cmpi ne, %sign3A_562, %sign3A_569 : i32
        %rem3A_571 = arith.remsi %scan3A_553, %jit3A_554 : i32
        %ne3A_572 = arith.constant 0 : i32
        %ne3A_573 = arith.cmpi ne, %rem3A_571, %ne3A_572 : i32
        %and3A_574 = arith.andi %ne3A_570, %ne3A_573 : i1
        %sub3A_575 = arith.constant 1 : i32
        %sub3A_576 = arith.subi %div3A_555, %sub3A_575 : i32
        %select_n3A_577 = arith.select %and3A_574, %sub3A_576, %div3A_555 : i32
        %mul3A_578 = arith.constant 16 : i32
        %mul3A_579 = arith.muli %select_n3A_577, %mul3A_578 : i32
        %get3A_580 = arith.index_cast %mul3A_579 : i32 to index
        %get3A_581 = tpu.vector_load %arg15[%get3A_580] {strides = array<i32>} : memref<40xf32, #tpu.memory_space<vmem>>, vector<16xf32>,
        %get3A_582 = vector.shape_cast %get3A_581 : vector<16xf32> to vector<16xf32>
        %sub3A_583 = arith.subi %scan3A_553, %mul3A_579 : i32
        %broadcast_in_dim3A_584 = vector.broadcast %sub3A_583 : i32 to vector<16x1xi32>
        %gather3A_585 = vector.shape_cast %broadcast_in_dim3A_584 : vector<16x1xi32> to vector<16xi32>
        %gather3A_586 = tpu.dynamic_gather %get3A_582[%gather3A_585] in [0] : vector<16xf32>, vector<16xi32> -> vector<16xf32>
        %get3A_587 = arith.index_cast %scan3A_553 : i32 to index
        %get3A_588 = arith.constant 0 : index
        %get3A_589 = tpu.vector_load %arg16[%get3A_587, %get3A_588] {strides = array<i32>} : memref<40x128xf32, #tpu.memory_space<vmem>>, vector<1x16xf32>,
        %get3A_590 = vector.shape_cast %get3A_589 : vector<1x16xf32> to vector<16xf32>
        %get3A_591 = arith.index_cast %scan3A_553 : i32 to index
        %get3A_592 = arith.constant 0 : index
        %get3A_593 = tpu.vector_load %arg17[%get3A_591, %get3A_592] {strides = array<i32>} : memref<40x128xf32, #tpu.memory_space<vmem>>, vector<1x16xf32>,
        %get3A_594 = vector.shape_cast %get3A_593 : vector<1x16xf32> to vector<16xf32>
        %neg3A_595 = arith.constant 0.000000e+00 : f32
        %neg3A_596 = vector.broadcast %neg3A_595 : f32 to vector<16xf32>
        %neg3A_597 = arith.subf %neg3A_596, %get3A_590 : vector<16xf32>
        %exp3A_598 = math.exp %neg3A_597 : vector<16xf32>
        %add3A_599 = arith.constant 1.000000e+00 : f32
        %add3A_600 = vector.broadcast %add3A_599 : f32 to vector<16xf32>
        %add3A_601 = arith.addf %add3A_600, %exp3A_598 : vector<16xf32>
        %div3A_602 = arith.constant 1.000000e+00 : f32
        %div3A_603 = vector.broadcast %div3A_602 : f32 to vector<16xf32>
        %div3A_604 = arith.divf %div3A_603, %add3A_601 : vector<16xf32>
        %mul3A_605 = arith.mulf %div3A_604, %get3A_594 : vector<16xf32>
        %mul3A_606 = arith.mulf %mul3A_605, %gather3A_586 : vector<16xf32>
        %swap3A_607 = arith.index_cast %scan3A_553 : i32 to index
        %swap3A_608 = arith.constant 0 : index
        %swap3A_609 = tpu.vector_load %arg27[%swap3A_607, %swap3A_608] {strides = array<i32>} : memref<40x128xf32, #tpu.memory_space<vmem>>, vector<1x16xf32>,
        %swap3A_610 = vector.shape_cast %swap3A_609 : vector<1x16xf32> to vector<16xf32>
        %swap3A_611 = vector.shape_cast %mul3A_606 : vector<16xf32> to vector<1x16xf32>
        tpu.vector_store %arg27[%swap3A_607, %swap3A_608], %swap3A_611 {strides = array<i32>} : memref<40x128xf32, #tpu.memory_space<vmem>>, vector<1x16xf32>,
        %get3A_612 = arith.index_cast %scan3A_553 : i32 to index
        %get3A_613 = arith.constant 16 : index
        %get3A_614 = tpu.vector_load %arg16[%get3A_612, %get3A_613] {strides = array<i32>} : memref<40x128xf32, #tpu.memory_space<vmem>>, vector<1x16xf32>,
        %get3A_615 = vector.shape_cast %get3A_614 : vector<1x16xf32> to vector<16xf32>
        %get3A_616 = arith.index_cast %scan3A_553 : i32 to index
        %get3A_617 = arith.constant 16 : index
        %get3A_618 = tpu.vector_load %arg17[%get3A_616, %get3A_617] {strides = array<i32>} : memref<40x128xf32, #tpu.memory_space<vmem>>, vector<1x16xf32>,
        %get3A_619 = vector.shape_cast %get3A_618 : vector<1x16xf32> to vector<16xf32>
        %neg3A_620 = arith.constant 0.000000e+00 : f32
        %neg3A_621 = vector.broadcast %neg3A_620 : f32 to vector<16xf32>
        %neg3A_622 = arith.subf %neg3A_621, %get3A_615 : vector<16xf32>
        %exp3A_623 = math.exp %neg3A_622 : vector<16xf32>
        %add3A_624 = arith.constant 1.000000e+00 : f32
        %add3A_625 = vector.broadcast %add3A_624 : f32 to vector<16xf32>
        %add3A_626 = arith.addf %add3A_625, %exp3A_623 : vector<16xf32>
        %div3A_627 = arith.constant 1.000000e+00 : f32
        %div3A_628 = vector.broadcast %div3A_627 : f32 to vector<16xf32>
        %div3A_629 = arith.divf %div3A_628, %add3A_626 : vector<16xf32>
        %mul3A_630 = arith.mulf %div3A_629, %get3A_619 : vector<16xf32>
        %mul3A_631 = arith.mulf %mul3A_630, %gather3A_586 : vector<16xf32>
        %swap3A_632 = arith.index_cast %scan3A_553 : i32 to index
        %swap3A_633 = arith.constant 16 : index
        %swap3A_634 = tpu.vector_load %arg27[%swap3A_632, %swap3A_633] {strides = array<i32>} : memref<40x128xf32, #tpu.memory_space<vmem>>, vector<1x16xf32>,
        %swap3A_635 = vector.shape_cast %swap3A_634 : vector<1x16xf32> to vector<16xf32>
        %swap3A_636 = vector.shape_cast %mul3A_631 : vector<16xf32> to vector<1x16xf32>
        tpu.vector_store %arg27[%swap3A_632, %swap3A_633], %swap3A_636 {strides = array<i32>} : memref<40x128xf32, #tpu.memory_space<vmem>>, vector<1x16xf32>,
        %get3A_637 = arith.index_cast %scan3A_553 : i32 to index
        %get3A_638 = arith.constant 32 : index
        %get3A_639 = tpu.vector_load %arg16[%get3A_637, %get3A_638] {strides = array<i32>} : memref<40x128xf32, #tpu.memory_space<vmem>>, vector<1x16xf32>,
        %get3A_640 = vector.shape_cast %get3A_639 : vector<1x16xf32> to vector<16xf32>
        %get3A_641 = arith.index_cast %scan3A_553 : i32 to index
        %get3A_642 = arith.constant 32 : index
        %get3A_643 = tpu.vector_load %arg17[%get3A_641, %get3A_642] {strides = array<i32>} : memref<40x128xf32, #tpu.memory_space<vmem>>, vector<1x16xf32>,
        %get3A_644 = vector.shape_cast %get3A_643 : vector<1x16xf32> to vector<16xf32>
        %neg3A_645 = arith.constant 0.000000e+00 : f32
        %neg3A_646 = vector.broadcast %neg3A_645 : f32 to vector<16xf32>
        %neg3A_647 = arith.subf %neg3A_646, %get3A_640 : vector<16xf32>
        %exp3A_648 = math.exp %neg3A_647 : vector<16xf32>
        %add3A_649 = arith.constant 1.000000e+00 : f32
        %add3A_650 = vector.broadcast %add3A_649 : f32 to vector<16xf32>
        %add3A_651 = arith.addf %add3A_650, %exp3A_648 : vector<16xf32>
        %div3A_652 = arith.constant 1.000000e+00 : f32
        %div3A_653 = vector.broadcast %div3A_652 : f32 to vector<16xf32>
        %div3A_654 = arith.divf %div3A_653, %add3A_651 : vector<16xf32>
        %mul3A_655 = arith.mulf %div3A_654, %get3A_644 : vector<16xf32>
        %mul3A_656 = arith.mulf %mul3A_655, %gather3A_586 : vector<16xf32>
        %swap3A_657 = arith.index_cast %scan3A_553 : i32 to index
        %swap3A_658 = arith.constant 32 : index
        %swap3A_659 = tpu.vector_load %arg27[%swap3A_657, %swap3A_658] {strides = array<i32>} : memref<40x128xf32, #tpu.memory_space<vmem>>, vector<1x16xf32>,
        %swap3A_660 = vector.shape_cast %swap3A_659 : vector<1x16xf32> to vector<16xf32>
        %swap3A_661 = vector.shape_cast %mul3A_656 : vector<16xf32> to vector<1x16xf32>
        tpu.vector_store %arg27[%swap3A_657, %swap3A_658], %swap3A_661 {strides = array<i32>} : memref<40x128xf32, #tpu.memory_space<vmem>>, vector<1x16xf32>,
        %get3A_662 = arith.index_cast %scan3A_553 : i32 to index
        %get3A_663 = arith.constant 48 : index
        %get3A_664 = tpu.vector_load %arg16[%get3A_662, %get3A_663] {strides = array<i32>} : memref<40x128xf32, #tpu.memory_space<vmem>>, vector<1x16xf32>,
        %get3A_665 = vector.shape_cast %get3A_664 : vector<1x16xf32> to vector<16xf32>
        %get3A_666 = arith.index_cast %scan3A_553 : i32 to index
        %get3A_667 = arith.constant 48 : index
        %get3A_668 = tpu.vector_load %arg17[%get3A_666, %get3A_667] {strides = array<i32>} : memref<40x128xf32, #tpu.memory_space<vmem>>, vector<1x16xf32>,
        %get3A_669 = vector.shape_cast %get3A_668 : vector<1x16xf32> to vector<16xf32>
        %neg3A_670 = arith.constant 0.000000e+00 : f32
        %neg3A_671 = vector.broadcast %neg3A_670 : f32 to vector<16xf32>
        %neg3A_672 = arith.subf %neg3A_671, %get3A_665 : vector<16xf32>
        %exp3A_673 = math.exp %neg3A_672 : vector<16xf32>
        %add3A_674 = arith.constant 1.000000e+00 : f32
        %add3A_675 = vector.broadcast %add3A_674 : f32 to vector<16xf32>
        %add3A_676 = arith.addf %add3A_675, %exp3A_673 : vector<16xf32>
        %div3A_677 = arith.constant 1.000000e+00 : f32
        %div3A_678 = vector.broadcast %div3A_677 : f32 to vector<16xf32>
        %div3A_679 = arith.divf %div3A_678, %add3A_676 : vector<16xf32>
        %mul3A_680 = arith.mulf %div3A_679, %get3A_669 : vector<16xf32>
        %mul3A_681 = arith.mulf %mul3A_680, %gather3A_586 : vector<16xf32>
        %swap3A_682 = arith.index_cast %scan3A_553 : i32 to index
        %swap3A_683 = arith.constant 48 : index
        %swap3A_684 = tpu.vector_load %arg27[%swap3A_682, %swap3A_683] {strides = array<i32>} : memref<40x128xf32, #tpu.memory_space<vmem>>, vector<1x16xf32>,
        %swap3A_685 = vector.shape_cast %swap3A_684 : vector<1x16xf32> to vector<16xf32>
        %swap3A_686 = vector.shape_cast %mul3A_681 : vector<16xf32> to vector<1x16xf32>
        tpu.vector_store %arg27[%swap3A_682, %swap3A_683], %swap3A_686 {strides = array<i32>} : memref<40x128xf32, #tpu.memory_space<vmem>>, vector<1x16xf32>,
        %get3A_687 = arith.index_cast %scan3A_553 : i32 to index
        %get3A_688 = arith.constant 64 : index
        %get3A_689 = tpu.vector_load %arg16[%get3A_687, %get3A_688] {strides = array<i32>} : memref<40x128xf32, #tpu.memory_space<vmem>>, vector<1x16xf32>,
        %get3A_690 = vector.shape_cast %get3A_689 : vector<1x16xf32> to vector<16xf32>
        %get3A_691 = arith.index_cast %scan3A_553 : i32 to index
        %get3A_692 = arith.constant 64 : index
        %get3A_693 = tpu.vector_load %arg17[%get3A_691, %get3A_692] {strides = array<i32>} : memref<40x128xf32, #tpu.memory_space<vmem>>, vector<1x16xf32>,
        %get3A_694 = vector.shape_cast %get3A_693 : vector<1x16xf32> to vector<16xf32>
        %neg3A_695 = arith.constant 0.000000e+00 : f32
        %neg3A_696 = vector.broadcast %neg3A_695 : f32 to vector<16xf32>
        %neg3A_697 = arith.subf %neg3A_696, %get3A_690 : vector<16xf32>
        %exp3A_698 = math.exp %neg3A_697 : vector<16xf32>
        %add3A_699 = arith.constant 1.000000e+00 : f32
        %add3A_700 = vector.broadcast %add3A_699 : f32 to vector<16xf32>
        %add3A_701 = arith.addf %add3A_700, %exp3A_698 : vector<16xf32>
        %div3A_702 = arith.constant 1.000000e+00 : f32
        %div3A_703 = vector.broadcast %div3A_702 : f32 to vector<16xf32>
        %div3A_704 = arith.divf %div3A_703, %add3A_701 : vector<16xf32>
        %mul3A_705 = arith.mulf %div3A_704, %get3A_694 : vector<16xf32>
        %mul3A_706 = arith.mulf %mul3A_705, %gather3A_586 : vector<16xf32>
        %swap3A_707 = arith.index_cast %scan3A_553 : i32 to index
        %swap3A_708 = arith.constant 64 : index
        %swap3A_709 = tpu.vector_load %arg27[%swap3A_707, %swap3A_708] {strides = array<i32>} : memref<40x128xf32, #tpu.memory_space<vmem>>, vector<1x16xf32>,
        %swap3A_710 = vector.shape_cast %swap3A_709 : vector<1x16xf32> to vector<16xf32>
        %swap3A_711 = vector.shape_cast %mul3A_706 : vector<16xf32> to vector<1x16xf32>
        tpu.vector_store %arg27[%swap3A_707, %swap3A_708], %swap3A_711 {strides = array<i32>} : memref<40x128xf32, #tpu.memory_space<vmem>>, vector<1x16xf32>,
        %get3A_712 = arith.index_cast %scan3A_553 : i32 to index
        %get3A_713 = arith.constant 80 : index
        %get3A_714 = tpu.vector_load %arg16[%get3A_712, %get3A_713] {strides = array<i32>} : memref<40x128xf32, #tpu.memory_space<vmem>>, vector<1x16xf32>,
        %get3A_715 = vector.shape_cast %get3A_714 : vector<1x16xf32> to vector<16xf32>
        %get3A_716 = arith.index_cast %scan3A_553 : i32 to index
        %get3A_717 = arith.constant 80 : index
        %get3A_718 = tpu.vector_load %arg17[%get3A_716, %get3A_717] {strides = array<i32>} : memref<40x128xf32, #tpu.memory_space<vmem>>, vector<1x16xf32>,
        %get3A_719 = vector.shape_cast %get3A_718 : vector<1x16xf32> to vector<16xf32>
        %neg3A_720 = arith.constant 0.000000e+00 : f32
        %neg3A_721 = vector.broadcast %neg3A_720 : f32 to vector<16xf32>
        %neg3A_722 = arith.subf %neg3A_721, %get3A_715 : vector<16xf32>
        %exp3A_723 = math.exp %neg3A_722 : vector<16xf32>
        %add3A_724 = arith.constant 1.000000e+00 : f32
        %add3A_725 = vector.broadcast %add3A_724 : f32 to vector<16xf32>
        %add3A_726 = arith.addf %add3A_725, %exp3A_723 : vector<16xf32>
        %div3A_727 = arith.constant 1.000000e+00 : f32
        %div3A_728 = vector.broadcast %div3A_727 : f32 to vector<16xf32>
        %div3A_729 = arith.divf %div3A_728, %add3A_726 : vector<16xf32>
        %mul3A_730 = arith.mulf %div3A_729, %get3A_719 : vector<16xf32>
        %mul3A_731 = arith.mulf %mul3A_730, %gather3A_586 : vector<16xf32>
        %swap3A_732 = arith.index_cast %scan3A_553 : i32 to index
        %swap3A_733 = arith.constant 80 : index
        %swap3A_734 = tpu.vector_load %arg27[%swap3A_732, %swap3A_733] {strides = array<i32>} : memref<40x128xf32, #tpu.memory_space<vmem>>, vector<1x16xf32>,
        %swap3A_735 = vector.shape_cast %swap3A_734 : vector<1x16xf32> to vector<16xf32>
        %swap3A_736 = vector.shape_cast %mul3A_731 : vector<16xf32> to vector<1x16xf32>
        tpu.vector_store %arg27[%swap3A_732, %swap3A_733], %swap3A_736 {strides = array<i32>} : memref<40x128xf32, #tpu.memory_space<vmem>>, vector<1x16xf32>,
        %get3A_737 = arith.index_cast %scan3A_553 : i32 to index
        %get3A_738 = arith.constant 96 : index
        %get3A_739 = tpu.vector_load %arg16[%get3A_737, %get3A_738] {strides = array<i32>} : memref<40x128xf32, #tpu.memory_space<vmem>>, vector<1x16xf32>,
        %get3A_740 = vector.shape_cast %get3A_739 : vector<1x16xf32> to vector<16xf32>
        %get3A_741 = arith.index_cast %scan3A_553 : i32 to index
        %get3A_742 = arith.constant 96 : index
        %get3A_743 = tpu.vector_load %arg17[%get3A_741, %get3A_742] {strides = array<i32>} : memref<40x128xf32, #tpu.memory_space<vmem>>, vector<1x16xf32>,
        %get3A_744 = vector.shape_cast %get3A_743 : vector<1x16xf32> to vector<16xf32>
        %neg3A_745 = arith.constant 0.000000e+00 : f32
        %neg3A_746 = vector.broadcast %neg3A_745 : f32 to vector<16xf32>
        %neg3A_747 = arith.subf %neg3A_746, %get3A_740 : vector<16xf32>
        %exp3A_748 = math.exp %neg3A_747 : vector<16xf32>
        %add3A_749 = arith.constant 1.000000e+00 : f32
        %add3A_750 = vector.broadcast %add3A_749 : f32 to vector<16xf32>
        %add3A_751 = arith.addf %add3A_750, %exp3A_748 : vector<16xf32>
        %div3A_752 = arith.constant 1.000000e+00 : f32
        %div3A_753 = vector.broadcast %div3A_752 : f32 to vector<16xf32>
        %div3A_754 = arith.divf %div3A_753, %add3A_751 : vector<16xf32>
        %mul3A_755 = arith.mulf %div3A_754, %get3A_744 : vector<16xf32>
        %mul3A_756 = arith.mulf %mul3A_755, %gather3A_586 : vector<16xf32>
        %swap3A_757 = arith.index_cast %scan3A_553 : i32 to index
        %swap3A_758 = arith.constant 96 : index
        %swap3A_759 = tpu.vector_load %arg27[%swap3A_757, %swap3A_758] {strides = array<i32>} : memref<40x128xf32, #tpu.memory_space<vmem>>, vector<1x16xf32>,
        %swap3A_760 = vector.shape_cast %swap3A_759 : vector<1x16xf32> to vector<16xf32>
        %swap3A_761 = vector.shape_cast %mul3A_756 : vector<16xf32> to vector<1x16xf32>
        tpu.vector_store %arg27[%swap3A_757, %swap3A_758], %swap3A_761 {strides = array<i32>} : memref<40x128xf32, #tpu.memory_space<vmem>>, vector<1x16xf32>,
        %get3A_762 = arith.index_cast %scan3A_553 : i32 to index
        %get3A_763 = arith.constant 112 : index
        %get3A_764 = tpu.vector_load %arg16[%get3A_762, %get3A_763] {strides = array<i32>} : memref<40x128xf32, #tpu.memory_space<vmem>>, vector<1x16xf32>,
        %get3A_765 = vector.shape_cast %get3A_764 : vector<1x16xf32> to vector<16xf32>
        %get3A_766 = arith.index_cast %scan3A_553 : i32 to index
        %get3A_767 = arith.constant 112 : index
        %get3A_768 = tpu.vector_load %arg17[%get3A_766, %get3A_767] {strides = array<i32>} : memref<40x128xf32, #tpu.memory_space<vmem>>, vector<1x16xf32>,
        %get3A_769 = vector.shape_cast %get3A_768 : vector<1x16xf32> to vector<16xf32>
        %neg3A_770 = arith.constant 0.000000e+00 : f32
        %neg3A_771 = vector.broadcast %neg3A_770 : f32 to vector<16xf32>
        %neg3A_772 = arith.subf %neg3A_771, %get3A_765 : vector<16xf32>
        %exp3A_773 = math.exp %neg3A_772 : vector<16xf32>
        %add3A_774 = arith.constant 1.000000e+00 : f32
        %add3A_775 = vector.broadcast %add3A_774 : f32 to vector<16xf32>
        %add3A_776 = arith.addf %add3A_775, %exp3A_773 : vector<16xf32>
        %div3A_777 = arith.constant 1.000000e+00 : f32
        %div3A_778 = vector.broadcast %div3A_777 : f32 to vector<16xf32>
        %div3A_779 = arith.divf %div3A_778, %add3A_776 : vector<16xf32>
        %mul3A_780 = arith.mulf %div3A_779, %get3A_769 : vector<16xf32>
        %mul3A_781 = arith.mulf %mul3A_780, %gather3A_586 : vector<16xf32>
        %swap3A_782 = arith.index_cast %scan3A_553 : i32 to index
        %swap3A_783 = arith.constant 112 : index
        %swap3A_784 = tpu.vector_load %arg27[%swap3A_782, %swap3A_783] {strides = array<i32>} : memref<40x128xf32, #tpu.memory_space<vmem>>, vector<1x16xf32>,
        %swap3A_785 = vector.shape_cast %swap3A_784 : vector<1x16xf32> to vector<16xf32>
        %swap3A_786 = vector.shape_cast %mul3A_781 : vector<16xf32> to vector<1x16xf32>
        tpu.vector_store %arg27[%swap3A_782, %swap3A_783], %swap3A_786 {strides = array<i32>} : memref<40x128xf32, #tpu.memory_space<vmem>>, vector<1x16xf32>,
        %scan3A_787 = arith.constant 3 : i32
        %scan3A_788 = arith.addi %scan3A_97, %scan3A_787 : i32
        %jit3A_789 = arith.constant 16 : i32
        %div3A_790 = arith.divsi %scan3A_788, %jit3A_789 : i32
        %sign3A_791 = arith.constant 0 : i32
        %sign3A_792 = arith.cmpi sgt, %scan3A_788, %sign3A_791 : i32
        %sign3A_793 = arith.extui %sign3A_792 : i1 to i32
        %sign3A_794 = arith.constant 0 : i32
        %sign3A_795 = arith.cmpi slt, %scan3A_788, %sign3A_794 : i32
        %sign3A_796 = arith.extui %sign3A_795 : i1 to i32
        %sign3A_797 = arith.subi %sign3A_793, %sign3A_796 : i32
        %sign3A_798 = arith.constant 0 : i32
        %sign3A_799 = arith.cmpi sgt, %jit3A_789, %sign3A_798 : i32
        %sign3A_800 = arith.extui %sign3A_799 : i1 to i32
        %sign3A_801 = arith.constant 0 : i32
        %sign3A_802 = arith.cmpi slt, %jit3A_789, %sign3A_801 : i32
        %sign3A_803 = arith.extui %sign3A_802 : i1 to i32
        %sign3A_804 = arith.subi %sign3A_800, %sign3A_803 : i32
        %ne3A_805 = arith.cmpi ne, %sign3A_797, %sign3A_804 : i32
        %rem3A_806 = arith.remsi %scan3A_788, %jit3A_789 : i32
        %ne3A_807 = arith.constant 0 : i32
        %ne3A_808 = arith.cmpi ne, %rem3A_806, %ne3A_807 : i32
        %and3A_809 = arith.andi %ne3A_805, %ne3A_808 : i1
        %sub3A_810 = arith.constant 1 : i32
        %sub3A_811 = arith.subi %div3A_790, %sub3A_810 : i32
        %select_n3A_812 = arith.select %and3A_809, %sub3A_811, %div3A_790 : i32
        %mul3A_813 = arith.constant 16 : i32
        %mul3A_814 = arith.muli %select_n3A_812, %mul3A_813 : i32
        %get3A_815 = arith.index_cast %mul3A_814 : i32 to index
        %get3A_816 = tpu.vector_load %arg15[%get3A_815] {strides = array<i32>} : memref<40xf32, #tpu.memory_space<vmem>>, vector<16xf32>,
        %get3A_817 = vector.shape_cast %get3A_816 : vector<16xf32> to vector<16xf32>
        %sub3A_818 = arith.subi %scan3A_788, %mul3A_814 : i32
        %broadcast_in_dim3A_819 = vector.broadcast %sub3A_818 : i32 to vector<16x1xi32>
        %gather3A_820 = vector.shape_cast %broadcast_in_dim3A_819 : vector<16x1xi32> to vector<16xi32>
        %gather3A_821 = tpu.dynamic_gather %get3A_817[%gather3A_820] in [0] : vector<16xf32>, vector<16xi32> -> vector<16xf32>
        %get3A_822 = arith.index_cast %scan3A_788 : i32 to index
        %get3A_823 = arith.constant 0 : index
        %get3A_824 = tpu.vector_load %arg16[%get3A_822, %get3A_823] {strides = array<i32>} : memref<40x128xf32, #tpu.memory_space<vmem>>, vector<1x16xf32>,
        %get3A_825 = vector.shape_cast %get3A_824 : vector<1x16xf32> to vector<16xf32>
        %get3A_826 = arith.index_cast %scan3A_788 : i32 to index
        %get3A_827 = arith.constant 0 : index
        %get3A_828 = tpu.vector_load %arg17[%get3A_826, %get3A_827] {strides = array<i32>} : memref<40x128xf32, #tpu.memory_space<vmem>>, vector<1x16xf32>,
        %get3A_829 = vector.shape_cast %get3A_828 : vector<1x16xf32> to vector<16xf32>
        %neg3A_830 = arith.constant 0.000000e+00 : f32
        %neg3A_831 = vector.broadcast %neg3A_830 : f32 to vector<16xf32>
        %neg3A_832 = arith.subf %neg3A_831, %get3A_825 : vector<16xf32>
        %exp3A_833 = math.exp %neg3A_832 : vector<16xf32>
        %add3A_834 = arith.constant 1.000000e+00 : f32
        %add3A_835 = vector.broadcast %add3A_834 : f32 to vector<16xf32>
        %add3A_836 = arith.addf %add3A_835, %exp3A_833 : vector<16xf32>
        %div3A_837 = arith.constant 1.000000e+00 : f32
        %div3A_838 = vector.broadcast %div3A_837 : f32 to vector<16xf32>
        %div3A_839 = arith.divf %div3A_838, %add3A_836 : vector<16xf32>
        %mul3A_840 = arith.mulf %div3A_839, %get3A_829 : vector<16xf32>
        %mul3A_841 = arith.mulf %mul3A_840, %gather3A_821 : vector<16xf32>
        %swap3A_842 = arith.index_cast %scan3A_788 : i32 to index
        %swap3A_843 = arith.constant 0 : index
        %swap3A_844 = tpu.vector_load %arg27[%swap3A_842, %swap3A_843] {strides = array<i32>} : memref<40x128xf32, #tpu.memory_space<vmem>>, vector<1x16xf32>,
        %swap3A_845 = vector.shape_cast %swap3A_844 : vector<1x16xf32> to vector<16xf32>
        %swap3A_846 = vector.shape_cast %mul3A_841 : vector<16xf32> to vector<1x16xf32>
        tpu.vector_store %arg27[%swap3A_842, %swap3A_843], %swap3A_846 {strides = array<i32>} : memref<40x128xf32, #tpu.memory_space<vmem>>, vector<1x16xf32>,
        %get3A_847 = arith.index_cast %scan3A_788 : i32 to index
        %get3A_848 = arith.constant 16 : index
        %get3A_849 = tpu.vector_load %arg16[%get3A_847, %get3A_848] {strides = array<i32>} : memref<40x128xf32, #tpu.memory_space<vmem>>, vector<1x16xf32>,
        %get3A_850 = vector.shape_cast %get3A_849 : vector<1x16xf32> to vector<16xf32>
        %get3A_851 = arith.index_cast %scan3A_788 : i32 to index
        %get3A_852 = arith.constant 16 : index
        %get3A_853 = tpu.vector_load %arg17[%get3A_851, %get3A_852] {strides = array<i32>} : memref<40x128xf32, #tpu.memory_space<vmem>>, vector<1x16xf32>,
        %get3A_854 = vector.shape_cast %get3A_853 : vector<1x16xf32> to vector<16xf32>
        %neg3A_855 = arith.constant 0.000000e+00 : f32
        %neg3A_856 = vector.broadcast %neg3A_855 : f32 to vector<16xf32>
        %neg3A_857 = arith.subf %neg3A_856, %get3A_850 : vector<16xf32>
        %exp3A_858 = math.exp %neg3A_857 : vector<16xf32>
        %add3A_859 = arith.constant 1.000000e+00 : f32
        %add3A_860 = vector.broadcast %add3A_859 : f32 to vector<16xf32>
        %add3A_861 = arith.addf %add3A_860, %exp3A_858 : vector<16xf32>
        %div3A_862 = arith.constant 1.000000e+00 : f32
        %div3A_863 = vector.broadcast %div3A_862 : f32 to vector<16xf32>
        %div3A_864 = arith.divf %div3A_863, %add3A_861 : vector<16xf32>
        %mul3A_865 = arith.mulf %div3A_864, %get3A_854 : vector<16xf32>
        %mul3A_866 = arith.mulf %mul3A_865, %gather3A_821 : vector<16xf32>
        %swap3A_867 = arith.index_cast %scan3A_788 : i32 to index
        %swap3A_868 = arith.constant 16 : index
        %swap3A_869 = tpu.vector_load %arg27[%swap3A_867, %swap3A_868] {strides = array<i32>} : memref<40x128xf32, #tpu.memory_space<vmem>>, vector<1x16xf32>,
        %swap3A_870 = vector.shape_cast %swap3A_869 : vector<1x16xf32> to vector<16xf32>
        %swap3A_871 = vector.shape_cast %mul3A_866 : vector<16xf32> to vector<1x16xf32>
        tpu.vector_store %arg27[%swap3A_867, %swap3A_868], %swap3A_871 {strides = array<i32>} : memref<40x128xf32, #tpu.memory_space<vmem>>, vector<1x16xf32>,
        %get3A_872 = arith.index_cast %scan3A_788 : i32 to index
        %get3A_873 = arith.constant 32 : index
        %get3A_874 = tpu.vector_load %arg16[%get3A_872, %get3A_873] {strides = array<i32>} : memref<40x128xf32, #tpu.memory_space<vmem>>, vector<1x16xf32>,
        %get3A_875 = vector.shape_cast %get3A_874 : vector<1x16xf32> to vector<16xf32>
        %get3A_876 = arith.index_cast %scan3A_788 : i32 to index
        %get3A_877 = arith.constant 32 : index
        %get3A_878 = tpu.vector_load %arg17[%get3A_876, %get3A_877] {strides = array<i32>} : memref<40x128xf32, #tpu.memory_space<vmem>>, vector<1x16xf32>,
        %get3A_879 = vector.shape_cast %get3A_878 : vector<1x16xf32> to vector<16xf32>
        %neg3A_880 = arith.constant 0.000000e+00 : f32
        %neg3A_881 = vector.broadcast %neg3A_880 : f32 to vector<16xf32>
        %neg3A_882 = arith.subf %neg3A_881, %get3A_875 : vector<16xf32>
        %exp3A_883 = math.exp %neg3A_882 : vector<16xf32>
        %add3A_884 = arith.constant 1.000000e+00 : f32
        %add3A_885 = vector.broadcast %add3A_884 : f32 to vector<16xf32>
        %add3A_886 = arith.addf %add3A_885, %exp3A_883 : vector<16xf32>
        %div3A_887 = arith.constant 1.000000e+00 : f32
        %div3A_888 = vector.broadcast %div3A_887 : f32 to vector<16xf32>
        %div3A_889 = arith.divf %div3A_888, %add3A_886 : vector<16xf32>
        %mul3A_890 = arith.mulf %div3A_889, %get3A_879 : vector<16xf32>
        %mul3A_891 = arith.mulf %mul3A_890, %gather3A_821 : vector<16xf32>
        %swap3A_892 = arith.index_cast %scan3A_788 : i32 to index
        %swap3A_893 = arith.constant 32 : index
        %swap3A_894 = tpu.vector_load %arg27[%swap3A_892, %swap3A_893] {strides = array<i32>} : memref<40x128xf32, #tpu.memory_space<vmem>>, vector<1x16xf32>,
        %swap3A_895 = vector.shape_cast %swap3A_894 : vector<1x16xf32> to vector<16xf32>
        %swap3A_896 = vector.shape_cast %mul3A_891 : vector<16xf32> to vector<1x16xf32>
        tpu.vector_store %arg27[%swap3A_892, %swap3A_893], %swap3A_896 {strides = array<i32>} : memref<40x128xf32, #tpu.memory_space<vmem>>, vector<1x16xf32>,
        %get3A_897 = arith.index_cast %scan3A_788 : i32 to index
        %get3A_898 = arith.constant 48 : index
        %get3A_899 = tpu.vector_load %arg16[%get3A_897, %get3A_898] {strides = array<i32>} : memref<40x128xf32, #tpu.memory_space<vmem>>, vector<1x16xf32>,
        %get3A_900 = vector.shape_cast %get3A_899 : vector<1x16xf32> to vector<16xf32>
        %get3A_901 = arith.index_cast %scan3A_788 : i32 to index
        %get3A_902 = arith.constant 48 : index
        %get3A_903 = tpu.vector_load %arg17[%get3A_901, %get3A_902] {strides = array<i32>} : memref<40x128xf32, #tpu.memory_space<vmem>>, vector<1x16xf32>,
        %get3A_904 = vector.shape_cast %get3A_903 : vector<1x16xf32> to vector<16xf32>
        %neg3A_905 = arith.constant 0.000000e+00 : f32
        %neg3A_906 = vector.broadcast %neg3A_905 : f32 to vector<16xf32>
        %neg3A_907 = arith.subf %neg3A_906, %get3A_900 : vector<16xf32>
        %exp3A_908 = math.exp %neg3A_907 : vector<16xf32>
        %add3A_909 = arith.constant 1.000000e+00 : f32
        %add3A_910 = vector.broadcast %add3A_909 : f32 to vector<16xf32>
        %add3A_911 = arith.addf %add3A_910, %exp3A_908 : vector<16xf32>
        %div3A_912 = arith.constant 1.000000e+00 : f32
        %div3A_913 = vector.broadcast %div3A_912 : f32 to vector<16xf32>
        %div3A_914 = arith.divf %div3A_913, %add3A_911 : vector<16xf32>
        %mul3A_915 = arith.mulf %div3A_914, %get3A_904 : vector<16xf32>
        %mul3A_916 = arith.mulf %mul3A_915, %gather3A_821 : vector<16xf32>
        %swap3A_917 = arith.index_cast %scan3A_788 : i32 to index
        %swap3A_918 = arith.constant 48 : index
        %swap3A_919 = tpu.vector_load %arg27[%swap3A_917, %swap3A_918] {strides = array<i32>} : memref<40x128xf32, #tpu.memory_space<vmem>>, vector<1x16xf32>,
        %swap3A_920 = vector.shape_cast %swap3A_919 : vector<1x16xf32> to vector<16xf32>
        %swap3A_921 = vector.shape_cast %mul3A_916 : vector<16xf32> to vector<1x16xf32>
        tpu.vector_store %arg27[%swap3A_917, %swap3A_918], %swap3A_921 {strides = array<i32>} : memref<40x128xf32, #tpu.memory_space<vmem>>, vector<1x16xf32>,
        %get3A_922 = arith.index_cast %scan3A_788 : i32 to index
        %get3A_923 = arith.constant 64 : index
        %get3A_924 = tpu.vector_load %arg16[%get3A_922, %get3A_923] {strides = array<i32>} : memref<40x128xf32, #tpu.memory_space<vmem>>, vector<1x16xf32>,
        %get3A_925 = vector.shape_cast %get3A_924 : vector<1x16xf32> to vector<16xf32>
        %get3A_926 = arith.index_cast %scan3A_788 : i32 to index
        %get3A_927 = arith.constant 64 : index
        %get3A_928 = tpu.vector_load %arg17[%get3A_926, %get3A_927] {strides = array<i32>} : memref<40x128xf32, #tpu.memory_space<vmem>>, vector<1x16xf32>,
        %get3A_929 = vector.shape_cast %get3A_928 : vector<1x16xf32> to vector<16xf32>
        %neg3A_930 = arith.constant 0.000000e+00 : f32
        %neg3A_931 = vector.broadcast %neg3A_930 : f32 to vector<16xf32>
        %neg3A_932 = arith.subf %neg3A_931, %get3A_925 : vector<16xf32>
        %exp3A_933 = math.exp %neg3A_932 : vector<16xf32>
        %add3A_934 = arith.constant 1.000000e+00 : f32
        %add3A_935 = vector.broadcast %add3A_934 : f32 to vector<16xf32>
        %add3A_936 = arith.addf %add3A_935, %exp3A_933 : vector<16xf32>
        %div3A_937 = arith.constant 1.000000e+00 : f32
        %div3A_938 = vector.broadcast %div3A_937 : f32 to vector<16xf32>
        %div3A_939 = arith.divf %div3A_938, %add3A_936 : vector<16xf32>
        %mul3A_940 = arith.mulf %div3A_939, %get3A_929 : vector<16xf32>
        %mul3A_941 = arith.mulf %mul3A_940, %gather3A_821 : vector<16xf32>
        %swap3A_942 = arith.index_cast %scan3A_788 : i32 to index
        %swap3A_943 = arith.constant 64 : index
        %swap3A_944 = tpu.vector_load %arg27[%swap3A_942, %swap3A_943] {strides = array<i32>} : memref<40x128xf32, #tpu.memory_space<vmem>>, vector<1x16xf32>,
        %swap3A_945 = vector.shape_cast %swap3A_944 : vector<1x16xf32> to vector<16xf32>
        %swap3A_946 = vector.shape_cast %mul3A_941 : vector<16xf32> to vector<1x16xf32>
        tpu.vector_store %arg27[%swap3A_942, %swap3A_943], %swap3A_946 {strides = array<i32>} : memref<40x128xf32, #tpu.memory_space<vmem>>, vector<1x16xf32>,
        %get3A_947 = arith.index_cast %scan3A_788 : i32 to index
        %get3A_948 = arith.constant 80 : index
        %get3A_949 = tpu.vector_load %arg16[%get3A_947, %get3A_948] {strides = array<i32>} : memref<40x128xf32, #tpu.memory_space<vmem>>, vector<1x16xf32>,
        %get3A_950 = vector.shape_cast %get3A_949 : vector<1x16xf32> to vector<16xf32>
        %get3A_951 = arith.index_cast %scan3A_788 : i32 to index
        %get3A_952 = arith.constant 80 : index
        %get3A_953 = tpu.vector_load %arg17[%get3A_951, %get3A_952] {strides = array<i32>} : memref<40x128xf32, #tpu.memory_space<vmem>>, vector<1x16xf32>,
        %get3A_954 = vector.shape_cast %get3A_953 : vector<1x16xf32> to vector<16xf32>
        %neg3A_955 = arith.constant 0.000000e+00 : f32
        %neg3A_956 = vector.broadcast %neg3A_955 : f32 to vector<16xf32>
        %neg3A_957 = arith.subf %neg3A_956, %get3A_950 : vector<16xf32>
        %exp3A_958 = math.exp %neg3A_957 : vector<16xf32>
        %add3A_959 = arith.constant 1.000000e+00 : f32
        %add3A_960 = vector.broadcast %add3A_959 : f32 to vector<16xf32>
        %add3A_961 = arith.addf %add3A_960, %exp3A_958 : vector<16xf32>
        %div3A_962 = arith.constant 1.000000e+00 : f32
        %div3A_963 = vector.broadcast %div3A_962 : f32 to vector<16xf32>
        %div3A_964 = arith.divf %div3A_963, %add3A_961 : vector<16xf32>
        %mul3A_965 = arith.mulf %div3A_964, %get3A_954 : vector<16xf32>
        %mul3A_966 = arith.mulf %mul3A_965, %gather3A_821 : vector<16xf32>
        %swap3A_967 = arith.index_cast %scan3A_788 : i32 to index
        %swap3A_968 = arith.constant 80 : index
        %swap3A_969 = tpu.vector_load %arg27[%swap3A_967, %swap3A_968] {strides = array<i32>} : memref<40x128xf32, #tpu.memory_space<vmem>>, vector<1x16xf32>,
        %swap3A_970 = vector.shape_cast %swap3A_969 : vector<1x16xf32> to vector<16xf32>
        %swap3A_971 = vector.shape_cast %mul3A_966 : vector<16xf32> to vector<1x16xf32>
        tpu.vector_store %arg27[%swap3A_967, %swap3A_968], %swap3A_971 {strides = array<i32>} : memref<40x128xf32, #tpu.memory_space<vmem>>, vector<1x16xf32>,
        %get3A_972 = arith.index_cast %scan3A_788 : i32 to index
        %get3A_973 = arith.constant 96 : index
        %get3A_974 = tpu.vector_load %arg16[%get3A_972, %get3A_973] {strides = array<i32>} : memref<40x128xf32, #tpu.memory_space<vmem>>, vector<1x16xf32>,
        %get3A_975 = vector.shape_cast %get3A_974 : vector<1x16xf32> to vector<16xf32>
        %get3A_976 = arith.index_cast %scan3A_788 : i32 to index
        %get3A_977 = arith.constant 96 : index
        %get3A_978 = tpu.vector_load %arg17[%get3A_976, %get3A_977] {strides = array<i32>} : memref<40x128xf32, #tpu.memory_space<vmem>>, vector<1x16xf32>,
        %get3A_979 = vector.shape_cast %get3A_978 : vector<1x16xf32> to vector<16xf32>
        %neg3A_980 = arith.constant 0.000000e+00 : f32
        %neg3A_981 = vector.broadcast %neg3A_980 : f32 to vector<16xf32>
        %neg3A_982 = arith.subf %neg3A_981, %get3A_975 : vector<16xf32>
        %exp3A_983 = math.exp %neg3A_982 : vector<16xf32>
        %add3A_984 = arith.constant 1.000000e+00 : f32
        %add3A_985 = vector.broadcast %add3A_984 : f32 to vector<16xf32>
        %add3A_986 = arith.addf %add3A_985, %exp3A_983 : vector<16xf32>
        %div3A_987 = arith.constant 1.000000e+00 : f32
        %div3A_988 = vector.broadcast %div3A_987 : f32 to vector<16xf32>
        %div3A_989 = arith.divf %div3A_988, %add3A_986 : vector<16xf32>
        %mul3A_990 = arith.mulf %div3A_989, %get3A_979 : vector<16xf32>
        %mul3A_991 = arith.mulf %mul3A_990, %gather3A_821 : vector<16xf32>
        %swap3A_992 = arith.index_cast %scan3A_788 : i32 to index
        %swap3A_993 = arith.constant 96 : index
        %swap3A_994 = tpu.vector_load %arg27[%swap3A_992, %swap3A_993] {strides = array<i32>} : memref<40x128xf32, #tpu.memory_space<vmem>>, vector<1x16xf32>,
        %swap3A_995 = vector.shape_cast %swap3A_994 : vector<1x16xf32> to vector<16xf32>
        %swap3A_996 = vector.shape_cast %mul3A_991 : vector<16xf32> to vector<1x16xf32>
        tpu.vector_store %arg27[%swap3A_992, %swap3A_993], %swap3A_996 {strides = array<i32>} : memref<40x128xf32, #tpu.memory_space<vmem>>, vector<1x16xf32>,
        %get3A_997 = arith.index_cast %scan3A_788 : i32 to index
        %get3A_998 = arith.constant 112 : index
        %get3A_999 = tpu.vector_load %arg16[%get3A_997, %get3A_998] {strides = array<i32>} : memref<40x128xf32, #tpu.memory_space<vmem>>, vector<1x16xf32>,
        %get3A_1000 = vector.shape_cast %get3A_999 : vector<1x16xf32> to vector<16xf32>
        %get3A_1001 = arith.index_cast %scan3A_788 : i32 to index
        %get3A_1002 = arith.constant 112 : index
        %get3A_1003 = tpu.vector_load %arg17[%get3A_1001, %get3A_1002] {strides = array<i32>} : memref<40x128xf32, #tpu.memory_space<vmem>>, vector<1x16xf32>,
        %get3A_1004 = vector.shape_cast %get3A_1003 : vector<1x16xf32> to vector<16xf32>
        %neg3A_1005 = arith.constant 0.000000e+00 : f32
        %neg3A_1006 = vector.broadcast %neg3A_1005 : f32 to vector<16xf32>
        %neg3A_1007 = arith.subf %neg3A_1006, %get3A_1000 : vector<16xf32>
        %exp3A_1008 = math.exp %neg3A_1007 : vector<16xf32>
        %add3A_1009 = arith.constant 1.000000e+00 : f32
        %add3A_1010 = vector.broadcast %add3A_1009 : f32 to vector<16xf32>
        %add3A_1011 = arith.addf %add3A_1010, %exp3A_1008 : vector<16xf32>
        %div3A_1012 = arith.constant 1.000000e+00 : f32
        %div3A_1013 = vector.broadcast %div3A_1012 : f32 to vector<16xf32>
        %div3A_1014 = arith.divf %div3A_1013, %add3A_1011 : vector<16xf32>
        %mul3A_1015 = arith.mulf %div3A_1014, %get3A_1004 : vector<16xf32>
        %mul3A_1016 = arith.mulf %mul3A_1015, %gather3A_821 : vector<16xf32>
        %swap3A_1017 = arith.index_cast %scan3A_788 : i32 to index
        %swap3A_1018 = arith.constant 112 : index
        %swap3A_1019 = tpu.vector_load %arg27[%swap3A_1017, %swap3A_1018] {strides = array<i32>} : memref<40x128xf32, #tpu.memory_space<vmem>>, vector<1x16xf32>,
        %swap3A_1020 = vector.shape_cast %swap3A_1019 : vector<1x16xf32> to vector<16xf32>
        %swap3A_1021 = vector.shape_cast %mul3A_1016 : vector<16xf32> to vector<1x16xf32>
        tpu.vector_store %arg27[%swap3A_1017, %swap3A_1018], %swap3A_1021 {strides = array<i32>} : memref<40x128xf32, #tpu.memory_space<vmem>>, vector<1x16xf32>,
      }
      %scan3A_64 = arith.constant 40 : i32
      %mul3A_65 = arith.constant 40 : i32
      %mul3A_66 = arith.muli %mul3A_43, %mul3A_65 : i32
      %add3A_67 = arith.addi %mul3A_2, %mul3A_66 : i32
      "tpu.region"() ({
        %run_scoped3A = tpu.sem_alloc : memref<!tpu.dma_semaphore, #tpu.memory_space<semaphore_mem>>
        %dma_start3A_97 = arith.constant 0 : i32
        %dma_start3A_98 = tpu.memref_slice %arg10[%add3A_67, %dma_start3A_97] : memref<320000x128xf32, #tpu.memory_space<hbm>> -> memref<40x128xf32, #tpu.memory_space<hbm>>
        %dma_start3A_99 = arith.constant 0 : i32
        %dma_start3A_100 = tpu.memref_slice %arg10[%add3A_67, %dma_start3A_99] : memref<320000x128xf32, #tpu.memory_space<hbm>> -> memref<40x128xf32, #tpu.memory_space<hbm>>
        tpu.enqueue_dma source(%arg16 : memref<40x128xf32, #tpu.memory_space<vmem>>) target(%dma_start3A_100 : memref<40x128xf32, #tpu.memory_space<hbm>>) target_semaphore(%run_scoped3A : memref<!tpu.dma_semaphore, #tpu.memory_space<semaphore_mem>>)
        %dma_wait3A_101 = arith.constant 0 : i32
        %dma_wait3A_102 = tpu.memref_slice %arg10[%add3A_67, %dma_wait3A_101] : memref<320000x128xf32, #tpu.memory_space<hbm>> -> memref<40x128xf32, #tpu.memory_space<hbm>>
        %dma_wait3A_103 = arith.constant 0 : i32
        %dma_wait3A_104 = tpu.memref_slice %arg10[%add3A_67, %dma_wait3A_103] : memref<320000x128xf32, #tpu.memory_space<hbm>> -> memref<40x128xf32, #tpu.memory_space<hbm>>
        tpu.wait_dma2 semaphore(%run_scoped3A : memref<!tpu.dma_semaphore, #tpu.memory_space<semaphore_mem>>) src(%arg16 : memref<40x128xf32, #tpu.memory_space<vmem>>) dst(%dma_wait3A_104 : memref<40x128xf32, #tpu.memory_space<hbm>>)
        tpu.yield
      }) : () -> ()
      "tpu.region"() ({
        %run_scoped3A = tpu.sem_alloc : memref<!tpu.dma_semaphore, #tpu.memory_space<semaphore_mem>>
        %dma_start3A_97 = arith.constant 0 : i32
        %dma_start3A_98 = arith.constant 0 : i32
        %dma_start3A_99 = tpu.memref_slice %arg28[%dma_start3A_97, %dma_start3A_98] : memref<10240x128xf32, #tpu.memory_space<vmem_shared>> -> memref<10240x128xf32, #tpu.memory_space<vmem_shared>>
        tpu.enqueue_indirect_dma source(%arg27 : memref<40x128xf32, #tpu.memory_space<vmem>>) target(%dma_start3A_99 : memref<10240x128xf32, #tpu.memory_space<vmem_shared>>) offsets(%arg13 : memref<40xi32, #tpu.memory_space<vmem>>) semaphore(%run_scoped3A : memref<!tpu.dma_semaphore, #tpu.memory_space<semaphore_mem>>) {add = true}
        %dma_wait3A_100 = arith.constant 0 : i32
        %dma_wait3A_101 = arith.constant 0 : i32
        %dma_wait3A_102 = tpu.memref_slice %arg28[%dma_wait3A_100, %dma_wait3A_101] : memref<10240x128xf32, #tpu.memory_space<vmem_shared>> -> memref<10240x128xf32, #tpu.memory_space<vmem_shared>>
        tpu.wait_indirect_dma semaphore(%run_scoped3A : memref<!tpu.dma_semaphore, #tpu.memory_space<semaphore_mem>>) src(%arg27 : memref<40x128xf32, #tpu.memory_space<vmem>>) dst(%dma_wait3A_102 : memref<10240x128xf32, #tpu.memory_space<vmem_shared>>)
        tpu.yield
      }) : () -> ()
      %mul3A_68 = arith.constant 2 : i32
      %mul3A_69 = arith.muli %scan3A_41, %mul3A_68 : i32
      %add3A_70 = arith.constant 1 : i32
      %add3A_71 = arith.addi %mul3A_69, %add3A_70 : i32
      %dma_wait3A_72 = arith.constant 0 : i32
      %dma_wait3A_73 = arith.constant 0 : i32
      %dma_wait3A_74 = tpu.memref_slice %arg2[%dma_wait3A_72, %dma_wait3A_73] : memref<10000x128xf32, #tpu.memory_space<hbm>> -> memref<10000x128xf32, #tpu.memory_space<hbm>>
      tpu.wait_indirect_dma semaphore(%arg26 : memref<!tpu.dma_semaphore, #tpu.memory_space<semaphore_mem>>) src(%dma_wait3A_74 : memref<10000x128xf32, #tpu.memory_space<hbm>>) dst(%arg23 : memref<40x128xf32, #tpu.memory_space<vmem>>)
      %dma_wait3A_75 = arith.constant 0 : i32
      %dma_wait3A_76 = arith.constant 0 : i32
      %dma_wait3A_77 = tpu.memref_slice %arg3[%dma_wait3A_75, %dma_wait3A_76] : memref<10000x128xf32, #tpu.memory_space<hbm>> -> memref<10000x128xf32, #tpu.memory_space<hbm>>
      tpu.wait_indirect_dma semaphore(%arg26 : memref<!tpu.dma_semaphore, #tpu.memory_space<semaphore_mem>>) src(%dma_wait3A_77 : memref<10000x128xf32, #tpu.memory_space<hbm>>) dst(%arg23 : memref<40x128xf32, #tpu.memory_space<vmem>>)
      %dma_wait3A_78 = arith.constant 0 : i32
      %dma_wait3A_79 = arith.constant 0 : i32
      %dma_wait3A_80 = tpu.memref_slice %arg4[%dma_wait3A_78, %dma_wait3A_79] : memref<10000x128xf32, #tpu.memory_space<hbm>> -> memref<10000x128xf32, #tpu.memory_space<hbm>>
      tpu.wait_indirect_dma semaphore(%arg26 : memref<!tpu.dma_semaphore, #tpu.memory_space<semaphore_mem>>) src(%dma_wait3A_80 : memref<10000x128xf32, #tpu.memory_space<hbm>>) dst(%arg24 : memref<40x128xf32, #tpu.memory_space<vmem>>)
      %add3A_81 = arith.constant 1 : i32
      %add3A_82 = arith.addi %add3A_71, %add3A_81 : i32
      %lt3A_83 = arith.constant 250 : i32
      %lt3A_84 = arith.cmpi slt, %add3A_82, %lt3A_83 : i32
      %convert_element_type3A_85 = arith.extui %lt3A_84 : i1 to i32
      %cond3A_86 = arith.constant 0 : i32
      %cond3A_87 = arith.cmpi ne, %convert_element_type3A_85, %cond3A_86 : i32
      scf.if %cond3A_87 {
        %add3A_97 = arith.constant 1 : i32
        %add3A_98 = arith.addi %add3A_71, %add3A_97 : i32
        %mul3A_99 = arith.constant 40 : i32
        %mul3A_100 = arith.muli %add3A_98, %mul3A_99 : i32
        %add3A_101 = arith.addi %mul3A_2, %mul3A_100 : i32
        %dma_start3A_102 = arith.constant 0 : i32
        %dma_start3A_103 = tpu.memref_slice %arg5[%add3A_101, %dma_start3A_102] : memref<320000x128xf32, #tpu.memory_space<hbm>> -> memref<40x128xf32, #tpu.memory_space<hbm>>
        %dma_start3A_104 = arith.constant 0 : i32
        %dma_start3A_105 = tpu.memref_slice %arg5[%add3A_101, %dma_start3A_104] : memref<320000x128xf32, #tpu.memory_space<hbm>> -> memref<40x128xf32, #tpu.memory_space<hbm>>
        tpu.enqueue_dma source(%dma_start3A_105 : memref<40x128xf32, #tpu.memory_space<hbm>>) target(%arg16 : memref<40x128xf32, #tpu.memory_space<vmem>>) target_semaphore(%arg18 : memref<!tpu.dma_semaphore, #tpu.memory_space<semaphore_mem>>)
        %add3A_106 = arith.constant 1 : i32
        %add3A_107 = arith.addi %add3A_71, %add3A_106 : i32
        %mul3A_108 = arith.constant 40 : i32
        %mul3A_109 = arith.muli %add3A_107, %mul3A_108 : i32
        %add3A_110 = arith.addi %mul3A_2, %mul3A_109 : i32
        "tpu.region"() ({
          %run_scoped3A = tpu.sem_alloc : memref<!tpu.dma_semaphore, #tpu.memory_space<semaphore_mem>>
          %dma_start3A_131 = tpu.memref_slice %arg6[%add3A_110] : memref<320000xi32, #tpu.memory_space<hbm>> -> memref<40xi32, #tpu.memory_space<hbm>>
          %dma_start3A_132 = tpu.memref_slice %arg6[%add3A_110] : memref<320000xi32, #tpu.memory_space<hbm>> -> memref<40xi32, #tpu.memory_space<hbm>>
          tpu.enqueue_dma source(%dma_start3A_132 : memref<40xi32, #tpu.memory_space<hbm>>) target(%arg13 : memref<40xi32, #tpu.memory_space<vmem>>) target_semaphore(%run_scoped3A : memref<!tpu.dma_semaphore, #tpu.memory_space<semaphore_mem>>)
          %dma_wait3A_133 = tpu.memref_slice %arg6[%add3A_110] : memref<320000xi32, #tpu.memory_space<hbm>> -> memref<40xi32, #tpu.memory_space<hbm>>
          %dma_wait3A_134 = tpu.memref_slice %arg6[%add3A_110] : memref<320000xi32, #tpu.memory_space<hbm>> -> memref<40xi32, #tpu.memory_space<hbm>>
          tpu.wait_dma2 semaphore(%run_scoped3A : memref<!tpu.dma_semaphore, #tpu.memory_space<semaphore_mem>>) src(%dma_wait3A_134 : memref<40xi32, #tpu.memory_space<hbm>>) dst(%arg13 : memref<40xi32, #tpu.memory_space<vmem>>)
          tpu.yield
        }) : () -> ()
        "tpu.region"() ({
          %run_scoped3A = tpu.sem_alloc : memref<!tpu.dma_semaphore, #tpu.memory_space<semaphore_mem>>
          %dma_start3A_131 = tpu.memref_slice %arg7[%add3A_110] : memref<320000xi32, #tpu.memory_space<hbm>> -> memref<40xi32, #tpu.memory_space<hbm>>
          %dma_start3A_132 = tpu.memref_slice %arg7[%add3A_110] : memref<320000xi32, #tpu.memory_space<hbm>> -> memref<40xi32, #tpu.memory_space<hbm>>
          tpu.enqueue_dma source(%dma_start3A_132 : memref<40xi32, #tpu.memory_space<hbm>>) target(%arg14 : memref<40xi32, #tpu.memory_space<vmem>>) target_semaphore(%run_scoped3A : memref<!tpu.dma_semaphore, #tpu.memory_space<semaphore_mem>>)
          %dma_wait3A_133 = tpu.memref_slice %arg7[%add3A_110] : memref<320000xi32, #tpu.memory_space<hbm>> -> memref<40xi32, #tpu.memory_space<hbm>>
          %dma_wait3A_134 = tpu.memref_slice %arg7[%add3A_110] : memref<320000xi32, #tpu.memory_space<hbm>> -> memref<40xi32, #tpu.memory_space<hbm>>
          tpu.wait_dma2 semaphore(%run_scoped3A : memref<!tpu.dma_semaphore, #tpu.memory_space<semaphore_mem>>) src(%dma_wait3A_134 : memref<40xi32, #tpu.memory_space<hbm>>) dst(%arg14 : memref<40xi32, #tpu.memory_space<vmem>>)
          tpu.yield
        }) : () -> ()
        "tpu.region"() ({
          %run_scoped3A = tpu.sem_alloc : memref<!tpu.dma_semaphore, #tpu.memory_space<semaphore_mem>>
          %dma_start3A_131 = tpu.memref_slice %arg8[%add3A_110] : memref<320000xf32, #tpu.memory_space<hbm>> -> memref<40xf32, #tpu.memory_space<hbm>>
          %dma_start3A_132 = tpu.memref_slice %arg8[%add3A_110] : memref<320000xf32, #tpu.memory_space<hbm>> -> memref<40xf32, #tpu.memory_space<hbm>>
          tpu.enqueue_dma source(%dma_start3A_132 : memref<40xf32, #tpu.memory_space<hbm>>) target(%arg15 : memref<40xf32, #tpu.memory_space<vmem>>) target_semaphore(%run_scoped3A : memref<!tpu.dma_semaphore, #tpu.memory_space<semaphore_mem>>)
          %dma_wait3A_133 = tpu.memref_slice %arg8[%add3A_110] : memref<320000xf32, #tpu.memory_space<hbm>> -> memref<40xf32, #tpu.memory_space<hbm>>
          %dma_wait3A_134 = tpu.memref_slice %arg8[%add3A_110] : memref<320000xf32, #tpu.memory_space<hbm>> -> memref<40xf32, #tpu.memory_space<hbm>>
          tpu.wait_dma2 semaphore(%run_scoped3A : memref<!tpu.dma_semaphore, #tpu.memory_space<semaphore_mem>>) src(%dma_wait3A_134 : memref<40xf32, #tpu.memory_space<hbm>>) dst(%arg15 : memref<40xf32, #tpu.memory_space<vmem>>)
          tpu.yield
        }) : () -> ()
        %add3A_111 = arith.constant 1 : i32
        %add3A_112 = arith.addi %add3A_71, %add3A_111 : i32
        %mul3A_113 = arith.constant 40 : i32
        %mul3A_114 = arith.muli %add3A_112, %mul3A_113 : i32
        %add3A_115 = arith.addi %mul3A_2, %mul3A_114 : i32
        %dma_wait3A_116 = arith.constant 0 : i32
        %dma_wait3A_117 = tpu.memref_slice %arg5[%add3A_115, %dma_wait3A_116] : memref<320000x128xf32, #tpu.memory_space<hbm>> -> memref<40x128xf32, #tpu.memory_space<hbm>>
        %dma_wait3A_118 = arith.constant 0 : i32
        %dma_wait3A_119 = tpu.memref_slice %arg5[%add3A_115, %dma_wait3A_118] : memref<320000x128xf32, #tpu.memory_space<hbm>> -> memref<40x128xf32, #tpu.memory_space<hbm>>
        tpu.wait_dma2 semaphore(%arg18 : memref<!tpu.dma_semaphore, #tpu.memory_space<semaphore_mem>>) src(%dma_wait3A_119 : memref<40x128xf32, #tpu.memory_space<hbm>>) dst(%arg16 : memref<40x128xf32, #tpu.memory_space<vmem>>)
        %add3A_120 = arith.constant 1 : i32
        %add3A_121 = arith.addi %add3A_71, %add3A_120 : i32
        %dma_start3A_122 = arith.constant 0 : i32
        %dma_start3A_123 = arith.constant 0 : i32
        %dma_start3A_124 = tpu.memref_slice %arg2[%dma_start3A_122, %dma_start3A_123] : memref<10000x128xf32, #tpu.memory_space<hbm>> -> memref<10000x128xf32, #tpu.memory_space<hbm>>
        tpu.enqueue_indirect_dma source(%dma_start3A_124 : memref<10000x128xf32, #tpu.memory_space<hbm>>) target(%arg16 : memref<40x128xf32, #tpu.memory_space<vmem>>) offsets(%arg13 : memref<40xi32, #tpu.memory_space<vmem>>) semaphore(%arg19 : memref<!tpu.dma_semaphore, #tpu.memory_space<semaphore_mem>>) {add = true}
        %dma_start3A_125 = arith.constant 0 : i32
        %dma_start3A_126 = arith.constant 0 : i32
        %dma_start3A_127 = tpu.memref_slice %arg3[%dma_start3A_125, %dma_start3A_126] : memref<10000x128xf32, #tpu.memory_space<hbm>> -> memref<10000x128xf32, #tpu.memory_space<hbm>>
        tpu.enqueue_indirect_dma source(%dma_start3A_127 : memref<10000x128xf32, #tpu.memory_space<hbm>>) target(%arg16 : memref<40x128xf32, #tpu.memory_space<vmem>>) offsets(%arg14 : memref<40xi32, #tpu.memory_space<vmem>>) semaphore(%arg19 : memref<!tpu.dma_semaphore, #tpu.memory_space<semaphore_mem>>) {add = true}
        %dma_start3A_128 = arith.constant 0 : i32
        %dma_start3A_129 = arith.constant 0 : i32
        %dma_start3A_130 = tpu.memref_slice %arg4[%dma_start3A_128, %dma_start3A_129] : memref<10000x128xf32, #tpu.memory_space<hbm>> -> memref<10000x128xf32, #tpu.memory_space<hbm>>
        tpu.enqueue_indirect_dma source(%dma_start3A_130 : memref<10000x128xf32, #tpu.memory_space<hbm>>) target(%arg17 : memref<40x128xf32, #tpu.memory_space<vmem>>) offsets(%arg14 : memref<40xi32, #tpu.memory_space<vmem>>) semaphore(%arg19 : memref<!tpu.dma_semaphore, #tpu.memory_space<semaphore_mem>>)
      } else {
      }
      %scan3A_88 = arith.constant 0 : i32
      %scan3A_89 = arith.constant 0 : i32
      %scan3A_90 = arith.constant 40 : i32
      %scan3A_91 = arith.addi %scan3A_89, %scan3A_90 : i32
      %scan3A_92 = arith.constant 4 : i32
      scf.for %scan3A_97 = %scan3A_89 to %scan3A_91 step %scan3A_92  : i32 {
        %jit3A = arith.constant 16 : i32
        %div3A = arith.divsi %scan3A_97, %jit3A : i32
        %sign3A = arith.constant 0 : i32
        %sign3A_98 = arith.cmpi sgt, %scan3A_97, %sign3A : i32
        %sign3A_99 = arith.extui %sign3A_98 : i1 to i32
        %sign3A_100 = arith.constant 0 : i32
        %sign3A_101 = arith.cmpi slt, %scan3A_97, %sign3A_100 : i32
        %sign3A_102 = arith.extui %sign3A_101 : i1 to i32
        %sign3A_103 = arith.subi %sign3A_99, %sign3A_102 : i32
        %sign3A_104 = arith.constant 0 : i32
        %sign3A_105 = arith.cmpi sgt, %jit3A, %sign3A_104 : i32
        %sign3A_106 = arith.extui %sign3A_105 : i1 to i32
        %sign3A_107 = arith.constant 0 : i32
        %sign3A_108 = arith.cmpi slt, %jit3A, %sign3A_107 : i32
        %sign3A_109 = arith.extui %sign3A_108 : i1 to i32
        %sign3A_110 = arith.subi %sign3A_106, %sign3A_109 : i32
        %ne3A = arith.cmpi ne, %sign3A_103, %sign3A_110 : i32
        %rem3A = arith.remsi %scan3A_97, %jit3A : i32
        %ne3A_111 = arith.constant 0 : i32
        %ne3A_112 = arith.cmpi ne, %rem3A, %ne3A_111 : i32
        %and3A = arith.andi %ne3A, %ne3A_112 : i1
        %sub3A = arith.constant 1 : i32
        %sub3A_113 = arith.subi %div3A, %sub3A : i32
        %select_n3A = arith.select %and3A, %sub3A_113, %div3A : i32
        %mul3A_114 = arith.constant 16 : i32
        %mul3A_115 = arith.muli %select_n3A, %mul3A_114 : i32
        %get3A = arith.index_cast %mul3A_115 : i32 to index
        %get3A_116 = tpu.vector_load %arg22[%get3A] {strides = array<i32>} : memref<40xf32, #tpu.memory_space<vmem>>, vector<16xf32>,
        %get3A_117 = vector.shape_cast %get3A_116 : vector<16xf32> to vector<16xf32>
        %sub3A_118 = arith.subi %scan3A_97, %mul3A_115 : i32
        %broadcast_in_dim3A = vector.broadcast %sub3A_118 : i32 to vector<16x1xi32>
        %gather3A = vector.shape_cast %broadcast_in_dim3A : vector<16x1xi32> to vector<16xi32>
        %gather3A_119 = tpu.dynamic_gather %get3A_117[%gather3A] in [0] : vector<16xf32>, vector<16xi32> -> vector<16xf32>
        %get3A_120 = arith.index_cast %scan3A_97 : i32 to index
        %get3A_121 = arith.constant 0 : index
        %get3A_122 = tpu.vector_load %arg23[%get3A_120, %get3A_121] {strides = array<i32>} : memref<40x128xf32, #tpu.memory_space<vmem>>, vector<1x16xf32>,
        %get3A_123 = vector.shape_cast %get3A_122 : vector<1x16xf32> to vector<16xf32>
        %get3A_124 = arith.index_cast %scan3A_97 : i32 to index
        %get3A_125 = arith.constant 0 : index
        %get3A_126 = tpu.vector_load %arg24[%get3A_124, %get3A_125] {strides = array<i32>} : memref<40x128xf32, #tpu.memory_space<vmem>>, vector<1x16xf32>,
        %get3A_127 = vector.shape_cast %get3A_126 : vector<1x16xf32> to vector<16xf32>
        %neg3A = arith.constant 0.000000e+00 : f32
        %neg3A_128 = vector.broadcast %neg3A : f32 to vector<16xf32>
        %neg3A_129 = arith.subf %neg3A_128, %get3A_123 : vector<16xf32>
        %exp3A = math.exp %neg3A_129 : vector<16xf32>
        %add3A_130 = arith.constant 1.000000e+00 : f32
        %add3A_131 = vector.broadcast %add3A_130 : f32 to vector<16xf32>
        %add3A_132 = arith.addf %add3A_131, %exp3A : vector<16xf32>
        %div3A_133 = arith.constant 1.000000e+00 : f32
        %div3A_134 = vector.broadcast %div3A_133 : f32 to vector<16xf32>
        %div3A_135 = arith.divf %div3A_134, %add3A_132 : vector<16xf32>
        %mul3A_136 = arith.mulf %div3A_135, %get3A_127 : vector<16xf32>
        %mul3A_137 = arith.mulf %mul3A_136, %gather3A_119 : vector<16xf32>
        %swap3A = arith.index_cast %scan3A_97 : i32 to index
        %swap3A_138 = arith.constant 0 : index
        %swap3A_139 = tpu.vector_load %arg27[%swap3A, %swap3A_138] {strides = array<i32>} : memref<40x128xf32, #tpu.memory_space<vmem>>, vector<1x16xf32>,
        %swap3A_140 = vector.shape_cast %swap3A_139 : vector<1x16xf32> to vector<16xf32>
        %swap3A_141 = vector.shape_cast %mul3A_137 : vector<16xf32> to vector<1x16xf32>
        tpu.vector_store %arg27[%swap3A, %swap3A_138], %swap3A_141 {strides = array<i32>} : memref<40x128xf32, #tpu.memory_space<vmem>>, vector<1x16xf32>,
        %get3A_142 = arith.index_cast %scan3A_97 : i32 to index
        %get3A_143 = arith.constant 16 : index
        %get3A_144 = tpu.vector_load %arg23[%get3A_142, %get3A_143] {strides = array<i32>} : memref<40x128xf32, #tpu.memory_space<vmem>>, vector<1x16xf32>,
        %get3A_145 = vector.shape_cast %get3A_144 : vector<1x16xf32> to vector<16xf32>
        %get3A_146 = arith.index_cast %scan3A_97 : i32 to index
        %get3A_147 = arith.constant 16 : index
        %get3A_148 = tpu.vector_load %arg24[%get3A_146, %get3A_147] {strides = array<i32>} : memref<40x128xf32, #tpu.memory_space<vmem>>, vector<1x16xf32>,
        %get3A_149 = vector.shape_cast %get3A_148 : vector<1x16xf32> to vector<16xf32>
        %neg3A_150 = arith.constant 0.000000e+00 : f32
        %neg3A_151 = vector.broadcast %neg3A_150 : f32 to vector<16xf32>
        %neg3A_152 = arith.subf %neg3A_151, %get3A_145 : vector<16xf32>
        %exp3A_153 = math.exp %neg3A_152 : vector<16xf32>
        %add3A_154 = arith.constant 1.000000e+00 : f32
        %add3A_155 = vector.broadcast %add3A_154 : f32 to vector<16xf32>
        %add3A_156 = arith.addf %add3A_155, %exp3A_153 : vector<16xf32>
        %div3A_157 = arith.constant 1.000000e+00 : f32
        %div3A_158 = vector.broadcast %div3A_157 : f32 to vector<16xf32>
        %div3A_159 = arith.divf %div3A_158, %add3A_156 : vector<16xf32>
        %mul3A_160 = arith.mulf %div3A_159, %get3A_149 : vector<16xf32>
        %mul3A_161 = arith.mulf %mul3A_160, %gather3A_119 : vector<16xf32>
        %swap3A_162 = arith.index_cast %scan3A_97 : i32 to index
        %swap3A_163 = arith.constant 16 : index
        %swap3A_164 = tpu.vector_load %arg27[%swap3A_162, %swap3A_163] {strides = array<i32>} : memref<40x128xf32, #tpu.memory_space<vmem>>, vector<1x16xf32>,
        %swap3A_165 = vector.shape_cast %swap3A_164 : vector<1x16xf32> to vector<16xf32>
        %swap3A_166 = vector.shape_cast %mul3A_161 : vector<16xf32> to vector<1x16xf32>
        tpu.vector_store %arg27[%swap3A_162, %swap3A_163], %swap3A_166 {strides = array<i32>} : memref<40x128xf32, #tpu.memory_space<vmem>>, vector<1x16xf32>,
        %get3A_167 = arith.index_cast %scan3A_97 : i32 to index
        %get3A_168 = arith.constant 32 : index
        %get3A_169 = tpu.vector_load %arg23[%get3A_167, %get3A_168] {strides = array<i32>} : memref<40x128xf32, #tpu.memory_space<vmem>>, vector<1x16xf32>,
        %get3A_170 = vector.shape_cast %get3A_169 : vector<1x16xf32> to vector<16xf32>
        %get3A_171 = arith.index_cast %scan3A_97 : i32 to index
        %get3A_172 = arith.constant 32 : index
        %get3A_173 = tpu.vector_load %arg24[%get3A_171, %get3A_172] {strides = array<i32>} : memref<40x128xf32, #tpu.memory_space<vmem>>, vector<1x16xf32>,
        %get3A_174 = vector.shape_cast %get3A_173 : vector<1x16xf32> to vector<16xf32>
        %neg3A_175 = arith.constant 0.000000e+00 : f32
        %neg3A_176 = vector.broadcast %neg3A_175 : f32 to vector<16xf32>
        %neg3A_177 = arith.subf %neg3A_176, %get3A_170 : vector<16xf32>
        %exp3A_178 = math.exp %neg3A_177 : vector<16xf32>
        %add3A_179 = arith.constant 1.000000e+00 : f32
        %add3A_180 = vector.broadcast %add3A_179 : f32 to vector<16xf32>
        %add3A_181 = arith.addf %add3A_180, %exp3A_178 : vector<16xf32>
        %div3A_182 = arith.constant 1.000000e+00 : f32
        %div3A_183 = vector.broadcast %div3A_182 : f32 to vector<16xf32>
        %div3A_184 = arith.divf %div3A_183, %add3A_181 : vector<16xf32>
        %mul3A_185 = arith.mulf %div3A_184, %get3A_174 : vector<16xf32>
        %mul3A_186 = arith.mulf %mul3A_185, %gather3A_119 : vector<16xf32>
        %swap3A_187 = arith.index_cast %scan3A_97 : i32 to index
        %swap3A_188 = arith.constant 32 : index
        %swap3A_189 = tpu.vector_load %arg27[%swap3A_187, %swap3A_188] {strides = array<i32>} : memref<40x128xf32, #tpu.memory_space<vmem>>, vector<1x16xf32>,
        %swap3A_190 = vector.shape_cast %swap3A_189 : vector<1x16xf32> to vector<16xf32>
        %swap3A_191 = vector.shape_cast %mul3A_186 : vector<16xf32> to vector<1x16xf32>
        tpu.vector_store %arg27[%swap3A_187, %swap3A_188], %swap3A_191 {strides = array<i32>} : memref<40x128xf32, #tpu.memory_space<vmem>>, vector<1x16xf32>,
        %get3A_192 = arith.index_cast %scan3A_97 : i32 to index
        %get3A_193 = arith.constant 48 : index
        %get3A_194 = tpu.vector_load %arg23[%get3A_192, %get3A_193] {strides = array<i32>} : memref<40x128xf32, #tpu.memory_space<vmem>>, vector<1x16xf32>,
        %get3A_195 = vector.shape_cast %get3A_194 : vector<1x16xf32> to vector<16xf32>
        %get3A_196 = arith.index_cast %scan3A_97 : i32 to index
        %get3A_197 = arith.constant 48 : index
        %get3A_198 = tpu.vector_load %arg24[%get3A_196, %get3A_197] {strides = array<i32>} : memref<40x128xf32, #tpu.memory_space<vmem>>, vector<1x16xf32>,
        %get3A_199 = vector.shape_cast %get3A_198 : vector<1x16xf32> to vector<16xf32>
        %neg3A_200 = arith.constant 0.000000e+00 : f32
        %neg3A_201 = vector.broadcast %neg3A_200 : f32 to vector<16xf32>
        %neg3A_202 = arith.subf %neg3A_201, %get3A_195 : vector<16xf32>
        %exp3A_203 = math.exp %neg3A_202 : vector<16xf32>
        %add3A_204 = arith.constant 1.000000e+00 : f32
        %add3A_205 = vector.broadcast %add3A_204 : f32 to vector<16xf32>
        %add3A_206 = arith.addf %add3A_205, %exp3A_203 : vector<16xf32>
        %div3A_207 = arith.constant 1.000000e+00 : f32
        %div3A_208 = vector.broadcast %div3A_207 : f32 to vector<16xf32>
        %div3A_209 = arith.divf %div3A_208, %add3A_206 : vector<16xf32>
        %mul3A_210 = arith.mulf %div3A_209, %get3A_199 : vector<16xf32>
        %mul3A_211 = arith.mulf %mul3A_210, %gather3A_119 : vector<16xf32>
        %swap3A_212 = arith.index_cast %scan3A_97 : i32 to index
        %swap3A_213 = arith.constant 48 : index
        %swap3A_214 = tpu.vector_load %arg27[%swap3A_212, %swap3A_213] {strides = array<i32>} : memref<40x128xf32, #tpu.memory_space<vmem>>, vector<1x16xf32>,
        %swap3A_215 = vector.shape_cast %swap3A_214 : vector<1x16xf32> to vector<16xf32>
        %swap3A_216 = vector.shape_cast %mul3A_211 : vector<16xf32> to vector<1x16xf32>
        tpu.vector_store %arg27[%swap3A_212, %swap3A_213], %swap3A_216 {strides = array<i32>} : memref<40x128xf32, #tpu.memory_space<vmem>>, vector<1x16xf32>,
        %get3A_217 = arith.index_cast %scan3A_97 : i32 to index
        %get3A_218 = arith.constant 64 : index
        %get3A_219 = tpu.vector_load %arg23[%get3A_217, %get3A_218] {strides = array<i32>} : memref<40x128xf32, #tpu.memory_space<vmem>>, vector<1x16xf32>,
        %get3A_220 = vector.shape_cast %get3A_219 : vector<1x16xf32> to vector<16xf32>
        %get3A_221 = arith.index_cast %scan3A_97 : i32 to index
        %get3A_222 = arith.constant 64 : index
        %get3A_223 = tpu.vector_load %arg24[%get3A_221, %get3A_222] {strides = array<i32>} : memref<40x128xf32, #tpu.memory_space<vmem>>, vector<1x16xf32>,
        %get3A_224 = vector.shape_cast %get3A_223 : vector<1x16xf32> to vector<16xf32>
        %neg3A_225 = arith.constant 0.000000e+00 : f32
        %neg3A_226 = vector.broadcast %neg3A_225 : f32 to vector<16xf32>
        %neg3A_227 = arith.subf %neg3A_226, %get3A_220 : vector<16xf32>
        %exp3A_228 = math.exp %neg3A_227 : vector<16xf32>
        %add3A_229 = arith.constant 1.000000e+00 : f32
        %add3A_230 = vector.broadcast %add3A_229 : f32 to vector<16xf32>
        %add3A_231 = arith.addf %add3A_230, %exp3A_228 : vector<16xf32>
        %div3A_232 = arith.constant 1.000000e+00 : f32
        %div3A_233 = vector.broadcast %div3A_232 : f32 to vector<16xf32>
        %div3A_234 = arith.divf %div3A_233, %add3A_231 : vector<16xf32>
        %mul3A_235 = arith.mulf %div3A_234, %get3A_224 : vector<16xf32>
        %mul3A_236 = arith.mulf %mul3A_235, %gather3A_119 : vector<16xf32>
        %swap3A_237 = arith.index_cast %scan3A_97 : i32 to index
        %swap3A_238 = arith.constant 64 : index
        %swap3A_239 = tpu.vector_load %arg27[%swap3A_237, %swap3A_238] {strides = array<i32>} : memref<40x128xf32, #tpu.memory_space<vmem>>, vector<1x16xf32>,
        %swap3A_240 = vector.shape_cast %swap3A_239 : vector<1x16xf32> to vector<16xf32>
        %swap3A_241 = vector.shape_cast %mul3A_236 : vector<16xf32> to vector<1x16xf32>
        tpu.vector_store %arg27[%swap3A_237, %swap3A_238], %swap3A_241 {strides = array<i32>} : memref<40x128xf32, #tpu.memory_space<vmem>>, vector<1x16xf32>,
        %get3A_242 = arith.index_cast %scan3A_97 : i32 to index
        %get3A_243 = arith.constant 80 : index
        %get3A_244 = tpu.vector_load %arg23[%get3A_242, %get3A_243] {strides = array<i32>} : memref<40x128xf32, #tpu.memory_space<vmem>>, vector<1x16xf32>,
        %get3A_245 = vector.shape_cast %get3A_244 : vector<1x16xf32> to vector<16xf32>
        %get3A_246 = arith.index_cast %scan3A_97 : i32 to index
        %get3A_247 = arith.constant 80 : index
        %get3A_248 = tpu.vector_load %arg24[%get3A_246, %get3A_247] {strides = array<i32>} : memref<40x128xf32, #tpu.memory_space<vmem>>, vector<1x16xf32>,
        %get3A_249 = vector.shape_cast %get3A_248 : vector<1x16xf32> to vector<16xf32>
        %neg3A_250 = arith.constant 0.000000e+00 : f32
        %neg3A_251 = vector.broadcast %neg3A_250 : f32 to vector<16xf32>
        %neg3A_252 = arith.subf %neg3A_251, %get3A_245 : vector<16xf32>
        %exp3A_253 = math.exp %neg3A_252 : vector<16xf32>
        %add3A_254 = arith.constant 1.000000e+00 : f32
        %add3A_255 = vector.broadcast %add3A_254 : f32 to vector<16xf32>
        %add3A_256 = arith.addf %add3A_255, %exp3A_253 : vector<16xf32>
        %div3A_257 = arith.constant 1.000000e+00 : f32
        %div3A_258 = vector.broadcast %div3A_257 : f32 to vector<16xf32>
        %div3A_259 = arith.divf %div3A_258, %add3A_256 : vector<16xf32>
        %mul3A_260 = arith.mulf %div3A_259, %get3A_249 : vector<16xf32>
        %mul3A_261 = arith.mulf %mul3A_260, %gather3A_119 : vector<16xf32>
        %swap3A_262 = arith.index_cast %scan3A_97 : i32 to index
        %swap3A_263 = arith.constant 80 : index
        %swap3A_264 = tpu.vector_load %arg27[%swap3A_262, %swap3A_263] {strides = array<i32>} : memref<40x128xf32, #tpu.memory_space<vmem>>, vector<1x16xf32>,
        %swap3A_265 = vector.shape_cast %swap3A_264 : vector<1x16xf32> to vector<16xf32>
        %swap3A_266 = vector.shape_cast %mul3A_261 : vector<16xf32> to vector<1x16xf32>
        tpu.vector_store %arg27[%swap3A_262, %swap3A_263], %swap3A_266 {strides = array<i32>} : memref<40x128xf32, #tpu.memory_space<vmem>>, vector<1x16xf32>,
        %get3A_267 = arith.index_cast %scan3A_97 : i32 to index
        %get3A_268 = arith.constant 96 : index
        %get3A_269 = tpu.vector_load %arg23[%get3A_267, %get3A_268] {strides = array<i32>} : memref<40x128xf32, #tpu.memory_space<vmem>>, vector<1x16xf32>,
        %get3A_270 = vector.shape_cast %get3A_269 : vector<1x16xf32> to vector<16xf32>
        %get3A_271 = arith.index_cast %scan3A_97 : i32 to index
        %get3A_272 = arith.constant 96 : index
        %get3A_273 = tpu.vector_load %arg24[%get3A_271, %get3A_272] {strides = array<i32>} : memref<40x128xf32, #tpu.memory_space<vmem>>, vector<1x16xf32>,
        %get3A_274 = vector.shape_cast %get3A_273 : vector<1x16xf32> to vector<16xf32>
        %neg3A_275 = arith.constant 0.000000e+00 : f32
        %neg3A_276 = vector.broadcast %neg3A_275 : f32 to vector<16xf32>
        %neg3A_277 = arith.subf %neg3A_276, %get3A_270 : vector<16xf32>
        %exp3A_278 = math.exp %neg3A_277 : vector<16xf32>
        %add3A_279 = arith.constant 1.000000e+00 : f32
        %add3A_280 = vector.broadcast %add3A_279 : f32 to vector<16xf32>
        %add3A_281 = arith.addf %add3A_280, %exp3A_278 : vector<16xf32>
        %div3A_282 = arith.constant 1.000000e+00 : f32
        %div3A_283 = vector.broadcast %div3A_282 : f32 to vector<16xf32>
        %div3A_284 = arith.divf %div3A_283, %add3A_281 : vector<16xf32>
        %mul3A_285 = arith.mulf %div3A_284, %get3A_274 : vector<16xf32>
        %mul3A_286 = arith.mulf %mul3A_285, %gather3A_119 : vector<16xf32>
        %swap3A_287 = arith.index_cast %scan3A_97 : i32 to index
        %swap3A_288 = arith.constant 96 : index
        %swap3A_289 = tpu.vector_load %arg27[%swap3A_287, %swap3A_288] {strides = array<i32>} : memref<40x128xf32, #tpu.memory_space<vmem>>, vector<1x16xf32>,
        %swap3A_290 = vector.shape_cast %swap3A_289 : vector<1x16xf32> to vector<16xf32>
        %swap3A_291 = vector.shape_cast %mul3A_286 : vector<16xf32> to vector<1x16xf32>
        tpu.vector_store %arg27[%swap3A_287, %swap3A_288], %swap3A_291 {strides = array<i32>} : memref<40x128xf32, #tpu.memory_space<vmem>>, vector<1x16xf32>,
        %get3A_292 = arith.index_cast %scan3A_97 : i32 to index
        %get3A_293 = arith.constant 112 : index
        %get3A_294 = tpu.vector_load %arg23[%get3A_292, %get3A_293] {strides = array<i32>} : memref<40x128xf32, #tpu.memory_space<vmem>>, vector<1x16xf32>,
        %get3A_295 = vector.shape_cast %get3A_294 : vector<1x16xf32> to vector<16xf32>
        %get3A_296 = arith.index_cast %scan3A_97 : i32 to index
        %get3A_297 = arith.constant 112 : index
        %get3A_298 = tpu.vector_load %arg24[%get3A_296, %get3A_297] {strides = array<i32>} : memref<40x128xf32, #tpu.memory_space<vmem>>, vector<1x16xf32>,
        %get3A_299 = vector.shape_cast %get3A_298 : vector<1x16xf32> to vector<16xf32>
        %neg3A_300 = arith.constant 0.000000e+00 : f32
        %neg3A_301 = vector.broadcast %neg3A_300 : f32 to vector<16xf32>
        %neg3A_302 = arith.subf %neg3A_301, %get3A_295 : vector<16xf32>
        %exp3A_303 = math.exp %neg3A_302 : vector<16xf32>
        %add3A_304 = arith.constant 1.000000e+00 : f32
        %add3A_305 = vector.broadcast %add3A_304 : f32 to vector<16xf32>
        %add3A_306 = arith.addf %add3A_305, %exp3A_303 : vector<16xf32>
        %div3A_307 = arith.constant 1.000000e+00 : f32
        %div3A_308 = vector.broadcast %div3A_307 : f32 to vector<16xf32>
        %div3A_309 = arith.divf %div3A_308, %add3A_306 : vector<16xf32>
        %mul3A_310 = arith.mulf %div3A_309, %get3A_299 : vector<16xf32>
        %mul3A_311 = arith.mulf %mul3A_310, %gather3A_119 : vector<16xf32>
        %swap3A_312 = arith.index_cast %scan3A_97 : i32 to index
        %swap3A_313 = arith.constant 112 : index
        %swap3A_314 = tpu.vector_load %arg27[%swap3A_312, %swap3A_313] {strides = array<i32>} : memref<40x128xf32, #tpu.memory_space<vmem>>, vector<1x16xf32>,
        %swap3A_315 = vector.shape_cast %swap3A_314 : vector<1x16xf32> to vector<16xf32>
        %swap3A_316 = vector.shape_cast %mul3A_311 : vector<16xf32> to vector<1x16xf32>
        tpu.vector_store %arg27[%swap3A_312, %swap3A_313], %swap3A_316 {strides = array<i32>} : memref<40x128xf32, #tpu.memory_space<vmem>>, vector<1x16xf32>,
        %scan3A_317 = arith.constant 1 : i32
        %scan3A_318 = arith.addi %scan3A_97, %scan3A_317 : i32
        %jit3A_319 = arith.constant 16 : i32
        %div3A_320 = arith.divsi %scan3A_318, %jit3A_319 : i32
        %sign3A_321 = arith.constant 0 : i32
        %sign3A_322 = arith.cmpi sgt, %scan3A_318, %sign3A_321 : i32
        %sign3A_323 = arith.extui %sign3A_322 : i1 to i32
        %sign3A_324 = arith.constant 0 : i32
        %sign3A_325 = arith.cmpi slt, %scan3A_318, %sign3A_324 : i32
        %sign3A_326 = arith.extui %sign3A_325 : i1 to i32
        %sign3A_327 = arith.subi %sign3A_323, %sign3A_326 : i32
        %sign3A_328 = arith.constant 0 : i32
        %sign3A_329 = arith.cmpi sgt, %jit3A_319, %sign3A_328 : i32
        %sign3A_330 = arith.extui %sign3A_329 : i1 to i32
        %sign3A_331 = arith.constant 0 : i32
        %sign3A_332 = arith.cmpi slt, %jit3A_319, %sign3A_331 : i32
        %sign3A_333 = arith.extui %sign3A_332 : i1 to i32
        %sign3A_334 = arith.subi %sign3A_330, %sign3A_333 : i32
        %ne3A_335 = arith.cmpi ne, %sign3A_327, %sign3A_334 : i32
        %rem3A_336 = arith.remsi %scan3A_318, %jit3A_319 : i32
        %ne3A_337 = arith.constant 0 : i32
        %ne3A_338 = arith.cmpi ne, %rem3A_336, %ne3A_337 : i32
        %and3A_339 = arith.andi %ne3A_335, %ne3A_338 : i1
        %sub3A_340 = arith.constant 1 : i32
        %sub3A_341 = arith.subi %div3A_320, %sub3A_340 : i32
        %select_n3A_342 = arith.select %and3A_339, %sub3A_341, %div3A_320 : i32
        %mul3A_343 = arith.constant 16 : i32
        %mul3A_344 = arith.muli %select_n3A_342, %mul3A_343 : i32
        %get3A_345 = arith.index_cast %mul3A_344 : i32 to index
        %get3A_346 = tpu.vector_load %arg22[%get3A_345] {strides = array<i32>} : memref<40xf32, #tpu.memory_space<vmem>>, vector<16xf32>,
        %get3A_347 = vector.shape_cast %get3A_346 : vector<16xf32> to vector<16xf32>
        %sub3A_348 = arith.subi %scan3A_318, %mul3A_344 : i32
        %broadcast_in_dim3A_349 = vector.broadcast %sub3A_348 : i32 to vector<16x1xi32>
        %gather3A_350 = vector.shape_cast %broadcast_in_dim3A_349 : vector<16x1xi32> to vector<16xi32>
        %gather3A_351 = tpu.dynamic_gather %get3A_347[%gather3A_350] in [0] : vector<16xf32>, vector<16xi32> -> vector<16xf32>
        %get3A_352 = arith.index_cast %scan3A_318 : i32 to index
        %get3A_353 = arith.constant 0 : index
        %get3A_354 = tpu.vector_load %arg23[%get3A_352, %get3A_353] {strides = array<i32>} : memref<40x128xf32, #tpu.memory_space<vmem>>, vector<1x16xf32>,
        %get3A_355 = vector.shape_cast %get3A_354 : vector<1x16xf32> to vector<16xf32>
        %get3A_356 = arith.index_cast %scan3A_318 : i32 to index
        %get3A_357 = arith.constant 0 : index
        %get3A_358 = tpu.vector_load %arg24[%get3A_356, %get3A_357] {strides = array<i32>} : memref<40x128xf32, #tpu.memory_space<vmem>>, vector<1x16xf32>,
        %get3A_359 = vector.shape_cast %get3A_358 : vector<1x16xf32> to vector<16xf32>
        %neg3A_360 = arith.constant 0.000000e+00 : f32
        %neg3A_361 = vector.broadcast %neg3A_360 : f32 to vector<16xf32>
        %neg3A_362 = arith.subf %neg3A_361, %get3A_355 : vector<16xf32>
        %exp3A_363 = math.exp %neg3A_362 : vector<16xf32>
        %add3A_364 = arith.constant 1.000000e+00 : f32
        %add3A_365 = vector.broadcast %add3A_364 : f32 to vector<16xf32>
        %add3A_366 = arith.addf %add3A_365, %exp3A_363 : vector<16xf32>
        %div3A_367 = arith.constant 1.000000e+00 : f32
        %div3A_368 = vector.broadcast %div3A_367 : f32 to vector<16xf32>
        %div3A_369 = arith.divf %div3A_368, %add3A_366 : vector<16xf32>
        %mul3A_370 = arith.mulf %div3A_369, %get3A_359 : vector<16xf32>
        %mul3A_371 = arith.mulf %mul3A_370, %gather3A_351 : vector<16xf32>
        %swap3A_372 = arith.index_cast %scan3A_318 : i32 to index
        %swap3A_373 = arith.constant 0 : index
        %swap3A_374 = tpu.vector_load %arg27[%swap3A_372, %swap3A_373] {strides = array<i32>} : memref<40x128xf32, #tpu.memory_space<vmem>>, vector<1x16xf32>,
        %swap3A_375 = vector.shape_cast %swap3A_374 : vector<1x16xf32> to vector<16xf32>
        %swap3A_376 = vector.shape_cast %mul3A_371 : vector<16xf32> to vector<1x16xf32>
        tpu.vector_store %arg27[%swap3A_372, %swap3A_373], %swap3A_376 {strides = array<i32>} : memref<40x128xf32, #tpu.memory_space<vmem>>, vector<1x16xf32>,
        %get3A_377 = arith.index_cast %scan3A_318 : i32 to index
        %get3A_378 = arith.constant 16 : index
        %get3A_379 = tpu.vector_load %arg23[%get3A_377, %get3A_378] {strides = array<i32>} : memref<40x128xf32, #tpu.memory_space<vmem>>, vector<1x16xf32>,
        %get3A_380 = vector.shape_cast %get3A_379 : vector<1x16xf32> to vector<16xf32>
        %get3A_381 = arith.index_cast %scan3A_318 : i32 to index
        %get3A_382 = arith.constant 16 : index
        %get3A_383 = tpu.vector_load %arg24[%get3A_381, %get3A_382] {strides = array<i32>} : memref<40x128xf32, #tpu.memory_space<vmem>>, vector<1x16xf32>,
        %get3A_384 = vector.shape_cast %get3A_383 : vector<1x16xf32> to vector<16xf32>
        %neg3A_385 = arith.constant 0.000000e+00 : f32
        %neg3A_386 = vector.broadcast %neg3A_385 : f32 to vector<16xf32>
        %neg3A_387 = arith.subf %neg3A_386, %get3A_380 : vector<16xf32>
        %exp3A_388 = math.exp %neg3A_387 : vector<16xf32>
        %add3A_389 = arith.constant 1.000000e+00 : f32
        %add3A_390 = vector.broadcast %add3A_389 : f32 to vector<16xf32>
        %add3A_391 = arith.addf %add3A_390, %exp3A_388 : vector<16xf32>
        %div3A_392 = arith.constant 1.000000e+00 : f32
        %div3A_393 = vector.broadcast %div3A_392 : f32 to vector<16xf32>
        %div3A_394 = arith.divf %div3A_393, %add3A_391 : vector<16xf32>
        %mul3A_395 = arith.mulf %div3A_394, %get3A_384 : vector<16xf32>
        %mul3A_396 = arith.mulf %mul3A_395, %gather3A_351 : vector<16xf32>
        %swap3A_397 = arith.index_cast %scan3A_318 : i32 to index
        %swap3A_398 = arith.constant 16 : index
        %swap3A_399 = tpu.vector_load %arg27[%swap3A_397, %swap3A_398] {strides = array<i32>} : memref<40x128xf32, #tpu.memory_space<vmem>>, vector<1x16xf32>,
        %swap3A_400 = vector.shape_cast %swap3A_399 : vector<1x16xf32> to vector<16xf32>
        %swap3A_401 = vector.shape_cast %mul3A_396 : vector<16xf32> to vector<1x16xf32>
        tpu.vector_store %arg27[%swap3A_397, %swap3A_398], %swap3A_401 {strides = array<i32>} : memref<40x128xf32, #tpu.memory_space<vmem>>, vector<1x16xf32>,
        %get3A_402 = arith.index_cast %scan3A_318 : i32 to index
        %get3A_403 = arith.constant 32 : index
        %get3A_404 = tpu.vector_load %arg23[%get3A_402, %get3A_403] {strides = array<i32>} : memref<40x128xf32, #tpu.memory_space<vmem>>, vector<1x16xf32>,
        %get3A_405 = vector.shape_cast %get3A_404 : vector<1x16xf32> to vector<16xf32>
        %get3A_406 = arith.index_cast %scan3A_318 : i32 to index
        %get3A_407 = arith.constant 32 : index
        %get3A_408 = tpu.vector_load %arg24[%get3A_406, %get3A_407] {strides = array<i32>} : memref<40x128xf32, #tpu.memory_space<vmem>>, vector<1x16xf32>,
        %get3A_409 = vector.shape_cast %get3A_408 : vector<1x16xf32> to vector<16xf32>
        %neg3A_410 = arith.constant 0.000000e+00 : f32
        %neg3A_411 = vector.broadcast %neg3A_410 : f32 to vector<16xf32>
        %neg3A_412 = arith.subf %neg3A_411, %get3A_405 : vector<16xf32>
        %exp3A_413 = math.exp %neg3A_412 : vector<16xf32>
        %add3A_414 = arith.constant 1.000000e+00 : f32
        %add3A_415 = vector.broadcast %add3A_414 : f32 to vector<16xf32>
        %add3A_416 = arith.addf %add3A_415, %exp3A_413 : vector<16xf32>
        %div3A_417 = arith.constant 1.000000e+00 : f32
        %div3A_418 = vector.broadcast %div3A_417 : f32 to vector<16xf32>
        %div3A_419 = arith.divf %div3A_418, %add3A_416 : vector<16xf32>
        %mul3A_420 = arith.mulf %div3A_419, %get3A_409 : vector<16xf32>
        %mul3A_421 = arith.mulf %mul3A_420, %gather3A_351 : vector<16xf32>
        %swap3A_422 = arith.index_cast %scan3A_318 : i32 to index
        %swap3A_423 = arith.constant 32 : index
        %swap3A_424 = tpu.vector_load %arg27[%swap3A_422, %swap3A_423] {strides = array<i32>} : memref<40x128xf32, #tpu.memory_space<vmem>>, vector<1x16xf32>,
        %swap3A_425 = vector.shape_cast %swap3A_424 : vector<1x16xf32> to vector<16xf32>
        %swap3A_426 = vector.shape_cast %mul3A_421 : vector<16xf32> to vector<1x16xf32>
        tpu.vector_store %arg27[%swap3A_422, %swap3A_423], %swap3A_426 {strides = array<i32>} : memref<40x128xf32, #tpu.memory_space<vmem>>, vector<1x16xf32>,
        %get3A_427 = arith.index_cast %scan3A_318 : i32 to index
        %get3A_428 = arith.constant 48 : index
        %get3A_429 = tpu.vector_load %arg23[%get3A_427, %get3A_428] {strides = array<i32>} : memref<40x128xf32, #tpu.memory_space<vmem>>, vector<1x16xf32>,
        %get3A_430 = vector.shape_cast %get3A_429 : vector<1x16xf32> to vector<16xf32>
        %get3A_431 = arith.index_cast %scan3A_318 : i32 to index
        %get3A_432 = arith.constant 48 : index
        %get3A_433 = tpu.vector_load %arg24[%get3A_431, %get3A_432] {strides = array<i32>} : memref<40x128xf32, #tpu.memory_space<vmem>>, vector<1x16xf32>,
        %get3A_434 = vector.shape_cast %get3A_433 : vector<1x16xf32> to vector<16xf32>
        %neg3A_435 = arith.constant 0.000000e+00 : f32
        %neg3A_436 = vector.broadcast %neg3A_435 : f32 to vector<16xf32>
        %neg3A_437 = arith.subf %neg3A_436, %get3A_430 : vector<16xf32>
        %exp3A_438 = math.exp %neg3A_437 : vector<16xf32>
        %add3A_439 = arith.constant 1.000000e+00 : f32
        %add3A_440 = vector.broadcast %add3A_439 : f32 to vector<16xf32>
        %add3A_441 = arith.addf %add3A_440, %exp3A_438 : vector<16xf32>
        %div3A_442 = arith.constant 1.000000e+00 : f32
        %div3A_443 = vector.broadcast %div3A_442 : f32 to vector<16xf32>
        %div3A_444 = arith.divf %div3A_443, %add3A_441 : vector<16xf32>
        %mul3A_445 = arith.mulf %div3A_444, %get3A_434 : vector<16xf32>
        %mul3A_446 = arith.mulf %mul3A_445, %gather3A_351 : vector<16xf32>
        %swap3A_447 = arith.index_cast %scan3A_318 : i32 to index
        %swap3A_448 = arith.constant 48 : index
        %swap3A_449 = tpu.vector_load %arg27[%swap3A_447, %swap3A_448] {strides = array<i32>} : memref<40x128xf32, #tpu.memory_space<vmem>>, vector<1x16xf32>,
        %swap3A_450 = vector.shape_cast %swap3A_449 : vector<1x16xf32> to vector<16xf32>
        %swap3A_451 = vector.shape_cast %mul3A_446 : vector<16xf32> to vector<1x16xf32>
        tpu.vector_store %arg27[%swap3A_447, %swap3A_448], %swap3A_451 {strides = array<i32>} : memref<40x128xf32, #tpu.memory_space<vmem>>, vector<1x16xf32>,
        %get3A_452 = arith.index_cast %scan3A_318 : i32 to index
        %get3A_453 = arith.constant 64 : index
        %get3A_454 = tpu.vector_load %arg23[%get3A_452, %get3A_453] {strides = array<i32>} : memref<40x128xf32, #tpu.memory_space<vmem>>, vector<1x16xf32>,
        %get3A_455 = vector.shape_cast %get3A_454 : vector<1x16xf32> to vector<16xf32>
        %get3A_456 = arith.index_cast %scan3A_318 : i32 to index
        %get3A_457 = arith.constant 64 : index
        %get3A_458 = tpu.vector_load %arg24[%get3A_456, %get3A_457] {strides = array<i32>} : memref<40x128xf32, #tpu.memory_space<vmem>>, vector<1x16xf32>,
        %get3A_459 = vector.shape_cast %get3A_458 : vector<1x16xf32> to vector<16xf32>
        %neg3A_460 = arith.constant 0.000000e+00 : f32
        %neg3A_461 = vector.broadcast %neg3A_460 : f32 to vector<16xf32>
        %neg3A_462 = arith.subf %neg3A_461, %get3A_455 : vector<16xf32>
        %exp3A_463 = math.exp %neg3A_462 : vector<16xf32>
        %add3A_464 = arith.constant 1.000000e+00 : f32
        %add3A_465 = vector.broadcast %add3A_464 : f32 to vector<16xf32>
        %add3A_466 = arith.addf %add3A_465, %exp3A_463 : vector<16xf32>
        %div3A_467 = arith.constant 1.000000e+00 : f32
        %div3A_468 = vector.broadcast %div3A_467 : f32 to vector<16xf32>
        %div3A_469 = arith.divf %div3A_468, %add3A_466 : vector<16xf32>
        %mul3A_470 = arith.mulf %div3A_469, %get3A_459 : vector<16xf32>
        %mul3A_471 = arith.mulf %mul3A_470, %gather3A_351 : vector<16xf32>
        %swap3A_472 = arith.index_cast %scan3A_318 : i32 to index
        %swap3A_473 = arith.constant 64 : index
        %swap3A_474 = tpu.vector_load %arg27[%swap3A_472, %swap3A_473] {strides = array<i32>} : memref<40x128xf32, #tpu.memory_space<vmem>>, vector<1x16xf32>,
        %swap3A_475 = vector.shape_cast %swap3A_474 : vector<1x16xf32> to vector<16xf32>
        %swap3A_476 = vector.shape_cast %mul3A_471 : vector<16xf32> to vector<1x16xf32>
        tpu.vector_store %arg27[%swap3A_472, %swap3A_473], %swap3A_476 {strides = array<i32>} : memref<40x128xf32, #tpu.memory_space<vmem>>, vector<1x16xf32>,
        %get3A_477 = arith.index_cast %scan3A_318 : i32 to index
        %get3A_478 = arith.constant 80 : index
        %get3A_479 = tpu.vector_load %arg23[%get3A_477, %get3A_478] {strides = array<i32>} : memref<40x128xf32, #tpu.memory_space<vmem>>, vector<1x16xf32>,
        %get3A_480 = vector.shape_cast %get3A_479 : vector<1x16xf32> to vector<16xf32>
        %get3A_481 = arith.index_cast %scan3A_318 : i32 to index
        %get3A_482 = arith.constant 80 : index
        %get3A_483 = tpu.vector_load %arg24[%get3A_481, %get3A_482] {strides = array<i32>} : memref<40x128xf32, #tpu.memory_space<vmem>>, vector<1x16xf32>,
        %get3A_484 = vector.shape_cast %get3A_483 : vector<1x16xf32> to vector<16xf32>
        %neg3A_485 = arith.constant 0.000000e+00 : f32
        %neg3A_486 = vector.broadcast %neg3A_485 : f32 to vector<16xf32>
        %neg3A_487 = arith.subf %neg3A_486, %get3A_480 : vector<16xf32>
        %exp3A_488 = math.exp %neg3A_487 : vector<16xf32>
        %add3A_489 = arith.constant 1.000000e+00 : f32
        %add3A_490 = vector.broadcast %add3A_489 : f32 to vector<16xf32>
        %add3A_491 = arith.addf %add3A_490, %exp3A_488 : vector<16xf32>
        %div3A_492 = arith.constant 1.000000e+00 : f32
        %div3A_493 = vector.broadcast %div3A_492 : f32 to vector<16xf32>
        %div3A_494 = arith.divf %div3A_493, %add3A_491 : vector<16xf32>
        %mul3A_495 = arith.mulf %div3A_494, %get3A_484 : vector<16xf32>
        %mul3A_496 = arith.mulf %mul3A_495, %gather3A_351 : vector<16xf32>
        %swap3A_497 = arith.index_cast %scan3A_318 : i32 to index
        %swap3A_498 = arith.constant 80 : index
        %swap3A_499 = tpu.vector_load %arg27[%swap3A_497, %swap3A_498] {strides = array<i32>} : memref<40x128xf32, #tpu.memory_space<vmem>>, vector<1x16xf32>,
        %swap3A_500 = vector.shape_cast %swap3A_499 : vector<1x16xf32> to vector<16xf32>
        %swap3A_501 = vector.shape_cast %mul3A_496 : vector<16xf32> to vector<1x16xf32>
        tpu.vector_store %arg27[%swap3A_497, %swap3A_498], %swap3A_501 {strides = array<i32>} : memref<40x128xf32, #tpu.memory_space<vmem>>, vector<1x16xf32>,
        %get3A_502 = arith.index_cast %scan3A_318 : i32 to index
        %get3A_503 = arith.constant 96 : index
        %get3A_504 = tpu.vector_load %arg23[%get3A_502, %get3A_503] {strides = array<i32>} : memref<40x128xf32, #tpu.memory_space<vmem>>, vector<1x16xf32>,
        %get3A_505 = vector.shape_cast %get3A_504 : vector<1x16xf32> to vector<16xf32>
        %get3A_506 = arith.index_cast %scan3A_318 : i32 to index
        %get3A_507 = arith.constant 96 : index
        %get3A_508 = tpu.vector_load %arg24[%get3A_506, %get3A_507] {strides = array<i32>} : memref<40x128xf32, #tpu.memory_space<vmem>>, vector<1x16xf32>,
        %get3A_509 = vector.shape_cast %get3A_508 : vector<1x16xf32> to vector<16xf32>
        %neg3A_510 = arith.constant 0.000000e+00 : f32
        %neg3A_511 = vector.broadcast %neg3A_510 : f32 to vector<16xf32>
        %neg3A_512 = arith.subf %neg3A_511, %get3A_505 : vector<16xf32>
        %exp3A_513 = math.exp %neg3A_512 : vector<16xf32>
        %add3A_514 = arith.constant 1.000000e+00 : f32
        %add3A_515 = vector.broadcast %add3A_514 : f32 to vector<16xf32>
        %add3A_516 = arith.addf %add3A_515, %exp3A_513 : vector<16xf32>
        %div3A_517 = arith.constant 1.000000e+00 : f32
        %div3A_518 = vector.broadcast %div3A_517 : f32 to vector<16xf32>
        %div3A_519 = arith.divf %div3A_518, %add3A_516 : vector<16xf32>
        %mul3A_520 = arith.mulf %div3A_519, %get3A_509 : vector<16xf32>
        %mul3A_521 = arith.mulf %mul3A_520, %gather3A_351 : vector<16xf32>
        %swap3A_522 = arith.index_cast %scan3A_318 : i32 to index
        %swap3A_523 = arith.constant 96 : index
        %swap3A_524 = tpu.vector_load %arg27[%swap3A_522, %swap3A_523] {strides = array<i32>} : memref<40x128xf32, #tpu.memory_space<vmem>>, vector<1x16xf32>,
        %swap3A_525 = vector.shape_cast %swap3A_524 : vector<1x16xf32> to vector<16xf32>
        %swap3A_526 = vector.shape_cast %mul3A_521 : vector<16xf32> to vector<1x16xf32>
        tpu.vector_store %arg27[%swap3A_522, %swap3A_523], %swap3A_526 {strides = array<i32>} : memref<40x128xf32, #tpu.memory_space<vmem>>, vector<1x16xf32>,
        %get3A_527 = arith.index_cast %scan3A_318 : i32 to index
        %get3A_528 = arith.constant 112 : index
        %get3A_529 = tpu.vector_load %arg23[%get3A_527, %get3A_528] {strides = array<i32>} : memref<40x128xf32, #tpu.memory_space<vmem>>, vector<1x16xf32>,
        %get3A_530 = vector.shape_cast %get3A_529 : vector<1x16xf32> to vector<16xf32>
        %get3A_531 = arith.index_cast %scan3A_318 : i32 to index
        %get3A_532 = arith.constant 112 : index
        %get3A_533 = tpu.vector_load %arg24[%get3A_531, %get3A_532] {strides = array<i32>} : memref<40x128xf32, #tpu.memory_space<vmem>>, vector<1x16xf32>,
        %get3A_534 = vector.shape_cast %get3A_533 : vector<1x16xf32> to vector<16xf32>
        %neg3A_535 = arith.constant 0.000000e+00 : f32
        %neg3A_536 = vector.broadcast %neg3A_535 : f32 to vector<16xf32>
        %neg3A_537 = arith.subf %neg3A_536, %get3A_530 : vector<16xf32>
        %exp3A_538 = math.exp %neg3A_537 : vector<16xf32>
        %add3A_539 = arith.constant 1.000000e+00 : f32
        %add3A_540 = vector.broadcast %add3A_539 : f32 to vector<16xf32>
        %add3A_541 = arith.addf %add3A_540, %exp3A_538 : vector<16xf32>
        %div3A_542 = arith.constant 1.000000e+00 : f32
        %div3A_543 = vector.broadcast %div3A_542 : f32 to vector<16xf32>
        %div3A_544 = arith.divf %div3A_543, %add3A_541 : vector<16xf32>
        %mul3A_545 = arith.mulf %div3A_544, %get3A_534 : vector<16xf32>
        %mul3A_546 = arith.mulf %mul3A_545, %gather3A_351 : vector<16xf32>
        %swap3A_547 = arith.index_cast %scan3A_318 : i32 to index
        %swap3A_548 = arith.constant 112 : index
        %swap3A_549 = tpu.vector_load %arg27[%swap3A_547, %swap3A_548] {strides = array<i32>} : memref<40x128xf32, #tpu.memory_space<vmem>>, vector<1x16xf32>,
        %swap3A_550 = vector.shape_cast %swap3A_549 : vector<1x16xf32> to vector<16xf32>
        %swap3A_551 = vector.shape_cast %mul3A_546 : vector<16xf32> to vector<1x16xf32>
        tpu.vector_store %arg27[%swap3A_547, %swap3A_548], %swap3A_551 {strides = array<i32>} : memref<40x128xf32, #tpu.memory_space<vmem>>, vector<1x16xf32>,
        %scan3A_552 = arith.constant 2 : i32
        %scan3A_553 = arith.addi %scan3A_97, %scan3A_552 : i32
        %jit3A_554 = arith.constant 16 : i32
        %div3A_555 = arith.divsi %scan3A_553, %jit3A_554 : i32
        %sign3A_556 = arith.constant 0 : i32
        %sign3A_557 = arith.cmpi sgt, %scan3A_553, %sign3A_556 : i32
        %sign3A_558 = arith.extui %sign3A_557 : i1 to i32
        %sign3A_559 = arith.constant 0 : i32
        %sign3A_560 = arith.cmpi slt, %scan3A_553, %sign3A_559 : i32
        %sign3A_561 = arith.extui %sign3A_560 : i1 to i32
        %sign3A_562 = arith.subi %sign3A_558, %sign3A_561 : i32
        %sign3A_563 = arith.constant 0 : i32
        %sign3A_564 = arith.cmpi sgt, %jit3A_554, %sign3A_563 : i32
        %sign3A_565 = arith.extui %sign3A_564 : i1 to i32
        %sign3A_566 = arith.constant 0 : i32
        %sign3A_567 = arith.cmpi slt, %jit3A_554, %sign3A_566 : i32
        %sign3A_568 = arith.extui %sign3A_567 : i1 to i32
        %sign3A_569 = arith.subi %sign3A_565, %sign3A_568 : i32
        %ne3A_570 = arith.cmpi ne, %sign3A_562, %sign3A_569 : i32
        %rem3A_571 = arith.remsi %scan3A_553, %jit3A_554 : i32
        %ne3A_572 = arith.constant 0 : i32
        %ne3A_573 = arith.cmpi ne, %rem3A_571, %ne3A_572 : i32
        %and3A_574 = arith.andi %ne3A_570, %ne3A_573 : i1
        %sub3A_575 = arith.constant 1 : i32
        %sub3A_576 = arith.subi %div3A_555, %sub3A_575 : i32
        %select_n3A_577 = arith.select %and3A_574, %sub3A_576, %div3A_555 : i32
        %mul3A_578 = arith.constant 16 : i32
        %mul3A_579 = arith.muli %select_n3A_577, %mul3A_578 : i32
        %get3A_580 = arith.index_cast %mul3A_579 : i32 to index
        %get3A_581 = tpu.vector_load %arg22[%get3A_580] {strides = array<i32>} : memref<40xf32, #tpu.memory_space<vmem>>, vector<16xf32>,
        %get3A_582 = vector.shape_cast %get3A_581 : vector<16xf32> to vector<16xf32>
        %sub3A_583 = arith.subi %scan3A_553, %mul3A_579 : i32
        %broadcast_in_dim3A_584 = vector.broadcast %sub3A_583 : i32 to vector<16x1xi32>
        %gather3A_585 = vector.shape_cast %broadcast_in_dim3A_584 : vector<16x1xi32> to vector<16xi32>
        %gather3A_586 = tpu.dynamic_gather %get3A_582[%gather3A_585] in [0] : vector<16xf32>, vector<16xi32> -> vector<16xf32>
        %get3A_587 = arith.index_cast %scan3A_553 : i32 to index
        %get3A_588 = arith.constant 0 : index
        %get3A_589 = tpu.vector_load %arg23[%get3A_587, %get3A_588] {strides = array<i32>} : memref<40x128xf32, #tpu.memory_space<vmem>>, vector<1x16xf32>,
        %get3A_590 = vector.shape_cast %get3A_589 : vector<1x16xf32> to vector<16xf32>
        %get3A_591 = arith.index_cast %scan3A_553 : i32 to index
        %get3A_592 = arith.constant 0 : index
        %get3A_593 = tpu.vector_load %arg24[%get3A_591, %get3A_592] {strides = array<i32>} : memref<40x128xf32, #tpu.memory_space<vmem>>, vector<1x16xf32>,
        %get3A_594 = vector.shape_cast %get3A_593 : vector<1x16xf32> to vector<16xf32>
        %neg3A_595 = arith.constant 0.000000e+00 : f32
        %neg3A_596 = vector.broadcast %neg3A_595 : f32 to vector<16xf32>
        %neg3A_597 = arith.subf %neg3A_596, %get3A_590 : vector<16xf32>
        %exp3A_598 = math.exp %neg3A_597 : vector<16xf32>
        %add3A_599 = arith.constant 1.000000e+00 : f32
        %add3A_600 = vector.broadcast %add3A_599 : f32 to vector<16xf32>
        %add3A_601 = arith.addf %add3A_600, %exp3A_598 : vector<16xf32>
        %div3A_602 = arith.constant 1.000000e+00 : f32
        %div3A_603 = vector.broadcast %div3A_602 : f32 to vector<16xf32>
        %div3A_604 = arith.divf %div3A_603, %add3A_601 : vector<16xf32>
        %mul3A_605 = arith.mulf %div3A_604, %get3A_594 : vector<16xf32>
        %mul3A_606 = arith.mulf %mul3A_605, %gather3A_586 : vector<16xf32>
        %swap3A_607 = arith.index_cast %scan3A_553 : i32 to index
        %swap3A_608 = arith.constant 0 : index
        %swap3A_609 = tpu.vector_load %arg27[%swap3A_607, %swap3A_608] {strides = array<i32>} : memref<40x128xf32, #tpu.memory_space<vmem>>, vector<1x16xf32>,
        %swap3A_610 = vector.shape_cast %swap3A_609 : vector<1x16xf32> to vector<16xf32>
        %swap3A_611 = vector.shape_cast %mul3A_606 : vector<16xf32> to vector<1x16xf32>
        tpu.vector_store %arg27[%swap3A_607, %swap3A_608], %swap3A_611 {strides = array<i32>} : memref<40x128xf32, #tpu.memory_space<vmem>>, vector<1x16xf32>,
        %get3A_612 = arith.index_cast %scan3A_553 : i32 to index
        %get3A_613 = arith.constant 16 : index
        %get3A_614 = tpu.vector_load %arg23[%get3A_612, %get3A_613] {strides = array<i32>} : memref<40x128xf32, #tpu.memory_space<vmem>>, vector<1x16xf32>,
        %get3A_615 = vector.shape_cast %get3A_614 : vector<1x16xf32> to vector<16xf32>
        %get3A_616 = arith.index_cast %scan3A_553 : i32 to index
        %get3A_617 = arith.constant 16 : index
        %get3A_618 = tpu.vector_load %arg24[%get3A_616, %get3A_617] {strides = array<i32>} : memref<40x128xf32, #tpu.memory_space<vmem>>, vector<1x16xf32>,
        %get3A_619 = vector.shape_cast %get3A_618 : vector<1x16xf32> to vector<16xf32>
        %neg3A_620 = arith.constant 0.000000e+00 : f32
        %neg3A_621 = vector.broadcast %neg3A_620 : f32 to vector<16xf32>
        %neg3A_622 = arith.subf %neg3A_621, %get3A_615 : vector<16xf32>
        %exp3A_623 = math.exp %neg3A_622 : vector<16xf32>
        %add3A_624 = arith.constant 1.000000e+00 : f32
        %add3A_625 = vector.broadcast %add3A_624 : f32 to vector<16xf32>
        %add3A_626 = arith.addf %add3A_625, %exp3A_623 : vector<16xf32>
        %div3A_627 = arith.constant 1.000000e+00 : f32
        %div3A_628 = vector.broadcast %div3A_627 : f32 to vector<16xf32>
        %div3A_629 = arith.divf %div3A_628, %add3A_626 : vector<16xf32>
        %mul3A_630 = arith.mulf %div3A_629, %get3A_619 : vector<16xf32>
        %mul3A_631 = arith.mulf %mul3A_630, %gather3A_586 : vector<16xf32>
        %swap3A_632 = arith.index_cast %scan3A_553 : i32 to index
        %swap3A_633 = arith.constant 16 : index
        %swap3A_634 = tpu.vector_load %arg27[%swap3A_632, %swap3A_633] {strides = array<i32>} : memref<40x128xf32, #tpu.memory_space<vmem>>, vector<1x16xf32>,
        %swap3A_635 = vector.shape_cast %swap3A_634 : vector<1x16xf32> to vector<16xf32>
        %swap3A_636 = vector.shape_cast %mul3A_631 : vector<16xf32> to vector<1x16xf32>
        tpu.vector_store %arg27[%swap3A_632, %swap3A_633], %swap3A_636 {strides = array<i32>} : memref<40x128xf32, #tpu.memory_space<vmem>>, vector<1x16xf32>,
        %get3A_637 = arith.index_cast %scan3A_553 : i32 to index
        %get3A_638 = arith.constant 32 : index
        %get3A_639 = tpu.vector_load %arg23[%get3A_637, %get3A_638] {strides = array<i32>} : memref<40x128xf32, #tpu.memory_space<vmem>>, vector<1x16xf32>,
        %get3A_640 = vector.shape_cast %get3A_639 : vector<1x16xf32> to vector<16xf32>
        %get3A_641 = arith.index_cast %scan3A_553 : i32 to index
        %get3A_642 = arith.constant 32 : index
        %get3A_643 = tpu.vector_load %arg24[%get3A_641, %get3A_642] {strides = array<i32>} : memref<40x128xf32, #tpu.memory_space<vmem>>, vector<1x16xf32>,
        %get3A_644 = vector.shape_cast %get3A_643 : vector<1x16xf32> to vector<16xf32>
        %neg3A_645 = arith.constant 0.000000e+00 : f32
        %neg3A_646 = vector.broadcast %neg3A_645 : f32 to vector<16xf32>
        %neg3A_647 = arith.subf %neg3A_646, %get3A_640 : vector<16xf32>
        %exp3A_648 = math.exp %neg3A_647 : vector<16xf32>
        %add3A_649 = arith.constant 1.000000e+00 : f32
        %add3A_650 = vector.broadcast %add3A_649 : f32 to vector<16xf32>
        %add3A_651 = arith.addf %add3A_650, %exp3A_648 : vector<16xf32>
        %div3A_652 = arith.constant 1.000000e+00 : f32
        %div3A_653 = vector.broadcast %div3A_652 : f32 to vector<16xf32>
        %div3A_654 = arith.divf %div3A_653, %add3A_651 : vector<16xf32>
        %mul3A_655 = arith.mulf %div3A_654, %get3A_644 : vector<16xf32>
        %mul3A_656 = arith.mulf %mul3A_655, %gather3A_586 : vector<16xf32>
        %swap3A_657 = arith.index_cast %scan3A_553 : i32 to index
        %swap3A_658 = arith.constant 32 : index
        %swap3A_659 = tpu.vector_load %arg27[%swap3A_657, %swap3A_658] {strides = array<i32>} : memref<40x128xf32, #tpu.memory_space<vmem>>, vector<1x16xf32>,
        %swap3A_660 = vector.shape_cast %swap3A_659 : vector<1x16xf32> to vector<16xf32>
        %swap3A_661 = vector.shape_cast %mul3A_656 : vector<16xf32> to vector<1x16xf32>
        tpu.vector_store %arg27[%swap3A_657, %swap3A_658], %swap3A_661 {strides = array<i32>} : memref<40x128xf32, #tpu.memory_space<vmem>>, vector<1x16xf32>,
        %get3A_662 = arith.index_cast %scan3A_553 : i32 to index
        %get3A_663 = arith.constant 48 : index
        %get3A_664 = tpu.vector_load %arg23[%get3A_662, %get3A_663] {strides = array<i32>} : memref<40x128xf32, #tpu.memory_space<vmem>>, vector<1x16xf32>,
        %get3A_665 = vector.shape_cast %get3A_664 : vector<1x16xf32> to vector<16xf32>
        %get3A_666 = arith.index_cast %scan3A_553 : i32 to index
        %get3A_667 = arith.constant 48 : index
        %get3A_668 = tpu.vector_load %arg24[%get3A_666, %get3A_667] {strides = array<i32>} : memref<40x128xf32, #tpu.memory_space<vmem>>, vector<1x16xf32>,
        %get3A_669 = vector.shape_cast %get3A_668 : vector<1x16xf32> to vector<16xf32>
        %neg3A_670 = arith.constant 0.000000e+00 : f32
        %neg3A_671 = vector.broadcast %neg3A_670 : f32 to vector<16xf32>
        %neg3A_672 = arith.subf %neg3A_671, %get3A_665 : vector<16xf32>
        %exp3A_673 = math.exp %neg3A_672 : vector<16xf32>
        %add3A_674 = arith.constant 1.000000e+00 : f32
        %add3A_675 = vector.broadcast %add3A_674 : f32 to vector<16xf32>
        %add3A_676 = arith.addf %add3A_675, %exp3A_673 : vector<16xf32>
        %div3A_677 = arith.constant 1.000000e+00 : f32
        %div3A_678 = vector.broadcast %div3A_677 : f32 to vector<16xf32>
        %div3A_679 = arith.divf %div3A_678, %add3A_676 : vector<16xf32>
        %mul3A_680 = arith.mulf %div3A_679, %get3A_669 : vector<16xf32>
        %mul3A_681 = arith.mulf %mul3A_680, %gather3A_586 : vector<16xf32>
        %swap3A_682 = arith.index_cast %scan3A_553 : i32 to index
        %swap3A_683 = arith.constant 48 : index
        %swap3A_684 = tpu.vector_load %arg27[%swap3A_682, %swap3A_683] {strides = array<i32>} : memref<40x128xf32, #tpu.memory_space<vmem>>, vector<1x16xf32>,
        %swap3A_685 = vector.shape_cast %swap3A_684 : vector<1x16xf32> to vector<16xf32>
        %swap3A_686 = vector.shape_cast %mul3A_681 : vector<16xf32> to vector<1x16xf32>
        tpu.vector_store %arg27[%swap3A_682, %swap3A_683], %swap3A_686 {strides = array<i32>} : memref<40x128xf32, #tpu.memory_space<vmem>>, vector<1x16xf32>,
        %get3A_687 = arith.index_cast %scan3A_553 : i32 to index
        %get3A_688 = arith.constant 64 : index
        %get3A_689 = tpu.vector_load %arg23[%get3A_687, %get3A_688] {strides = array<i32>} : memref<40x128xf32, #tpu.memory_space<vmem>>, vector<1x16xf32>,
        %get3A_690 = vector.shape_cast %get3A_689 : vector<1x16xf32> to vector<16xf32>
        %get3A_691 = arith.index_cast %scan3A_553 : i32 to index
        %get3A_692 = arith.constant 64 : index
        %get3A_693 = tpu.vector_load %arg24[%get3A_691, %get3A_692] {strides = array<i32>} : memref<40x128xf32, #tpu.memory_space<vmem>>, vector<1x16xf32>,
        %get3A_694 = vector.shape_cast %get3A_693 : vector<1x16xf32> to vector<16xf32>
        %neg3A_695 = arith.constant 0.000000e+00 : f32
        %neg3A_696 = vector.broadcast %neg3A_695 : f32 to vector<16xf32>
        %neg3A_697 = arith.subf %neg3A_696, %get3A_690 : vector<16xf32>
        %exp3A_698 = math.exp %neg3A_697 : vector<16xf32>
        %add3A_699 = arith.constant 1.000000e+00 : f32
        %add3A_700 = vector.broadcast %add3A_699 : f32 to vector<16xf32>
        %add3A_701 = arith.addf %add3A_700, %exp3A_698 : vector<16xf32>
        %div3A_702 = arith.constant 1.000000e+00 : f32
        %div3A_703 = vector.broadcast %div3A_702 : f32 to vector<16xf32>
        %div3A_704 = arith.divf %div3A_703, %add3A_701 : vector<16xf32>
        %mul3A_705 = arith.mulf %div3A_704, %get3A_694 : vector<16xf32>
        %mul3A_706 = arith.mulf %mul3A_705, %gather3A_586 : vector<16xf32>
        %swap3A_707 = arith.index_cast %scan3A_553 : i32 to index
        %swap3A_708 = arith.constant 64 : index
        %swap3A_709 = tpu.vector_load %arg27[%swap3A_707, %swap3A_708] {strides = array<i32>} : memref<40x128xf32, #tpu.memory_space<vmem>>, vector<1x16xf32>,
        %swap3A_710 = vector.shape_cast %swap3A_709 : vector<1x16xf32> to vector<16xf32>
        %swap3A_711 = vector.shape_cast %mul3A_706 : vector<16xf32> to vector<1x16xf32>
        tpu.vector_store %arg27[%swap3A_707, %swap3A_708], %swap3A_711 {strides = array<i32>} : memref<40x128xf32, #tpu.memory_space<vmem>>, vector<1x16xf32>,
        %get3A_712 = arith.index_cast %scan3A_553 : i32 to index
        %get3A_713 = arith.constant 80 : index
        %get3A_714 = tpu.vector_load %arg23[%get3A_712, %get3A_713] {strides = array<i32>} : memref<40x128xf32, #tpu.memory_space<vmem>>, vector<1x16xf32>,
        %get3A_715 = vector.shape_cast %get3A_714 : vector<1x16xf32> to vector<16xf32>
        %get3A_716 = arith.index_cast %scan3A_553 : i32 to index
        %get3A_717 = arith.constant 80 : index
        %get3A_718 = tpu.vector_load %arg24[%get3A_716, %get3A_717] {strides = array<i32>} : memref<40x128xf32, #tpu.memory_space<vmem>>, vector<1x16xf32>,
        %get3A_719 = vector.shape_cast %get3A_718 : vector<1x16xf32> to vector<16xf32>
        %neg3A_720 = arith.constant 0.000000e+00 : f32
        %neg3A_721 = vector.broadcast %neg3A_720 : f32 to vector<16xf32>
        %neg3A_722 = arith.subf %neg3A_721, %get3A_715 : vector<16xf32>
        %exp3A_723 = math.exp %neg3A_722 : vector<16xf32>
        %add3A_724 = arith.constant 1.000000e+00 : f32
        %add3A_725 = vector.broadcast %add3A_724 : f32 to vector<16xf32>
        %add3A_726 = arith.addf %add3A_725, %exp3A_723 : vector<16xf32>
        %div3A_727 = arith.constant 1.000000e+00 : f32
        %div3A_728 = vector.broadcast %div3A_727 : f32 to vector<16xf32>
        %div3A_729 = arith.divf %div3A_728, %add3A_726 : vector<16xf32>
        %mul3A_730 = arith.mulf %div3A_729, %get3A_719 : vector<16xf32>
        %mul3A_731 = arith.mulf %mul3A_730, %gather3A_586 : vector<16xf32>
        %swap3A_732 = arith.index_cast %scan3A_553 : i32 to index
        %swap3A_733 = arith.constant 80 : index
        %swap3A_734 = tpu.vector_load %arg27[%swap3A_732, %swap3A_733] {strides = array<i32>} : memref<40x128xf32, #tpu.memory_space<vmem>>, vector<1x16xf32>,
        %swap3A_735 = vector.shape_cast %swap3A_734 : vector<1x16xf32> to vector<16xf32>
        %swap3A_736 = vector.shape_cast %mul3A_731 : vector<16xf32> to vector<1x16xf32>
        tpu.vector_store %arg27[%swap3A_732, %swap3A_733], %swap3A_736 {strides = array<i32>} : memref<40x128xf32, #tpu.memory_space<vmem>>, vector<1x16xf32>,
        %get3A_737 = arith.index_cast %scan3A_553 : i32 to index
        %get3A_738 = arith.constant 96 : index
        %get3A_739 = tpu.vector_load %arg23[%get3A_737, %get3A_738] {strides = array<i32>} : memref<40x128xf32, #tpu.memory_space<vmem>>, vector<1x16xf32>,
        %get3A_740 = vector.shape_cast %get3A_739 : vector<1x16xf32> to vector<16xf32>
        %get3A_741 = arith.index_cast %scan3A_553 : i32 to index
        %get3A_742 = arith.constant 96 : index
        %get3A_743 = tpu.vector_load %arg24[%get3A_741, %get3A_742] {strides = array<i32>} : memref<40x128xf32, #tpu.memory_space<vmem>>, vector<1x16xf32>,
        %get3A_744 = vector.shape_cast %get3A_743 : vector<1x16xf32> to vector<16xf32>
        %neg3A_745 = arith.constant 0.000000e+00 : f32
        %neg3A_746 = vector.broadcast %neg3A_745 : f32 to vector<16xf32>
        %neg3A_747 = arith.subf %neg3A_746, %get3A_740 : vector<16xf32>
        %exp3A_748 = math.exp %neg3A_747 : vector<16xf32>
        %add3A_749 = arith.constant 1.000000e+00 : f32
        %add3A_750 = vector.broadcast %add3A_749 : f32 to vector<16xf32>
        %add3A_751 = arith.addf %add3A_750, %exp3A_748 : vector<16xf32>
        %div3A_752 = arith.constant 1.000000e+00 : f32
        %div3A_753 = vector.broadcast %div3A_752 : f32 to vector<16xf32>
        %div3A_754 = arith.divf %div3A_753, %add3A_751 : vector<16xf32>
        %mul3A_755 = arith.mulf %div3A_754, %get3A_744 : vector<16xf32>
        %mul3A_756 = arith.mulf %mul3A_755, %gather3A_586 : vector<16xf32>
        %swap3A_757 = arith.index_cast %scan3A_553 : i32 to index
        %swap3A_758 = arith.constant 96 : index
        %swap3A_759 = tpu.vector_load %arg27[%swap3A_757, %swap3A_758] {strides = array<i32>} : memref<40x128xf32, #tpu.memory_space<vmem>>, vector<1x16xf32>,
        %swap3A_760 = vector.shape_cast %swap3A_759 : vector<1x16xf32> to vector<16xf32>
        %swap3A_761 = vector.shape_cast %mul3A_756 : vector<16xf32> to vector<1x16xf32>
        tpu.vector_store %arg27[%swap3A_757, %swap3A_758], %swap3A_761 {strides = array<i32>} : memref<40x128xf32, #tpu.memory_space<vmem>>, vector<1x16xf32>,
        %get3A_762 = arith.index_cast %scan3A_553 : i32 to index
        %get3A_763 = arith.constant 112 : index
        %get3A_764 = tpu.vector_load %arg23[%get3A_762, %get3A_763] {strides = array<i32>} : memref<40x128xf32, #tpu.memory_space<vmem>>, vector<1x16xf32>,
        %get3A_765 = vector.shape_cast %get3A_764 : vector<1x16xf32> to vector<16xf32>
        %get3A_766 = arith.index_cast %scan3A_553 : i32 to index
        %get3A_767 = arith.constant 112 : index
        %get3A_768 = tpu.vector_load %arg24[%get3A_766, %get3A_767] {strides = array<i32>} : memref<40x128xf32, #tpu.memory_space<vmem>>, vector<1x16xf32>,
        %get3A_769 = vector.shape_cast %get3A_768 : vector<1x16xf32> to vector<16xf32>
        %neg3A_770 = arith.constant 0.000000e+00 : f32
        %neg3A_771 = vector.broadcast %neg3A_770 : f32 to vector<16xf32>
        %neg3A_772 = arith.subf %neg3A_771, %get3A_765 : vector<16xf32>
        %exp3A_773 = math.exp %neg3A_772 : vector<16xf32>
        %add3A_774 = arith.constant 1.000000e+00 : f32
        %add3A_775 = vector.broadcast %add3A_774 : f32 to vector<16xf32>
        %add3A_776 = arith.addf %add3A_775, %exp3A_773 : vector<16xf32>
        %div3A_777 = arith.constant 1.000000e+00 : f32
        %div3A_778 = vector.broadcast %div3A_777 : f32 to vector<16xf32>
        %div3A_779 = arith.divf %div3A_778, %add3A_776 : vector<16xf32>
        %mul3A_780 = arith.mulf %div3A_779, %get3A_769 : vector<16xf32>
        %mul3A_781 = arith.mulf %mul3A_780, %gather3A_586 : vector<16xf32>
        %swap3A_782 = arith.index_cast %scan3A_553 : i32 to index
        %swap3A_783 = arith.constant 112 : index
        %swap3A_784 = tpu.vector_load %arg27[%swap3A_782, %swap3A_783] {strides = array<i32>} : memref<40x128xf32, #tpu.memory_space<vmem>>, vector<1x16xf32>,
        %swap3A_785 = vector.shape_cast %swap3A_784 : vector<1x16xf32> to vector<16xf32>
        %swap3A_786 = vector.shape_cast %mul3A_781 : vector<16xf32> to vector<1x16xf32>
        tpu.vector_store %arg27[%swap3A_782, %swap3A_783], %swap3A_786 {strides = array<i32>} : memref<40x128xf32, #tpu.memory_space<vmem>>, vector<1x16xf32>,
        %scan3A_787 = arith.constant 3 : i32
        %scan3A_788 = arith.addi %scan3A_97, %scan3A_787 : i32
        %jit3A_789 = arith.constant 16 : i32
        %div3A_790 = arith.divsi %scan3A_788, %jit3A_789 : i32
        %sign3A_791 = arith.constant 0 : i32
        %sign3A_792 = arith.cmpi sgt, %scan3A_788, %sign3A_791 : i32
        %sign3A_793 = arith.extui %sign3A_792 : i1 to i32
        %sign3A_794 = arith.constant 0 : i32
        %sign3A_795 = arith.cmpi slt, %scan3A_788, %sign3A_794 : i32
        %sign3A_796 = arith.extui %sign3A_795 : i1 to i32
        %sign3A_797 = arith.subi %sign3A_793, %sign3A_796 : i32
        %sign3A_798 = arith.constant 0 : i32
        %sign3A_799 = arith.cmpi sgt, %jit3A_789, %sign3A_798 : i32
        %sign3A_800 = arith.extui %sign3A_799 : i1 to i32
        %sign3A_801 = arith.constant 0 : i32
        %sign3A_802 = arith.cmpi slt, %jit3A_789, %sign3A_801 : i32
        %sign3A_803 = arith.extui %sign3A_802 : i1 to i32
        %sign3A_804 = arith.subi %sign3A_800, %sign3A_803 : i32
        %ne3A_805 = arith.cmpi ne, %sign3A_797, %sign3A_804 : i32
        %rem3A_806 = arith.remsi %scan3A_788, %jit3A_789 : i32
        %ne3A_807 = arith.constant 0 : i32
        %ne3A_808 = arith.cmpi ne, %rem3A_806, %ne3A_807 : i32
        %and3A_809 = arith.andi %ne3A_805, %ne3A_808 : i1
        %sub3A_810 = arith.constant 1 : i32
        %sub3A_811 = arith.subi %div3A_790, %sub3A_810 : i32
        %select_n3A_812 = arith.select %and3A_809, %sub3A_811, %div3A_790 : i32
        %mul3A_813 = arith.constant 16 : i32
        %mul3A_814 = arith.muli %select_n3A_812, %mul3A_813 : i32
        %get3A_815 = arith.index_cast %mul3A_814 : i32 to index
        %get3A_816 = tpu.vector_load %arg22[%get3A_815] {strides = array<i32>} : memref<40xf32, #tpu.memory_space<vmem>>, vector<16xf32>,
        %get3A_817 = vector.shape_cast %get3A_816 : vector<16xf32> to vector<16xf32>
        %sub3A_818 = arith.subi %scan3A_788, %mul3A_814 : i32
        %broadcast_in_dim3A_819 = vector.broadcast %sub3A_818 : i32 to vector<16x1xi32>
        %gather3A_820 = vector.shape_cast %broadcast_in_dim3A_819 : vector<16x1xi32> to vector<16xi32>
        %gather3A_821 = tpu.dynamic_gather %get3A_817[%gather3A_820] in [0] : vector<16xf32>, vector<16xi32> -> vector<16xf32>
        %get3A_822 = arith.index_cast %scan3A_788 : i32 to index
        %get3A_823 = arith.constant 0 : index
        %get3A_824 = tpu.vector_load %arg23[%get3A_822, %get3A_823] {strides = array<i32>} : memref<40x128xf32, #tpu.memory_space<vmem>>, vector<1x16xf32>,
        %get3A_825 = vector.shape_cast %get3A_824 : vector<1x16xf32> to vector<16xf32>
        %get3A_826 = arith.index_cast %scan3A_788 : i32 to index
        %get3A_827 = arith.constant 0 : index
        %get3A_828 = tpu.vector_load %arg24[%get3A_826, %get3A_827] {strides = array<i32>} : memref<40x128xf32, #tpu.memory_space<vmem>>, vector<1x16xf32>,
        %get3A_829 = vector.shape_cast %get3A_828 : vector<1x16xf32> to vector<16xf32>
        %neg3A_830 = arith.constant 0.000000e+00 : f32
        %neg3A_831 = vector.broadcast %neg3A_830 : f32 to vector<16xf32>
        %neg3A_832 = arith.subf %neg3A_831, %get3A_825 : vector<16xf32>
        %exp3A_833 = math.exp %neg3A_832 : vector<16xf32>
        %add3A_834 = arith.constant 1.000000e+00 : f32
        %add3A_835 = vector.broadcast %add3A_834 : f32 to vector<16xf32>
        %add3A_836 = arith.addf %add3A_835, %exp3A_833 : vector<16xf32>
        %div3A_837 = arith.constant 1.000000e+00 : f32
        %div3A_838 = vector.broadcast %div3A_837 : f32 to vector<16xf32>
        %div3A_839 = arith.divf %div3A_838, %add3A_836 : vector<16xf32>
        %mul3A_840 = arith.mulf %div3A_839, %get3A_829 : vector<16xf32>
        %mul3A_841 = arith.mulf %mul3A_840, %gather3A_821 : vector<16xf32>
        %swap3A_842 = arith.index_cast %scan3A_788 : i32 to index
        %swap3A_843 = arith.constant 0 : index
        %swap3A_844 = tpu.vector_load %arg27[%swap3A_842, %swap3A_843] {strides = array<i32>} : memref<40x128xf32, #tpu.memory_space<vmem>>, vector<1x16xf32>,
        %swap3A_845 = vector.shape_cast %swap3A_844 : vector<1x16xf32> to vector<16xf32>
        %swap3A_846 = vector.shape_cast %mul3A_841 : vector<16xf32> to vector<1x16xf32>
        tpu.vector_store %arg27[%swap3A_842, %swap3A_843], %swap3A_846 {strides = array<i32>} : memref<40x128xf32, #tpu.memory_space<vmem>>, vector<1x16xf32>,
        %get3A_847 = arith.index_cast %scan3A_788 : i32 to index
        %get3A_848 = arith.constant 16 : index
        %get3A_849 = tpu.vector_load %arg23[%get3A_847, %get3A_848] {strides = array<i32>} : memref<40x128xf32, #tpu.memory_space<vmem>>, vector<1x16xf32>,
        %get3A_850 = vector.shape_cast %get3A_849 : vector<1x16xf32> to vector<16xf32>
        %get3A_851 = arith.index_cast %scan3A_788 : i32 to index
        %get3A_852 = arith.constant 16 : index
        %get3A_853 = tpu.vector_load %arg24[%get3A_851, %get3A_852] {strides = array<i32>} : memref<40x128xf32, #tpu.memory_space<vmem>>, vector<1x16xf32>,
        %get3A_854 = vector.shape_cast %get3A_853 : vector<1x16xf32> to vector<16xf32>
        %neg3A_855 = arith.constant 0.000000e+00 : f32
        %neg3A_856 = vector.broadcast %neg3A_855 : f32 to vector<16xf32>
        %neg3A_857 = arith.subf %neg3A_856, %get3A_850 : vector<16xf32>
        %exp3A_858 = math.exp %neg3A_857 : vector<16xf32>
        %add3A_859 = arith.constant 1.000000e+00 : f32
        %add3A_860 = vector.broadcast %add3A_859 : f32 to vector<16xf32>
        %add3A_861 = arith.addf %add3A_860, %exp3A_858 : vector<16xf32>
        %div3A_862 = arith.constant 1.000000e+00 : f32
        %div3A_863 = vector.broadcast %div3A_862 : f32 to vector<16xf32>
        %div3A_864 = arith.divf %div3A_863, %add3A_861 : vector<16xf32>
        %mul3A_865 = arith.mulf %div3A_864, %get3A_854 : vector<16xf32>
        %mul3A_866 = arith.mulf %mul3A_865, %gather3A_821 : vector<16xf32>
        %swap3A_867 = arith.index_cast %scan3A_788 : i32 to index
        %swap3A_868 = arith.constant 16 : index
        %swap3A_869 = tpu.vector_load %arg27[%swap3A_867, %swap3A_868] {strides = array<i32>} : memref<40x128xf32, #tpu.memory_space<vmem>>, vector<1x16xf32>,
        %swap3A_870 = vector.shape_cast %swap3A_869 : vector<1x16xf32> to vector<16xf32>
        %swap3A_871 = vector.shape_cast %mul3A_866 : vector<16xf32> to vector<1x16xf32>
        tpu.vector_store %arg27[%swap3A_867, %swap3A_868], %swap3A_871 {strides = array<i32>} : memref<40x128xf32, #tpu.memory_space<vmem>>, vector<1x16xf32>,
        %get3A_872 = arith.index_cast %scan3A_788 : i32 to index
        %get3A_873 = arith.constant 32 : index
        %get3A_874 = tpu.vector_load %arg23[%get3A_872, %get3A_873] {strides = array<i32>} : memref<40x128xf32, #tpu.memory_space<vmem>>, vector<1x16xf32>,
        %get3A_875 = vector.shape_cast %get3A_874 : vector<1x16xf32> to vector<16xf32>
        %get3A_876 = arith.index_cast %scan3A_788 : i32 to index
        %get3A_877 = arith.constant 32 : index
        %get3A_878 = tpu.vector_load %arg24[%get3A_876, %get3A_877] {strides = array<i32>} : memref<40x128xf32, #tpu.memory_space<vmem>>, vector<1x16xf32>,
        %get3A_879 = vector.shape_cast %get3A_878 : vector<1x16xf32> to vector<16xf32>
        %neg3A_880 = arith.constant 0.000000e+00 : f32
        %neg3A_881 = vector.broadcast %neg3A_880 : f32 to vector<16xf32>
        %neg3A_882 = arith.subf %neg3A_881, %get3A_875 : vector<16xf32>
        %exp3A_883 = math.exp %neg3A_882 : vector<16xf32>
        %add3A_884 = arith.constant 1.000000e+00 : f32
        %add3A_885 = vector.broadcast %add3A_884 : f32 to vector<16xf32>
        %add3A_886 = arith.addf %add3A_885, %exp3A_883 : vector<16xf32>
        %div3A_887 = arith.constant 1.000000e+00 : f32
        %div3A_888 = vector.broadcast %div3A_887 : f32 to vector<16xf32>
        %div3A_889 = arith.divf %div3A_888, %add3A_886 : vector<16xf32>
        %mul3A_890 = arith.mulf %div3A_889, %get3A_879 : vector<16xf32>
        %mul3A_891 = arith.mulf %mul3A_890, %gather3A_821 : vector<16xf32>
        %swap3A_892 = arith.index_cast %scan3A_788 : i32 to index
        %swap3A_893 = arith.constant 32 : index
        %swap3A_894 = tpu.vector_load %arg27[%swap3A_892, %swap3A_893] {strides = array<i32>} : memref<40x128xf32, #tpu.memory_space<vmem>>, vector<1x16xf32>,
        %swap3A_895 = vector.shape_cast %swap3A_894 : vector<1x16xf32> to vector<16xf32>
        %swap3A_896 = vector.shape_cast %mul3A_891 : vector<16xf32> to vector<1x16xf32>
        tpu.vector_store %arg27[%swap3A_892, %swap3A_893], %swap3A_896 {strides = array<i32>} : memref<40x128xf32, #tpu.memory_space<vmem>>, vector<1x16xf32>,
        %get3A_897 = arith.index_cast %scan3A_788 : i32 to index
        %get3A_898 = arith.constant 48 : index
        %get3A_899 = tpu.vector_load %arg23[%get3A_897, %get3A_898] {strides = array<i32>} : memref<40x128xf32, #tpu.memory_space<vmem>>, vector<1x16xf32>,
        %get3A_900 = vector.shape_cast %get3A_899 : vector<1x16xf32> to vector<16xf32>
        %get3A_901 = arith.index_cast %scan3A_788 : i32 to index
        %get3A_902 = arith.constant 48 : index
        %get3A_903 = tpu.vector_load %arg24[%get3A_901, %get3A_902] {strides = array<i32>} : memref<40x128xf32, #tpu.memory_space<vmem>>, vector<1x16xf32>,
        %get3A_904 = vector.shape_cast %get3A_903 : vector<1x16xf32> to vector<16xf32>
        %neg3A_905 = arith.constant 0.000000e+00 : f32
        %neg3A_906 = vector.broadcast %neg3A_905 : f32 to vector<16xf32>
        %neg3A_907 = arith.subf %neg3A_906, %get3A_900 : vector<16xf32>
        %exp3A_908 = math.exp %neg3A_907 : vector<16xf32>
        %add3A_909 = arith.constant 1.000000e+00 : f32
        %add3A_910 = vector.broadcast %add3A_909 : f32 to vector<16xf32>
        %add3A_911 = arith.addf %add3A_910, %exp3A_908 : vector<16xf32>
        %div3A_912 = arith.constant 1.000000e+00 : f32
        %div3A_913 = vector.broadcast %div3A_912 : f32 to vector<16xf32>
        %div3A_914 = arith.divf %div3A_913, %add3A_911 : vector<16xf32>
        %mul3A_915 = arith.mulf %div3A_914, %get3A_904 : vector<16xf32>
        %mul3A_916 = arith.mulf %mul3A_915, %gather3A_821 : vector<16xf32>
        %swap3A_917 = arith.index_cast %scan3A_788 : i32 to index
        %swap3A_918 = arith.constant 48 : index
        %swap3A_919 = tpu.vector_load %arg27[%swap3A_917, %swap3A_918] {strides = array<i32>} : memref<40x128xf32, #tpu.memory_space<vmem>>, vector<1x16xf32>,
        %swap3A_920 = vector.shape_cast %swap3A_919 : vector<1x16xf32> to vector<16xf32>
        %swap3A_921 = vector.shape_cast %mul3A_916 : vector<16xf32> to vector<1x16xf32>
        tpu.vector_store %arg27[%swap3A_917, %swap3A_918], %swap3A_921 {strides = array<i32>} : memref<40x128xf32, #tpu.memory_space<vmem>>, vector<1x16xf32>,
        %get3A_922 = arith.index_cast %scan3A_788 : i32 to index
        %get3A_923 = arith.constant 64 : index
        %get3A_924 = tpu.vector_load %arg23[%get3A_922, %get3A_923] {strides = array<i32>} : memref<40x128xf32, #tpu.memory_space<vmem>>, vector<1x16xf32>,
        %get3A_925 = vector.shape_cast %get3A_924 : vector<1x16xf32> to vector<16xf32>
        %get3A_926 = arith.index_cast %scan3A_788 : i32 to index
        %get3A_927 = arith.constant 64 : index
        %get3A_928 = tpu.vector_load %arg24[%get3A_926, %get3A_927] {strides = array<i32>} : memref<40x128xf32, #tpu.memory_space<vmem>>, vector<1x16xf32>,
        %get3A_929 = vector.shape_cast %get3A_928 : vector<1x16xf32> to vector<16xf32>
        %neg3A_930 = arith.constant 0.000000e+00 : f32
        %neg3A_931 = vector.broadcast %neg3A_930 : f32 to vector<16xf32>
        %neg3A_932 = arith.subf %neg3A_931, %get3A_925 : vector<16xf32>
        %exp3A_933 = math.exp %neg3A_932 : vector<16xf32>
        %add3A_934 = arith.constant 1.000000e+00 : f32
        %add3A_935 = vector.broadcast %add3A_934 : f32 to vector<16xf32>
        %add3A_936 = arith.addf %add3A_935, %exp3A_933 : vector<16xf32>
        %div3A_937 = arith.constant 1.000000e+00 : f32
        %div3A_938 = vector.broadcast %div3A_937 : f32 to vector<16xf32>
        %div3A_939 = arith.divf %div3A_938, %add3A_936 : vector<16xf32>
        %mul3A_940 = arith.mulf %div3A_939, %get3A_929 : vector<16xf32>
        %mul3A_941 = arith.mulf %mul3A_940, %gather3A_821 : vector<16xf32>
        %swap3A_942 = arith.index_cast %scan3A_788 : i32 to index
        %swap3A_943 = arith.constant 64 : index
        %swap3A_944 = tpu.vector_load %arg27[%swap3A_942, %swap3A_943] {strides = array<i32>} : memref<40x128xf32, #tpu.memory_space<vmem>>, vector<1x16xf32>,
        %swap3A_945 = vector.shape_cast %swap3A_944 : vector<1x16xf32> to vector<16xf32>
        %swap3A_946 = vector.shape_cast %mul3A_941 : vector<16xf32> to vector<1x16xf32>
        tpu.vector_store %arg27[%swap3A_942, %swap3A_943], %swap3A_946 {strides = array<i32>} : memref<40x128xf32, #tpu.memory_space<vmem>>, vector<1x16xf32>,
        %get3A_947 = arith.index_cast %scan3A_788 : i32 to index
        %get3A_948 = arith.constant 80 : index
        %get3A_949 = tpu.vector_load %arg23[%get3A_947, %get3A_948] {strides = array<i32>} : memref<40x128xf32, #tpu.memory_space<vmem>>, vector<1x16xf32>,
        %get3A_950 = vector.shape_cast %get3A_949 : vector<1x16xf32> to vector<16xf32>
        %get3A_951 = arith.index_cast %scan3A_788 : i32 to index
        %get3A_952 = arith.constant 80 : index
        %get3A_953 = tpu.vector_load %arg24[%get3A_951, %get3A_952] {strides = array<i32>} : memref<40x128xf32, #tpu.memory_space<vmem>>, vector<1x16xf32>,
        %get3A_954 = vector.shape_cast %get3A_953 : vector<1x16xf32> to vector<16xf32>
        %neg3A_955 = arith.constant 0.000000e+00 : f32
        %neg3A_956 = vector.broadcast %neg3A_955 : f32 to vector<16xf32>
        %neg3A_957 = arith.subf %neg3A_956, %get3A_950 : vector<16xf32>
        %exp3A_958 = math.exp %neg3A_957 : vector<16xf32>
        %add3A_959 = arith.constant 1.000000e+00 : f32
        %add3A_960 = vector.broadcast %add3A_959 : f32 to vector<16xf32>
        %add3A_961 = arith.addf %add3A_960, %exp3A_958 : vector<16xf32>
        %div3A_962 = arith.constant 1.000000e+00 : f32
        %div3A_963 = vector.broadcast %div3A_962 : f32 to vector<16xf32>
        %div3A_964 = arith.divf %div3A_963, %add3A_961 : vector<16xf32>
        %mul3A_965 = arith.mulf %div3A_964, %get3A_954 : vector<16xf32>
        %mul3A_966 = arith.mulf %mul3A_965, %gather3A_821 : vector<16xf32>
        %swap3A_967 = arith.index_cast %scan3A_788 : i32 to index
        %swap3A_968 = arith.constant 80 : index
        %swap3A_969 = tpu.vector_load %arg27[%swap3A_967, %swap3A_968] {strides = array<i32>} : memref<40x128xf32, #tpu.memory_space<vmem>>, vector<1x16xf32>,
        %swap3A_970 = vector.shape_cast %swap3A_969 : vector<1x16xf32> to vector<16xf32>
        %swap3A_971 = vector.shape_cast %mul3A_966 : vector<16xf32> to vector<1x16xf32>
        tpu.vector_store %arg27[%swap3A_967, %swap3A_968], %swap3A_971 {strides = array<i32>} : memref<40x128xf32, #tpu.memory_space<vmem>>, vector<1x16xf32>,
        %get3A_972 = arith.index_cast %scan3A_788 : i32 to index
        %get3A_973 = arith.constant 96 : index
        %get3A_974 = tpu.vector_load %arg23[%get3A_972, %get3A_973] {strides = array<i32>} : memref<40x128xf32, #tpu.memory_space<vmem>>, vector<1x16xf32>,
        %get3A_975 = vector.shape_cast %get3A_974 : vector<1x16xf32> to vector<16xf32>
        %get3A_976 = arith.index_cast %scan3A_788 : i32 to index
        %get3A_977 = arith.constant 96 : index
        %get3A_978 = tpu.vector_load %arg24[%get3A_976, %get3A_977] {strides = array<i32>} : memref<40x128xf32, #tpu.memory_space<vmem>>, vector<1x16xf32>,
        %get3A_979 = vector.shape_cast %get3A_978 : vector<1x16xf32> to vector<16xf32>
        %neg3A_980 = arith.constant 0.000000e+00 : f32
        %neg3A_981 = vector.broadcast %neg3A_980 : f32 to vector<16xf32>
        %neg3A_982 = arith.subf %neg3A_981, %get3A_975 : vector<16xf32>
        %exp3A_983 = math.exp %neg3A_982 : vector<16xf32>
        %add3A_984 = arith.constant 1.000000e+00 : f32
        %add3A_985 = vector.broadcast %add3A_984 : f32 to vector<16xf32>
        %add3A_986 = arith.addf %add3A_985, %exp3A_983 : vector<16xf32>
        %div3A_987 = arith.constant 1.000000e+00 : f32
        %div3A_988 = vector.broadcast %div3A_987 : f32 to vector<16xf32>
        %div3A_989 = arith.divf %div3A_988, %add3A_986 : vector<16xf32>
        %mul3A_990 = arith.mulf %div3A_989, %get3A_979 : vector<16xf32>
        %mul3A_991 = arith.mulf %mul3A_990, %gather3A_821 : vector<16xf32>
        %swap3A_992 = arith.index_cast %scan3A_788 : i32 to index
        %swap3A_993 = arith.constant 96 : index
        %swap3A_994 = tpu.vector_load %arg27[%swap3A_992, %swap3A_993] {strides = array<i32>} : memref<40x128xf32, #tpu.memory_space<vmem>>, vector<1x16xf32>,
        %swap3A_995 = vector.shape_cast %swap3A_994 : vector<1x16xf32> to vector<16xf32>
        %swap3A_996 = vector.shape_cast %mul3A_991 : vector<16xf32> to vector<1x16xf32>
        tpu.vector_store %arg27[%swap3A_992, %swap3A_993], %swap3A_996 {strides = array<i32>} : memref<40x128xf32, #tpu.memory_space<vmem>>, vector<1x16xf32>,
        %get3A_997 = arith.index_cast %scan3A_788 : i32 to index
        %get3A_998 = arith.constant 112 : index
        %get3A_999 = tpu.vector_load %arg23[%get3A_997, %get3A_998] {strides = array<i32>} : memref<40x128xf32, #tpu.memory_space<vmem>>, vector<1x16xf32>,
        %get3A_1000 = vector.shape_cast %get3A_999 : vector<1x16xf32> to vector<16xf32>
        %get3A_1001 = arith.index_cast %scan3A_788 : i32 to index
        %get3A_1002 = arith.constant 112 : index
        %get3A_1003 = tpu.vector_load %arg24[%get3A_1001, %get3A_1002] {strides = array<i32>} : memref<40x128xf32, #tpu.memory_space<vmem>>, vector<1x16xf32>,
        %get3A_1004 = vector.shape_cast %get3A_1003 : vector<1x16xf32> to vector<16xf32>
        %neg3A_1005 = arith.constant 0.000000e+00 : f32
        %neg3A_1006 = vector.broadcast %neg3A_1005 : f32 to vector<16xf32>
        %neg3A_1007 = arith.subf %neg3A_1006, %get3A_1000 : vector<16xf32>
        %exp3A_1008 = math.exp %neg3A_1007 : vector<16xf32>
        %add3A_1009 = arith.constant 1.000000e+00 : f32
        %add3A_1010 = vector.broadcast %add3A_1009 : f32 to vector<16xf32>
        %add3A_1011 = arith.addf %add3A_1010, %exp3A_1008 : vector<16xf32>
        %div3A_1012 = arith.constant 1.000000e+00 : f32
        %div3A_1013 = vector.broadcast %div3A_1012 : f32 to vector<16xf32>
        %div3A_1014 = arith.divf %div3A_1013, %add3A_1011 : vector<16xf32>
        %mul3A_1015 = arith.mulf %div3A_1014, %get3A_1004 : vector<16xf32>
        %mul3A_1016 = arith.mulf %mul3A_1015, %gather3A_821 : vector<16xf32>
        %swap3A_1017 = arith.index_cast %scan3A_788 : i32 to index
        %swap3A_1018 = arith.constant 112 : index
        %swap3A_1019 = tpu.vector_load %arg27[%swap3A_1017, %swap3A_1018] {strides = array<i32>} : memref<40x128xf32, #tpu.memory_space<vmem>>, vector<1x16xf32>,
        %swap3A_1020 = vector.shape_cast %swap3A_1019 : vector<1x16xf32> to vector<16xf32>
        %swap3A_1021 = vector.shape_cast %mul3A_1016 : vector<16xf32> to vector<1x16xf32>
        tpu.vector_store %arg27[%swap3A_1017, %swap3A_1018], %swap3A_1021 {strides = array<i32>} : memref<40x128xf32, #tpu.memory_space<vmem>>, vector<1x16xf32>,
      }
      %scan3A_93 = arith.constant 40 : i32
      %mul3A_94 = arith.constant 40 : i32
      %mul3A_95 = arith.muli %add3A_71, %mul3A_94 : i32
      %add3A_96 = arith.addi %mul3A_2, %mul3A_95 : i32
      "tpu.region"() ({
        %run_scoped3A = tpu.sem_alloc : memref<!tpu.dma_semaphore, #tpu.memory_space<semaphore_mem>>
        %dma_start3A_97 = arith.constant 0 : i32
        %dma_start3A_98 = tpu.memref_slice %arg10[%add3A_96, %dma_start3A_97] : memref<320000x128xf32, #tpu.memory_space<hbm>> -> memref<40x128xf32, #tpu.memory_space<hbm>>
        %dma_start3A_99 = arith.constant 0 : i32
        %dma_start3A_100 = tpu.memref_slice %arg10[%add3A_96, %dma_start3A_99] : memref<320000x128xf32, #tpu.memory_space<hbm>> -> memref<40x128xf32, #tpu.memory_space<hbm>>
        tpu.enqueue_dma source(%arg23 : memref<40x128xf32, #tpu.memory_space<vmem>>) target(%dma_start3A_100 : memref<40x128xf32, #tpu.memory_space<hbm>>) target_semaphore(%run_scoped3A : memref<!tpu.dma_semaphore, #tpu.memory_space<semaphore_mem>>)
        %dma_wait3A_101 = arith.constant 0 : i32
        %dma_wait3A_102 = tpu.memref_slice %arg10[%add3A_96, %dma_wait3A_101] : memref<320000x128xf32, #tpu.memory_space<hbm>> -> memref<40x128xf32, #tpu.memory_space<hbm>>
        %dma_wait3A_103 = arith.constant 0 : i32
        %dma_wait3A_104 = tpu.memref_slice %arg10[%add3A_96, %dma_wait3A_103] : memref<320000x128xf32, #tpu.memory_space<hbm>> -> memref<40x128xf32, #tpu.memory_space<hbm>>
        tpu.wait_dma2 semaphore(%run_scoped3A : memref<!tpu.dma_semaphore, #tpu.memory_space<semaphore_mem>>) src(%arg23 : memref<40x128xf32, #tpu.memory_space<vmem>>) dst(%dma_wait3A_104 : memref<40x128xf32, #tpu.memory_space<hbm>>)
        tpu.yield
      }) : () -> ()
      "tpu.region"() ({
        %run_scoped3A = tpu.sem_alloc : memref<!tpu.dma_semaphore, #tpu.memory_space<semaphore_mem>>
        %dma_start3A_97 = arith.constant 0 : i32
        %dma_start3A_98 = arith.constant 0 : i32
        %dma_start3A_99 = tpu.memref_slice %arg28[%dma_start3A_97, %dma_start3A_98] : memref<10240x128xf32, #tpu.memory_space<vmem_shared>> -> memref<10240x128xf32, #tpu.memory_space<vmem_shared>>
        tpu.enqueue_indirect_dma source(%arg27 : memref<40x128xf32, #tpu.memory_space<vmem>>) target(%dma_start3A_99 : memref<10240x128xf32, #tpu.memory_space<vmem_shared>>) offsets(%arg20 : memref<40xi32, #tpu.memory_space<vmem>>) semaphore(%run_scoped3A : memref<!tpu.dma_semaphore, #tpu.memory_space<semaphore_mem>>) {add = true}
        %dma_wait3A_100 = arith.constant 0 : i32
        %dma_wait3A_101 = arith.constant 0 : i32
        %dma_wait3A_102 = tpu.memref_slice %arg28[%dma_wait3A_100, %dma_wait3A_101] : memref<10240x128xf32, #tpu.memory_space<vmem_shared>> -> memref<10240x128xf32, #tpu.memory_space<vmem_shared>>
        tpu.wait_indirect_dma semaphore(%run_scoped3A : memref<!tpu.dma_semaphore, #tpu.memory_space<semaphore_mem>>) src(%arg27 : memref<40x128xf32, #tpu.memory_space<vmem>>) dst(%dma_wait3A_102 : memref<10240x128xf32, #tpu.memory_space<vmem_shared>>)
        tpu.yield
      }) : () -> ()
    }
    %scan3A_32 = arith.constant 125 : i32
    %barrier3A_33 = arith.constant 0 : index
    tpu.barrier barrier_id(%barrier3A_33)
    %eq3A = arith.constant 0 : i32
    %eq3A_34 = arith.cmpi eq, %arg0, %eq3A : i32
    %convert_element_type3A = arith.extui %eq3A_34 : i1 to i32
    %cond3A = arith.constant 0 : i32
    %cond3A_35 = arith.cmpi ne, %convert_element_type3A, %cond3A : i32
    scf.if %cond3A_35 {
      %mul3A_41 = arith.constant 640 : i32
      %mul3A_42 = arith.muli %arg1, %mul3A_41 : i32
      %mul3A_43 = arith.constant 640 : i32
      %mul3A_44 = arith.muli %arg1, %mul3A_43 : i32
      "tpu.region"() ({
        %run_scoped3A = tpu.sem_alloc : memref<!tpu.dma_semaphore, #tpu.memory_space<semaphore_mem>>
        %dma_start3A_45 = arith.constant 0 : i32
        %dma_start3A_46 = tpu.memref_slice %arg11[%mul3A_44, %dma_start3A_45] : memref<10240x128xf32, #tpu.memory_space<hbm>> -> memref<640x128xf32, #tpu.memory_space<hbm>>
        %dma_start3A_47 = arith.constant 0 : i32
        %dma_start3A_48 = tpu.memref_slice %arg28[%mul3A_42, %dma_start3A_47] : memref<10240x128xf32, #tpu.memory_space<vmem_shared>> -> memref<640x128xf32, #tpu.memory_space<vmem_shared>>
        tpu.enqueue_dma source(%dma_start3A_48 : memref<640x128xf32, #tpu.memory_space<vmem_shared>>) target(%dma_start3A_46 : memref<640x128xf32, #tpu.memory_space<hbm>>) target_semaphore(%run_scoped3A : memref<!tpu.dma_semaphore, #tpu.memory_space<semaphore_mem>>)
        %dma_wait3A_49 = arith.constant 0 : i32
        %dma_wait3A_50 = tpu.memref_slice %arg11[%mul3A_44, %dma_wait3A_49] : memref<10240x128xf32, #tpu.memory_space<hbm>> -> memref<640x128xf32, #tpu.memory_space<hbm>>
        %dma_wait3A_51 = arith.constant 0 : i32
        %dma_wait3A_52 = tpu.memref_slice %arg28[%mul3A_42, %dma_wait3A_51] : memref<10240x128xf32, #tpu.memory_space<vmem_shared>> -> memref<640x128xf32, #tpu.memory_space<vmem_shared>>
        tpu.wait_dma2 semaphore(%run_scoped3A : memref<!tpu.dma_semaphore, #tpu.memory_space<semaphore_mem>>) src(%dma_wait3A_52 : memref<640x128xf32, #tpu.memory_space<vmem_shared>>) dst(%dma_wait3A_50 : memref<640x128xf32, #tpu.memory_space<hbm>>)
        tpu.yield
      }) : () -> ()
    } else {
    }
    %eq3A_36 = arith.constant 1 : i32
    %eq3A_37 = arith.cmpi eq, %arg0, %eq3A_36 : i32
    %convert_element_type3A_38 = arith.extui %eq3A_37 : i1 to i32
    %cond3A_39 = arith.constant 0 : i32
    %cond3A_40 = arith.cmpi ne, %convert_element_type3A_38, %cond3A_39 : i32
    scf.if %cond3A_40 {
      %mul3A_41 = arith.constant 640 : i32
      %mul3A_42 = arith.muli %arg1, %mul3A_41 : i32
      %mul3A_43 = arith.constant 640 : i32
      %mul3A_44 = arith.muli %arg1, %mul3A_43 : i32
      "tpu.region"() ({
        %run_scoped3A = tpu.sem_alloc : memref<!tpu.dma_semaphore, #tpu.memory_space<semaphore_mem>>
        %dma_start3A_45 = arith.constant 0 : i32
        %dma_start3A_46 = tpu.memref_slice %arg12[%mul3A_44, %dma_start3A_45] : memref<10240x128xf32, #tpu.memory_space<hbm>> -> memref<640x128xf32, #tpu.memory_space<hbm>>
        %dma_start3A_47 = arith.constant 0 : i32
        %dma_start3A_48 = tpu.memref_slice %arg28[%mul3A_42, %dma_start3A_47] : memref<10240x128xf32, #tpu.memory_space<vmem_shared>> -> memref<640x128xf32, #tpu.memory_space<vmem_shared>>
        tpu.enqueue_dma source(%dma_start3A_48 : memref<640x128xf32, #tpu.memory_space<vmem_shared>>) target(%dma_start3A_46 : memref<640x128xf32, #tpu.memory_space<hbm>>) target_semaphore(%run_scoped3A : memref<!tpu.dma_semaphore, #tpu.memory_space<semaphore_mem>>)
        %dma_wait3A_49 = arith.constant 0 : i32
        %dma_wait3A_50 = tpu.memref_slice %arg12[%mul3A_44, %dma_wait3A_49] : memref<10240x128xf32, #tpu.memory_space<hbm>> -> memref<640x128xf32, #tpu.memory_space<hbm>>
        %dma_wait3A_51 = arith.constant 0 : i32
        %dma_wait3A_52 = tpu.memref_slice %arg28[%mul3A_42, %dma_wait3A_51] : memref<10240x128xf32, #tpu.memory_space<vmem_shared>> -> memref<640x128xf32, #tpu.memory_space<vmem_shared>>
        tpu.wait_dma2 semaphore(%run_scoped3A : memref<!tpu.dma_semaphore, #tpu.memory_space<semaphore_mem>>) src(%dma_wait3A_52 : memref<640x128xf32, #tpu.memory_space<vmem_shared>>) dst(%dma_wait3A_50 : memref<640x128xf32, #tpu.memory_space<hbm>>)
        tpu.yield
      }) : () -> ()
    } else {
    }
    return
  }
}

module attributes {stable_mosaic.version = 14 : i64} {
  func.func @body(%arg0: i32, %arg1: memref<4000x16xf32, #tpu.memory_space<vmem>>, %arg2: memref<128x16xf32, #tpu.memory_space<vmem>>, %arg3: memref<1x128xf32, #tpu.memory_space<vmem>>, %arg4: memref<4000x128xf32, #tpu.memory_space<vmem>>) attributes {dimension_semantics = [#tpu.dimension_semantics<arbitrary>], iteration_bounds = array<i64: 80>, scalar_prefetch = 0 : i64, scratch_operands = 0 : i64, tpu.core_type = #tpu.core_type<tc>, window_params = [{transform_indices = @transform_0, window_bounds = array<i64: 4000, 16>}, {pipeline_mode = #tpu.pipeline_mode<synchronous>, transform_indices = @transform_1, window_bounds = array<i64: 128, 16>}, {pipeline_mode = #tpu.pipeline_mode<synchronous>, transform_indices = @transform_2, window_bounds = array<i64: 1, 128>}, {transform_indices = @transform_3, window_bounds = array<i64: 4000, 128>}]} {
    %get3A = arith.constant 0 : index
    %get3A_0 = arith.constant 0 : index
    %get3A_1 = vector.load %arg1[%get3A, %get3A_0] : memref<4000x16xf32, #tpu.memory_space<vmem>>, vector<4000x16xf32>
    %get3A_2 = arith.constant 0 : index
    %get3A_3 = arith.constant 0 : index
    %get3A_4 = vector.load %arg2[%get3A_2, %get3A_3] : memref<128x16xf32, #tpu.memory_space<vmem>>, vector<128x16xf32>
    %dot_general3A = arith.constant dense<0.000000e+00> : vector<4000x128xf32>
    %dot_general3A_5 = tpu.matmul %get3A_1, %get3A_4, %dot_general3A {dimension_numbers = #tpu.dot_dimension_numbers<[1], [1], [0], [0], [0, 0, 1, 0], [], []>, transpose_lhs_hint = false} : vector<4000x16xf32>, vector<128x16xf32>, vector<4000x128xf32> -> vector<4000x128xf32>
    %get3A_6 = arith.constant 0 : index
    %get3A_7 = arith.constant 0 : index
    %get3A_8 = vector.load %arg3[%get3A_6, %get3A_7] : memref<1x128xf32, #tpu.memory_space<vmem>>, vector<1x128xf32>
    %add3A = vector.broadcast %get3A_8 : vector<1x128xf32> to vector<4000x128xf32>
    %add3A_9 = arith.addf %dot_general3A_5, %add3A : vector<4000x128xf32>
    %swap3A = arith.constant 0 : index
    %swap3A_10 = arith.constant 0 : index
    %swap3A_11 = vector.load %arg4[%swap3A, %swap3A_10] : memref<4000x128xf32, #tpu.memory_space<vmem>>, vector<4000x128xf32>
    tpu.vector_store %arg4[%swap3A, %swap3A_10], %add3A_9 {strides = array<i32>} : memref<4000x128xf32, #tpu.memory_space<vmem>>, vector<4000x128xf32>,
    return
  }
  func.func @transform_0(%arg0: i32) -> (i32, i32) {
    %c0_i32 = arith.constant 0 : i32
    %c0_i32_0 = arith.constant 0 : i32
    return %arg0, %c0_i32 : i32, i32
  }
  func.func @transform_1(%arg0: i32) -> (i32, i32) {
    %c0_i32 = arith.constant 0 : i32
    %c0_i32_0 = arith.constant 0 : i32
    %c0_i32_1 = arith.constant 0 : i32
    return %c0_i32, %c0_i32_0 : i32, i32
  }
  func.func @transform_2(%arg0: i32) -> (i32, i32) {
    %c0_i32 = arith.constant 0 : i32
    %c0_i32_0 = arith.constant 0 : i32
    %c0_i32_1 = arith.constant 0 : i32
    return %c0_i32, %c0_i32_0 : i32, i32
  }
  func.func @transform_3(%arg0: i32) -> (i32, i32) {
    %c0_i32 = arith.constant 0 : i32
    %c0_i32_0 = arith.constant 0 : i32
    return %arg0, %c0_i32 : i32, i32
  }
}

module attributes {stable_mosaic.version = 14 : i64} {
  func.func @body(%arg0: i32, %arg1: memref<1000x128xf32, #tpu.memory_space<vmem>>, %arg2: memref<128x128xf32, #tpu.memory_space<vmem>>, %arg3: memref<1x128xf32, #tpu.memory_space<vmem>>, %arg4: memref<128x128xf32, #tpu.memory_space<vmem>>, %arg5: memref<1x128xf32, #tpu.memory_space<vmem>>, %arg6: memref<128x128xf32, #tpu.memory_space<vmem>>, %arg7: memref<1x128xf32, #tpu.memory_space<vmem>>, %arg8: memref<128x128xf32, #tpu.memory_space<vmem>>, %arg9: memref<1x128xf32, #tpu.memory_space<vmem>>, %arg10: memref<1000x128xf32, #tpu.memory_space<vmem>>, %arg11: memref<1000x128xf32, #tpu.memory_space<vmem>>, %arg12: memref<1000x128xf32, #tpu.memory_space<vmem>>, %arg13: memref<1000x128xf32, #tpu.memory_space<vmem>>) attributes {dimension_semantics = [#tpu.dimension_semantics<arbitrary>], iteration_bounds = array<i64: 10>, scalar_prefetch = 0 : i64, scratch_operands = 0 : i64, tpu.core_type = #tpu.core_type<tc>, window_params = [{transform_indices = @transform_0, window_bounds = array<i64: 1000, 128>}, {pipeline_mode = #tpu.pipeline_mode<synchronous>, transform_indices = @transform_1, window_bounds = array<i64: 128, 128>}, {pipeline_mode = #tpu.pipeline_mode<synchronous>, transform_indices = @transform_2, window_bounds = array<i64: 1, 128>}, {pipeline_mode = #tpu.pipeline_mode<synchronous>, transform_indices = @transform_3, window_bounds = array<i64: 128, 128>}, {pipeline_mode = #tpu.pipeline_mode<synchronous>, transform_indices = @transform_4, window_bounds = array<i64: 1, 128>}, {pipeline_mode = #tpu.pipeline_mode<synchronous>, transform_indices = @transform_5, window_bounds = array<i64: 128, 128>}, {pipeline_mode = #tpu.pipeline_mode<synchronous>, transform_indices = @transform_6, window_bounds = array<i64: 1, 128>}, {pipeline_mode = #tpu.pipeline_mode<synchronous>, transform_indices = @transform_7, window_bounds = array<i64: 128, 128>}, {pipeline_mode = #tpu.pipeline_mode<synchronous>, transform_indices = @transform_8, window_bounds = array<i64: 1, 128>}, {transform_indices = @transform_9, window_bounds = array<i64: 1000, 128>}, {transform_indices = @transform_10, window_bounds = array<i64: 1000, 128>}, {transform_indices = @transform_11, window_bounds = array<i64: 1000, 128>}, {transform_indices = @transform_12, window_bounds = array<i64: 1000, 128>}]} {
    %get3A = arith.constant 0 : index
    %get3A_0 = arith.constant 0 : index
    %get3A_1 = vector.load %arg1[%get3A, %get3A_0] : memref<1000x128xf32, #tpu.memory_space<vmem>>, vector<1000x128xf32>
    %get3A_2 = arith.constant 0 : index
    %get3A_3 = arith.constant 0 : index
    %get3A_4 = vector.load %arg2[%get3A_2, %get3A_3] : memref<128x128xf32, #tpu.memory_space<vmem>>, vector<128x128xf32>
    %dot_general3A = arith.constant dense<0.000000e+00> : vector<1000x128xf32>
    %dot_general3A_5 = tpu.matmul %get3A_1, %get3A_4, %dot_general3A {dimension_numbers = #tpu.dot_dimension_numbers<[1], [1], [0], [0], [0, 0, 1, 0], [], []>, transpose_lhs_hint = false} : vector<1000x128xf32>, vector<128x128xf32>, vector<1000x128xf32> -> vector<1000x128xf32>
    %get3A_6 = arith.constant 0 : index
    %get3A_7 = arith.constant 0 : index
    %get3A_8 = vector.load %arg3[%get3A_6, %get3A_7] : memref<1x128xf32, #tpu.memory_space<vmem>>, vector<1x128xf32>
    %add3A = vector.broadcast %get3A_8 : vector<1x128xf32> to vector<1000x128xf32>
    %add3A_9 = arith.addf %dot_general3A_5, %add3A : vector<1000x128xf32>
    %swap3A = arith.constant 0 : index
    %swap3A_10 = arith.constant 0 : index
    %swap3A_11 = vector.load %arg10[%swap3A, %swap3A_10] : memref<1000x128xf32, #tpu.memory_space<vmem>>, vector<1000x128xf32>
    tpu.vector_store %arg10[%swap3A, %swap3A_10], %add3A_9 {strides = array<i32>} : memref<1000x128xf32, #tpu.memory_space<vmem>>, vector<1000x128xf32>,
    %get3A_12 = arith.constant 0 : index
    %get3A_13 = arith.constant 0 : index
    %get3A_14 = vector.load %arg4[%get3A_12, %get3A_13] : memref<128x128xf32, #tpu.memory_space<vmem>>, vector<128x128xf32>
    %dot_general3A_15 = arith.constant dense<0.000000e+00> : vector<1000x128xf32>
    %dot_general3A_16 = tpu.matmul %get3A_1, %get3A_14, %dot_general3A_15 {dimension_numbers = #tpu.dot_dimension_numbers<[1], [1], [0], [0], [0, 0, 1, 0], [], []>, transpose_lhs_hint = false} : vector<1000x128xf32>, vector<128x128xf32>, vector<1000x128xf32> -> vector<1000x128xf32>
    %get3A_17 = arith.constant 0 : index
    %get3A_18 = arith.constant 0 : index
    %get3A_19 = vector.load %arg5[%get3A_17, %get3A_18] : memref<1x128xf32, #tpu.memory_space<vmem>>, vector<1x128xf32>
    %add3A_20 = vector.broadcast %get3A_19 : vector<1x128xf32> to vector<1000x128xf32>
    %add3A_21 = arith.addf %dot_general3A_16, %add3A_20 : vector<1000x128xf32>
    %swap3A_22 = arith.constant 0 : index
    %swap3A_23 = arith.constant 0 : index
    %swap3A_24 = vector.load %arg11[%swap3A_22, %swap3A_23] : memref<1000x128xf32, #tpu.memory_space<vmem>>, vector<1000x128xf32>
    tpu.vector_store %arg11[%swap3A_22, %swap3A_23], %add3A_21 {strides = array<i32>} : memref<1000x128xf32, #tpu.memory_space<vmem>>, vector<1000x128xf32>,
    %get3A_25 = arith.constant 0 : index
    %get3A_26 = arith.constant 0 : index
    %get3A_27 = vector.load %arg6[%get3A_25, %get3A_26] : memref<128x128xf32, #tpu.memory_space<vmem>>, vector<128x128xf32>
    %dot_general3A_28 = arith.constant dense<0.000000e+00> : vector<1000x128xf32>
    %dot_general3A_29 = tpu.matmul %get3A_1, %get3A_27, %dot_general3A_28 {dimension_numbers = #tpu.dot_dimension_numbers<[1], [1], [0], [0], [0, 0, 1, 0], [], []>, transpose_lhs_hint = false} : vector<1000x128xf32>, vector<128x128xf32>, vector<1000x128xf32> -> vector<1000x128xf32>
    %get3A_30 = arith.constant 0 : index
    %get3A_31 = arith.constant 0 : index
    %get3A_32 = vector.load %arg7[%get3A_30, %get3A_31] : memref<1x128xf32, #tpu.memory_space<vmem>>, vector<1x128xf32>
    %add3A_33 = vector.broadcast %get3A_32 : vector<1x128xf32> to vector<1000x128xf32>
    %add3A_34 = arith.addf %dot_general3A_29, %add3A_33 : vector<1000x128xf32>
    %swap3A_35 = arith.constant 0 : index
    %swap3A_36 = arith.constant 0 : index
    %swap3A_37 = vector.load %arg12[%swap3A_35, %swap3A_36] : memref<1000x128xf32, #tpu.memory_space<vmem>>, vector<1000x128xf32>
    tpu.vector_store %arg12[%swap3A_35, %swap3A_36], %add3A_34 {strides = array<i32>} : memref<1000x128xf32, #tpu.memory_space<vmem>>, vector<1000x128xf32>,
    %get3A_38 = arith.constant 0 : index
    %get3A_39 = arith.constant 0 : index
    %get3A_40 = vector.load %arg8[%get3A_38, %get3A_39] : memref<128x128xf32, #tpu.memory_space<vmem>>, vector<128x128xf32>
    %dot_general3A_41 = arith.constant dense<0.000000e+00> : vector<1000x128xf32>
    %dot_general3A_42 = tpu.matmul %get3A_1, %get3A_40, %dot_general3A_41 {dimension_numbers = #tpu.dot_dimension_numbers<[1], [1], [0], [0], [0, 0, 1, 0], [], []>, transpose_lhs_hint = false} : vector<1000x128xf32>, vector<128x128xf32>, vector<1000x128xf32> -> vector<1000x128xf32>
    %get3A_43 = arith.constant 0 : index
    %get3A_44 = arith.constant 0 : index
    %get3A_45 = vector.load %arg9[%get3A_43, %get3A_44] : memref<1x128xf32, #tpu.memory_space<vmem>>, vector<1x128xf32>
    %add3A_46 = vector.broadcast %get3A_45 : vector<1x128xf32> to vector<1000x128xf32>
    %add3A_47 = arith.addf %dot_general3A_42, %add3A_46 : vector<1000x128xf32>
    %swap3A_48 = arith.constant 0 : index
    %swap3A_49 = arith.constant 0 : index
    %swap3A_50 = vector.load %arg13[%swap3A_48, %swap3A_49] : memref<1000x128xf32, #tpu.memory_space<vmem>>, vector<1000x128xf32>
    tpu.vector_store %arg13[%swap3A_48, %swap3A_49], %add3A_47 {strides = array<i32>} : memref<1000x128xf32, #tpu.memory_space<vmem>>, vector<1000x128xf32>,
    return
  }
  func.func @transform_0(%arg0: i32) -> (i32, i32) {
    %c0_i32 = arith.constant 0 : i32
    %c0_i32_0 = arith.constant 0 : i32
    return %arg0, %c0_i32 : i32, i32
  }
  func.func @transform_1(%arg0: i32) -> (i32, i32) {
    %c0_i32 = arith.constant 0 : i32
    %c0_i32_0 = arith.constant 0 : i32
    %c0_i32_1 = arith.constant 0 : i32
    return %c0_i32, %c0_i32_0 : i32, i32
  }
  func.func @transform_2(%arg0: i32) -> (i32, i32) {
    %c0_i32 = arith.constant 0 : i32
    %c0_i32_0 = arith.constant 0 : i32
    %c0_i32_1 = arith.constant 0 : i32
    return %c0_i32, %c0_i32_0 : i32, i32
  }
  func.func @transform_3(%arg0: i32) -> (i32, i32) {
    %c0_i32 = arith.constant 0 : i32
    %c0_i32_0 = arith.constant 0 : i32
    %c0_i32_1 = arith.constant 0 : i32
    return %c0_i32, %c0_i32_0 : i32, i32
  }
  func.func @transform_4(%arg0: i32) -> (i32, i32) {
    %c0_i32 = arith.constant 0 : i32
    %c0_i32_0 = arith.constant 0 : i32
    %c0_i32_1 = arith.constant 0 : i32
    return %c0_i32, %c0_i32_0 : i32, i32
  }
  func.func @transform_5(%arg0: i32) -> (i32, i32) {
    %c0_i32 = arith.constant 0 : i32
    %c0_i32_0 = arith.constant 0 : i32
    %c0_i32_1 = arith.constant 0 : i32
    return %c0_i32, %c0_i32_0 : i32, i32
  }
  func.func @transform_6(%arg0: i32) -> (i32, i32) {
    %c0_i32 = arith.constant 0 : i32
    %c0_i32_0 = arith.constant 0 : i32
    %c0_i32_1 = arith.constant 0 : i32
    return %c0_i32, %c0_i32_0 : i32, i32
  }
  func.func @transform_7(%arg0: i32) -> (i32, i32) {
    %c0_i32 = arith.constant 0 : i32
    %c0_i32_0 = arith.constant 0 : i32
    %c0_i32_1 = arith.constant 0 : i32
    return %c0_i32, %c0_i32_0 : i32, i32
  }
  func.func @transform_8(%arg0: i32) -> (i32, i32) {
    %c0_i32 = arith.constant 0 : i32
    %c0_i32_0 = arith.constant 0 : i32
    %c0_i32_1 = arith.constant 0 : i32
    return %c0_i32, %c0_i32_0 : i32, i32
  }
  func.func @transform_9(%arg0: i32) -> (i32, i32) {
    %c0_i32 = arith.constant 0 : i32
    %c0_i32_0 = arith.constant 0 : i32
    return %arg0, %c0_i32 : i32, i32
  }
  func.func @transform_10(%arg0: i32) -> (i32, i32) {
    %c0_i32 = arith.constant 0 : i32
    %c0_i32_0 = arith.constant 0 : i32
    return %arg0, %c0_i32 : i32, i32
  }
  func.func @transform_11(%arg0: i32) -> (i32, i32) {
    %c0_i32 = arith.constant 0 : i32
    %c0_i32_0 = arith.constant 0 : i32
    return %arg0, %c0_i32 : i32, i32
  }
  func.func @transform_12(%arg0: i32) -> (i32, i32) {
    %c0_i32 = arith.constant 0 : i32
    %c0_i32_0 = arith.constant 0 : i32
    return %arg0, %c0_i32 : i32, i32
  }
}

module attributes {stable_mosaic.version = 14 : i64} {
  func.func @body(%arg0: i32, %arg1: memref<4000x16xf32, #tpu.memory_space<vmem>>, %arg2: memref<128x16xf32, #tpu.memory_space<vmem>>, %arg3: memref<4000x128xf32, #tpu.memory_space<vmem>>, %arg4: memref<4000x128xf32, #tpu.memory_space<vmem>>) attributes {dimension_semantics = [#tpu.dimension_semantics<arbitrary>], iteration_bounds = array<i64: 80>, scalar_prefetch = 0 : i64, scratch_operands = 0 : i64, tpu.core_type = #tpu.core_type<tc>, window_params = [{transform_indices = @transform_0, window_bounds = array<i64: 4000, 16>}, {pipeline_mode = #tpu.pipeline_mode<synchronous>, transform_indices = @transform_1, window_bounds = array<i64: 128, 16>}, {transform_indices = @transform_2, window_bounds = array<i64: 4000, 128>}, {transform_indices = @transform_3, window_bounds = array<i64: 4000, 128>}]} {
    %get3A = arith.constant 0 : index
    %get3A_0 = arith.constant 0 : index
    %get3A_1 = vector.load %arg1[%get3A, %get3A_0] : memref<4000x16xf32, #tpu.memory_space<vmem>>, vector<4000x16xf32>
    %get3A_2 = arith.constant 0 : index
    %get3A_3 = arith.constant 0 : index
    %get3A_4 = vector.load %arg2[%get3A_2, %get3A_3] : memref<128x16xf32, #tpu.memory_space<vmem>>, vector<128x16xf32>
    %dot_general3A = arith.constant dense<0.000000e+00> : vector<4000x128xf32>
    %dot_general3A_5 = tpu.matmul %get3A_1, %get3A_4, %dot_general3A {dimension_numbers = #tpu.dot_dimension_numbers<[1], [1], [0], [0], [0, 0, 1, 0], [], []>, transpose_lhs_hint = false} : vector<4000x16xf32>, vector<128x16xf32>, vector<4000x128xf32> -> vector<4000x128xf32>
    %get3A_6 = arith.constant 0 : index
    %get3A_7 = arith.constant 0 : index
    %get3A_8 = vector.load %arg3[%get3A_6, %get3A_7] : memref<4000x128xf32, #tpu.memory_space<vmem>>, vector<4000x128xf32>
    %max3A = arith.constant 0.000000e+00 : f32
    %max3A_9 = vector.broadcast %max3A : f32 to vector<4000x128xf32>
    %max3A_10 = arith.maximumf %get3A_8, %max3A_9 : vector<4000x128xf32>
    %add3A = arith.addf %dot_general3A_5, %max3A_10 : vector<4000x128xf32>
    %swap3A = arith.constant 0 : index
    %swap3A_11 = arith.constant 0 : index
    %swap3A_12 = vector.load %arg4[%swap3A, %swap3A_11] : memref<4000x128xf32, #tpu.memory_space<vmem>>, vector<4000x128xf32>
    tpu.vector_store %arg4[%swap3A, %swap3A_11], %add3A {strides = array<i32>} : memref<4000x128xf32, #tpu.memory_space<vmem>>, vector<4000x128xf32>,
    return
  }
  func.func @transform_0(%arg0: i32) -> (i32, i32) {
    %c0_i32 = arith.constant 0 : i32
    %c0_i32_0 = arith.constant 0 : i32
    return %arg0, %c0_i32 : i32, i32
  }
  func.func @transform_1(%arg0: i32) -> (i32, i32) {
    %c0_i32 = arith.constant 0 : i32
    %c0_i32_0 = arith.constant 0 : i32
    %c0_i32_1 = arith.constant 0 : i32
    return %c0_i32, %c0_i32_0 : i32, i32
  }
  func.func @transform_2(%arg0: i32) -> (i32, i32) {
    %c0_i32 = arith.constant 0 : i32
    %c0_i32_0 = arith.constant 0 : i32
    return %arg0, %c0_i32 : i32, i32
  }
  func.func @transform_3(%arg0: i32) -> (i32, i32) {
    %c0_i32 = arith.constant 0 : i32
    %c0_i32_0 = arith.constant 0 : i32
    return %arg0, %c0_i32 : i32, i32
  }
}

module attributes {stable_mosaic.version = 14 : i64} {
  func.func @body(%arg0: i32, %arg1: memref<1000x128xf32, #tpu.memory_space<vmem>>, %arg2: memref<1000x128xf32, #tpu.memory_space<vmem>>, %arg3: memref<1000x128xf32, #tpu.memory_space<vmem>>, %arg4: memref<1000x128xf32, #tpu.memory_space<vmem>>, %arg5: memref<1000x128xf32, #tpu.memory_space<vmem>>) attributes {dimension_semantics = [#tpu.dimension_semantics<arbitrary>], iteration_bounds = array<i64: 10>, scalar_prefetch = 0 : i64, scratch_operands = 0 : i64, tpu.core_type = #tpu.core_type<tc>, window_params = [{transform_indices = @transform_0, window_bounds = array<i64: 1000, 128>}, {transform_indices = @transform_1, window_bounds = array<i64: 1000, 128>}, {transform_indices = @transform_2, window_bounds = array<i64: 1000, 128>}, {transform_indices = @transform_3, window_bounds = array<i64: 1000, 128>}, {transform_indices = @transform_4, window_bounds = array<i64: 1000, 128>}]} {
    %get3A = arith.constant 0 : index
    %get3A_0 = arith.constant 0 : index
    %get3A_1 = vector.load %arg1[%get3A, %get3A_0] : memref<1000x128xf32, #tpu.memory_space<vmem>>, vector<1000x128xf32>
    %get3A_2 = arith.constant 0 : index
    %get3A_3 = arith.constant 0 : index
    %get3A_4 = vector.load %arg2[%get3A_2, %get3A_3] : memref<1000x128xf32, #tpu.memory_space<vmem>>, vector<1000x128xf32>
    %get3A_5 = arith.constant 0 : index
    %get3A_6 = arith.constant 0 : index
    %get3A_7 = vector.load %arg3[%get3A_5, %get3A_6] : memref<1000x128xf32, #tpu.memory_space<vmem>>, vector<1000x128xf32>
    %add3A = arith.addf %get3A_4, %get3A_7 : vector<1000x128xf32>
    %get3A_8 = arith.constant 0 : index
    %get3A_9 = arith.constant 0 : index
    %get3A_10 = vector.load %arg4[%get3A_8, %get3A_9] : memref<1000x128xf32, #tpu.memory_space<vmem>>, vector<1000x128xf32>
    %add3A_11 = arith.addf %add3A, %get3A_10 : vector<1000x128xf32>
    %max3A = arith.constant 0.000000e+00 : f32
    %max3A_12 = vector.broadcast %max3A : f32 to vector<1000x128xf32>
    %max3A_13 = arith.maximumf %add3A_11, %max3A_12 : vector<1000x128xf32>
    %add3A_14 = arith.addf %get3A_1, %max3A_13 : vector<1000x128xf32>
    %swap3A = arith.constant 0 : index
    %swap3A_15 = arith.constant 0 : index
    %swap3A_16 = vector.load %arg5[%swap3A, %swap3A_15] : memref<1000x128xf32, #tpu.memory_space<vmem>>, vector<1000x128xf32>
    tpu.vector_store %arg5[%swap3A, %swap3A_15], %add3A_14 {strides = array<i32>} : memref<1000x128xf32, #tpu.memory_space<vmem>>, vector<1000x128xf32>,
    return
  }
  func.func @transform_0(%arg0: i32) -> (i32, i32) {
    %c0_i32 = arith.constant 0 : i32
    %c0_i32_0 = arith.constant 0 : i32
    return %arg0, %c0_i32 : i32, i32
  }
  func.func @transform_1(%arg0: i32) -> (i32, i32) {
    %c0_i32 = arith.constant 0 : i32
    %c0_i32_0 = arith.constant 0 : i32
    return %arg0, %c0_i32 : i32, i32
  }
  func.func @transform_2(%arg0: i32) -> (i32, i32) {
    %c0_i32 = arith.constant 0 : i32
    %c0_i32_0 = arith.constant 0 : i32
    return %arg0, %c0_i32 : i32, i32
  }
  func.func @transform_3(%arg0: i32) -> (i32, i32) {
    %c0_i32 = arith.constant 0 : i32
    %c0_i32_0 = arith.constant 0 : i32
    return %arg0, %c0_i32 : i32, i32
  }
  func.func @transform_4(%arg0: i32) -> (i32, i32) {
    %c0_i32 = arith.constant 0 : i32
    %c0_i32_0 = arith.constant 0 : i32
    return %arg0, %c0_i32 : i32, i32
  }
}

</mosaic_0001>

<sc_bundles>
// kernel: kernel.7.cloned.1.call-start
scs
__scs_entry_jumppad:
0x0: {  	(pc) =	sbr.rel $0x88, $3  }
0x1: {  	(tag) =	ssettag $0x0;
	lr =	simm.s32 $0x1  }
0x2: {  	[smem:$0x3F92] =	sst lr;
	_ =	strace $0xD0000000  }
0x3: {  	_ = 	snop  }
0x4: {  	_ = 	snop  }
0x5: {  	_ = 	snop  }
0x6: {  	_ = 	snop  }
0x7: {  	_ = 	snop  }
__scs_overlays_trampoline_lowered:
0x8: {  	[smem:$0x3FA1] =	sst s0  }
0x9: {  	[smem:$0x3FA2] =	sst s1  }
0xa: {  	[smem:$0x3FA3] =	sst s2  }
0xb: {  	[smem:$0x3FA4] =	sst s3  }
0xc: {  	[smem:$0x3FA5] =	sst s4  }
0xd: {  	[smem:$0x3FA6] =	sst s5  }
0xe: {  	[smem:$0x3FA7] =	sst s6  }
0xf: {  	[smem:$0x3FA8] =	sst s7  }
0x10: {  	[smem:$0x3FA9] =	sst s8  }
0x11: {  	[smem:$0x3FAA] =	sst s9;
	s0 =	simm.s32 @!p0 $0x0  }
0x12: {  	s1 =	sld [smem:$0x3F90];
	s0 =	simm.s32 @p0 $0x1  }
0x13: {  	[smem:$0x3FAB] =	sst s0;
	s0 =	simm.s32 @!p1 $0x0  }
0x14: {  	s2 =	sld [smem:$0x3F8F];
	s0 =	simm.s32 @p1 $0x1  }
0x15: {  	[smem:$0x3FAC] =	sst s0;
	s0 =	simm.s32 @!p2 $0x0  }
0x16: {  	s3 =	sld [smem:$0x3FDB];
	s0 =	simm.s32 @p2 $0x1  }
0x17: {  	s4 =	simm.s32 $0x1BF5;
	[smem:$0x3FAE] =	sst s0  }
0x18: {  	s0 =	sld [smem:$0x3F91];
	_ =	swait.ge [sflag:s4], $0x0  }
0x19: {  	s7 =	sld [smem:$0x3F92]  }
0x1a: {  	s8 =	sadd.s32 $0xFFFFE003, lr  }
0x1b: {  	s9 =	sadd.s32 $0xFFFFFEF7, lr;
	s5 =	simm.s32 $0xFFFFFFFF;
	p2 =	slt.u32 s8, $0xFFFFF086  }
0x1c: {  	p1 =	slt.u32 s9, $0xF7A;
	s5 =	simm.s32 @!p2 $0x0  }
0x1d: {  	s5 =	simm.s32 @p1 $0x1;
	p0 =	seq.s32 s7, s2  }
0x1e: {  	s7 =	smul.u32 @!p0 $0xF7A, s2;
	p2 =	seq.s32 @!p0 s5, $0x0  }
0x1f: {  	s9 =	smul.u32 $0xF7A, s1;
	s8 =	simm.s32 @!p0 $0x1BF5;
	p2 =	por !p2, p0  }
0x20: {  	[sflag:s8] =	ssyncset.s32 @!p0 $0xFFFFF086;
	s6 =	sadd.s32 @!p0 s3, s7;
	s7 =	simm.s32 @!p0 $0x108  }
0x21: {  	s3 =	sadd.s32 s3, s9;
	s6 =	sadd.s32 @!p0 $0x88, s6;
	s7 =	simm.s32 @p2 $0x1082  }
0x22: {  	[simem:s7], [sflag:s8] =	dma.local @!p0 [hbm:s6], $0xF7A  }
0x23: {  	s9 =	sor.u32 $0xD0000000, s2;
	s6 =	simm.s32 $0x108;
	_ =	swait.ge @!p0 [sflag:s8], $0x0  }
0x24: {  	s3 =	sadd.s32 $0x88, s3;
	s6 =	simm.s32 @!p1 $0x1082;
	[sflag:s4] =	ssyncset.s32 $0xFFFFF086  }
0x25: {  	[simem:s6], [sflag:s4] =	dma.local [hbm:s3], $0xF7A  }
0x26: {  	[smem:$0x3F92] =	sst s1;
	(tag) =	ssettag s2;
	_ =	strace s9  }
0x27: {  	s1 =	sld [smem:$0x3FA2]  }
0x28: {  	s2 =	sld [smem:$0x3FA3]  }
0x29: {  	s4 =	sld [smem:$0x3FA5]  }
0x2a: {  	p0 =	seq.s32 s5, $0x0;
	s5 =	sld [smem:$0x3FA6]  }
0x2b: {  	s6 =	sld [smem:$0x3FA7]  }
0x2c: {  	s7 =	sld [smem:$0x3FA8]  }
0x2d: {  	s3 =	simm.s32 $0x108;
	s8 =	sld [smem:$0x3FA9]  }
0x2e: {  	s3 =	simm.s32 @!p0 $0x1082;
	s9 =	sld [smem:$0x3FAA]  }
0x2f: {  	lr =	sadd.s32 s0, s3;
	s0 =	sld [smem:$0x3FA1]  }
0x30: {  	s3 =	sld [smem:$0x3FA4]  }
0x31: {  	[smem:$0x3FAD] =	sst s10  }
0x32: {  	s10 =	sld [smem:$0x3FAB];
	_ =	sdelay $0x3  }
0x33: {  	p0 =	seq.s32 s10, $0x1;
	s10 =	sld [smem:$0x3FAD];
	_ =	sdelay $0x3  }
0x34: {  	[smem:$0x3FAD] =	sst s10  }
0x35: {  	s10 =	sld [smem:$0x3FAC];
	_ =	sdelay $0x3  }
0x36: {  	p1 =	seq.s32 s10, $0x1;
	s10 =	sld [smem:$0x3FAD];
	_ =	sdelay $0x3  }
0x37: {  	[smem:$0x3FAD] =	sst s10  }
0x38: {  	s10 =	sld [smem:$0x3FAE]  }
0x39: {  	_ = 	snop;
	(pc) =	sbr.ind lr, $3  }
0x3a: {  	_ = 	snop  }
0x3b: {  	_ = 	snop  }
0x3c: {  	p2 =	seq.s32 s10, $0x1;
	s10 =	sld [smem:$0x3FAD]  }
0x3d: {  	_ =	shalt  }
0x3e: {  	_ =	shalt  }
0x3f: {  	_ =	shalt  }
0x40: {  	_ =	shalt  }
0x41: {  	_ =	shalt  }
0x42: {  	_ =	shalt  }
0x43: {  	_ =	shalt  }
0x44: {  	_ =	shalt  }
0x45: {  	_ =	shalt  }
0x46: {  	_ =	shalt  }
0x47: {  	_ =	shalt  }
0x48: {  	_ =	shalt  }
0x49: {  	_ =	shalt  }
0x4a: {  	_ =	shalt  }
0x4b: {  	_ =	shalt  }
0x4c: {  	_ =	shalt  }
0x4d: {  	_ =	shalt  }
0x4e: {  	_ =	shalt  }
0x4f: {  	_ =	shalt  }
0x50: {  	_ =	shalt  }
0x51: {  	_ =	shalt  }
0x52: {  	_ =	shalt  }
0x53: {  	_ =	shalt  }
0x54: {  	_ =	shalt  }
0x55: {  	_ =	shalt  }
0x56: {  	_ =	shalt  }
0x57: {  	_ =	shalt  }
0x58: {  	_ =	shalt  }
0x59: {  	_ =	shalt  }
0x5a: {  	_ =	shalt  }
0x5b: {  	_ =	shalt  }
0x5c: {  	_ =	shalt  }
0x5d: {  	_ =	shalt  }
0x5e: {  	_ =	shalt  }
0x5f: {  	_ =	shalt  }
0x60: {  	_ =	shalt  }
0x61: {  	_ =	shalt  }
0x62: {  	_ =	shalt  }
0x63: {  	_ =	shalt  }
0x64: {  	_ =	shalt  }
0x65: {  	_ =	shalt  }
0x66: {  	_ =	shalt  }
0x67: {  	_ =	shalt  }
0x68: {  	_ =	shalt  }
0x69: {  	_ =	shalt  }
0x6a: {  	_ =	shalt  }
0x6b: {  	_ =	shalt  }
0x6c: {  	_ =	shalt  }
0x6d: {  	_ =	shalt  }
0x6e: {  	_ =	shalt  }
0x6f: {  	_ =	shalt  }
0x70: {  	_ =	shalt  }
0x71: {  	_ =	shalt  }
0x72: {  	_ =	shalt  }
0x73: {  	_ =	shalt  }
0x74: {  	_ =	shalt  }
0x75: {  	_ =	shalt  }
0x76: {  	_ =	shalt  }
0x77: {  	_ =	shalt  }
0x78: {  	_ =	shalt  }
0x79: {  	_ =	shalt  }
0x7a: {  	_ =	shalt  }
0x7b: {  	_ =	shalt  }
0x7c: {  	_ =	shalt  }
0x7d: {  	_ =	shalt  }
0x7e: {  	_ =	shalt  }
0x7f: {  	_ =	shalt  }
0x80: {  	_ =	shalt  }
0x81: {  	_ =	shalt  }
0x82: {  	_ =	shalt  }
0x83: {  	_ =	shalt  }
0x84: {  	_ =	shalt  }
0x85: {  	_ =	shalt  }
0x86: {  	_ =	shalt  }
0x87: {  	_ =	shalt  }
.Lfunc_end0:
.L_simem_size_0:
called_computation_lowered:
.L_overlay_start_0:
0x88: {  	s2 =	sld [smem:$0x3FD9]  }
0x89: {  	s3 =	sld [smem:$0x3FFE];
	_ =	sdelay $0x1  }
0x8a: {  	s1 =	srdreg.scid  }
0x8b: {  	s0 =	sand.u32 $0x1, s1  }
0x8c: {  	s14 =	sshll.u32 s0, $0xA;
	s2 =	sadd.s32 s3, s2  }
0x8d: {  	s2 =	sadd.s32 s2, s14  }
0x8e: {  	[smem:$0x3FB9] =	sst s2  }
0x8f: {  	_ = 	snop  }
0x90: {  	s2 =	sld [smem:$0x3FD0];
	_ =	sdelay $0x2  }
0x91: {  	s4 =	simm.s32 $0xA;
	s5 =	simm.s32 $0x10;
	s15 =	sld [smem:$0x3FC6]  }
0x92: {  	[smem:s5], [sflag:s4] =	dma.local [hbm:s2], $0x1  }
0x93: {  	_ =	swait.eq [sflag:s4], $0x1  }
0x94: {  	[sflag:s4] =	ssyncset.done $0x0  }
0x95: {  	[sflag:s4] =	ssyncadd.s32 $0xFFFFFFFF  }
0x96: {  	s16 =	sld [smem:$0x11];
	(tm) =	ssettm $0x1  }
0x97: {  	s17 =	sld [smem:$0x3FFB];
	_ =	sdelay $0x3  }
0x98: {  	_ =	strace s17  }
0x99: {  	s4 =	sld [smem:$0x3FFC];
	_ =	sdelay $0x3  }
0x9a: {  	_ =	strace s4  }
0x9b: {  	s4 =	sld [smem:$0x3FFD];
	_ =	sdelay $0x3  }
0x9c: {  	_ =	strace s4  }
0x9d: {  	_ =	strace $0x8FFFFFFF  }
0x9e: {  	s18 =	sld [smem:$0x3FDB];
	_ =	sdelay $0x1  }
0x9f: {  	s19 =	simm.s32 $_scs_section_size  }
0xa0: {  	s6 =	simm.s32 $_size__tile_overlayer_lowered;
	s7 =	simm.s32 $_tile_overlayer_lowered  }
0xa1: {  	s22 =	simm.s32 $0x1BFF;
	s21 =	sshll.u32 s7, $0x1;
	s4 =	sadd.s32 s19, s18  }
0xa2: {  	s8 =	simm.s32 $0x0;
	s20 =	sshll.u32 s6, $0x1;
	s6 =	sadd.s32 s21, s4  }
0xa3: {  	[timem:s8], [sflag:s22] =	dma.local [hbm:s6], s20  }
0xa4: {  	_ =	swait.ge [sflag:s22], s20  }
0xa5: {  	s5 =	ssub.s32 $0x0, s20;
	[sflag:s22] =	ssyncset.done $0x0  }
0xa6: {  	[sflag:s22] =	ssyncadd.s32 s5;
	_ =	sdelay $0x1  }
0xa7: {  	s23 =	simm.s32 $0x1B8B  }
0xa8: {  	_ =	swait.ge [sflag:s23], $0x1  }
0xa9: {  	[sflag:s23] =	ssyncset.done $0x0  }
0xaa: {  	s25 =	simm.s32 $0x1B8E;
	s24 =	sld [smem:$0x3FFE];
	[sflag:s23] =	ssyncadd.s32 $0xFFFFFFFF  }
0xab: {  	s26 =	simm.s32 $execute0_lowered;
	[smem:$0x3FD2] =	sst s25  }
0xac: {  	s6 =	sshll.u32 s26, $0x1;
	_ =	strace $0x80000046;
	[dreg:$0x1] =	wrdreg $0xFFFFFFFF  }
0xad: {  	s28 =	simm.s32 $_size_execute0_lowered;
	s4 =	sadd.s32 s4, s6;
	[dreg:$0x0] =	wrdreg $0x0  }
0xae: {  	s6 =	sshll.u32 s28, $0x1;
	[dreg:$0x2] =	wrdreg s4  }
0xaf: {  	[dreg:$0x3] =	wrdreg s6  }
0xb0: {  	[dreg:$0x4] =	wrdreg $0xC0  }
0xb1: {  	_ =	task [dreg:s8], $0x5FFFF  }
0xb2: {  	[dreg:$0x1] =	wrdreg $0xFFFFFFFF  }
0xb3: {  	[dreg:$0x0] =	wrdreg $0x60  }
0xb4: {  	[dreg:$0x2] =	wrdreg s24  }
0xb5: {  	[dreg:$0x3] =	wrdreg s16  }
0xb6: {  	[dreg:$0x4] =	wrdreg s15  }
0xb7: {  	[dreg:$0x5] =	wrdreg $0x67000  }
0xb8: {  	[dreg:$0x6] =	wrdreg $0x9  }
0xb9: {  	_ =	task.clear_ibuf [dreg:s8], $0x7FFFF;
	_ =	strace $0x90000046  }
0xba: {  	s29 =	simm.s32 $0x9;
	_ =	strace $0x80000048  }
0xbb: {  	_ =	swait.ge [sflag:s29], $0x1  }
0xbc: {  	[sflag:s29] =	ssyncadd.s32 $0xFFFFFFFF  }
0xbd: {  	_ =	strace $0x90000048  }
0xbe: {  	_ =	sfence  }
0xbf: {  	s30 =	sld [smem:$0x0];
	_ =	sdelay $0x2  }
0xc0: {  	s31 =	sshll.u32 s1, $0xD;
	s1 =	sshrl.u32 s1, $0x2  }
0xc1: {  	s3 =	sand.u32 $0x4000, s31;
	s1 =	sadd.s32 s1, s30  }
0xc2: {  	s0 =	sor.u32 s3, s0;
	s1 =	sshll.u32 s1, $0x11  }
0xc3: {  	s0 =	sor.u32 s1, s0  }
0xc4: {  	s0 =	sadd.s32 $0x8F2B, s0  }
0xc5: {  	[sflag:s0] =	ssyncadd.remote.s32 $0x1  }
0xc6: {  	_ =	sfence.sel $0xFFFF  }
0xc7: {  	[dreg:$0x0] =	wrdreg $0xFFFFFFFF;
	(pc) =	sbr.abs _section_cstart, $3  }
0xc8: {  	[dreg:$0x1] =	wrdreg $0xFFFFFFFF  }
0xc9: {  	_ =	task.clear_ibuf [dreg:s8], $0x2FFFF;
	_ =	strace $0x9FFFFFFF  }
0xca: {  	(tm) =	ssettm $0x7FFFFFFF  }
0xcb: {  	_ =	shalt  }
tec
execute0_lowered:
.L_overlay_start_1:
0x0: {  	(tag) =	ssettag $0x1  }
0x1: {  	s0 =	rddreg [dreg:$0x0]  }
0x2: {  	s2 =	rddreg [dreg:$0x1]  }
0x3: {  	s3 =	rddreg [dreg:$0x2]  }
0x4: {  	s17 =	rddreg [dreg:$0x3];
	s4 =	simm.s32 $0x0;
	s18 =	stileid.u32  }
0x5: {  	s30 =	simm.s32 $0x28;
	s31 =	simm.s32 $0x2A00;
	s6 =	sadd.s32 $0x546A00, s0  }
0x6: {  	s1 =	srdreg.scid;
	s7 =	sadd.s32 $0x51F800, s0;
	s8 =	sadd.s32 $0x4F8600, s0  }
0x7: {  	[smem:$0x7FF] =	sst s4;
	s9 =	sadd.s32 $0x4EE800, s0;
	s5 =	smul.u32 $0x2800, s18  }
0x8: {  	s1 =	sand.u32 $0x1, s1;
	s10 =	sadd.s32 $0x4E4A00, s0;
	s12 =	smul.u32 $0x50000, s18  }
0x9: {  	s22 =	sshll.u32 s18, $0x6;
	_ =	strace $0x80000047;
	s11 =	sshll.u32 s1, $0x4  }
0xa: {  	s13 =	ssub.s32 $0x2, s1;
	p0 =	seq.s32 s1, $0x1;
	s1 =	simm.s32 $0xA9FC00  }
0xb: {  	s5 =	sadd.s32 s5, s0;
	s14 =	sor.u32 s18, s11;
	s15 =	sshrl.u32 s13, $0x1  }
0xc: {  	s16 =	sshrl.u32 s12, $0x2;
	s12 =	sadd.s32 $0x595C00, s0;
	s11 =	smov.u32 s3  }
0xd: {  	s1 =	simm.s32 @!p0 $0xA77C00;
	s18 =	simm.s32 $0x4;
	s21 =	sadd.s32 s16, s17  }
0xe: {  	s19 =	smul.u32 $0x2710, s14;
	s24 =	sadd.s32 $0x56DC00, s5;
	[dreg:$0x5] =	wrdreg s21  }
0xf: {  	s29 =	ssub.s32 s13, s15;
	s13 =	sor.u32 $0x1C05, s22;
	[dreg:$0x6] =	wrdreg s24  }
0x10: {  	s14 =	smul.u32 $0x27100, s14;
	s0 =	smax.u32 s29, $0x1;
	[dreg:$0x7] =	wrdreg s13  }
0x11: {  	s17 =	simm.s32 $0x5300;
	s29 =	sadd.s32 s1, s5;
	[dreg:$0xd] =	wrdreg s0  }
0x12: {  	s23 =	sshrl.u32 s19, $0x3;
	s28 =	sadd.s32 $0x28, s19;
	[dreg:$0xe] =	wrdreg s29  }
0x13: {  	s24 =	simm.s32 $0x5;
	s25 =	sadd.s32 s9, s23;
	[dreg:$0xc] =	wrdreg s28  }
0x14: {  	s5 =	simm.s32 $0x2B00;
	s26 =	sadd.s32 s10, s23;
	[dreg:$0x8] =	wrdreg s25  }
0x15: {  	s20 =	smov.u32 s19;
	s3 =	sadd.s32 s3, s23;
	[dreg:$0x9] =	wrdreg s26  }
0x16: {  	s21 =	sadd.s32 $0x50, s19;
	s0 =	simm.s32 $0x2;
	[dreg:$0xa] =	wrdreg s3  }
0x17: {  	s3 =	smov.u32 s2;
	s2 =	sadd.s32 s2, s14;
	s26 =	simm.s32 $0x2980  }
0x18: {  	s14 =	simm.s32 $0x3;
	[dreg:$0xb] =	wrdreg s2;
	s2 =	simm.s32 $0x0  }
.LBB2_1:
0x19: {  	[dreg:$0xf] =	wrdreg s2  }
0x1a: {  	s1 =	rddreg [dreg:$0x5]  }
0x1b: {  	s29 =	rddreg [dreg:$0x6];
	s28 =	sshrl.u32 s1, $0x3  }
0x1c: {  	[dreg:$0x10] =	wrdreg s28  }
0x1d: {  	[spmem:s28], [sflag:s13] =	dma.local [hbm:s29], $0x2800  }
0x1e: {  	_ =	swait.ge [sflag:s24], $0x2800  }
0x1f: {  	[sflag:s24] =	ssyncset.done $0x0  }
0x20: {  	[sflag:s24] =	ssyncadd.s32 $0xFFFFD800  }
0x21: {  	[bflag:$0x0] =	sbarrier.arrive $0xFFFF  }
0x22: {  	s13 =	rddreg [dreg:$0x8]  }
0x23: {  	[tilespmem:s4], [sflag:$0x5] =	stream.linear.gather [hbm4b:s13+s4], $0x28, $0x38;
	[tilespmem:$0x1A700] =	vst v63  }
0x24: {  	_ =	swait.ge [sflag:s24], $0x28  }
0x25: {  	[sflag:s24] =	ssyncset.done $0x0  }
0x26: {  	s16 =	simm.s32 $0x80;
	s15 =	rddreg [dreg:$0x9];
	[sflag:s24] =	ssyncadd.s32 $0xFFFFFFD8  }
0x27: {  	[tilespmem:s16], [sflag:$0x5] =	stream.linear.gather [hbm4b:s15+s4], $0x28, $0x38;
	[tilespmem:$0x1A700] =	vst v63  }
0x28: {  	_ =	swait.ge [sflag:s24], $0x28  }
0x29: {  	[sflag:s24] =	ssyncset.done $0x0  }
0x2a: {  	s22 =	simm.s32 $0x100;
	s19 =	rddreg [dreg:$0xa];
	[sflag:s24] =	ssyncadd.s32 $0xFFFFFFD8  }
0x2b: {  	[tilespmem:s22], [sflag:$0x5] =	stream.linear.gather [hbm4b:s19+s4], $0x28, $0x38;
	[tilespmem:$0x1A700] =	vst v63  }
0x2c: {  	_ =	swait.ge [sflag:s24], $0x28  }
0x2d: {  	s25 =	simm.s32 $0x180;
	[sflag:s24] =	ssyncset.done $0x0  }
0x2e: {  	s28 =	simm.s32 $0x1;
	s23 =	rddreg [dreg:$0xb];
	[sflag:s24] =	ssyncadd.s32 $0xFFFFFFD8  }
0x2f: {  	[tilespmem:s25], [sflag:$0x1] =	stream.linear.gather [hbm4b:s23+s4], $0x1400, $0x38;
	[tilespmem:$0x1A700] =	vst v63  }
0x30: {  	_ =	swait.ge [sflag:s28], $0x1400  }
0x31: {  	[sflag:s28] =	ssyncset.done $0x0  }
0x32: {  	[sflag:s28] =	ssyncadd.s32 $0xFFFFEC00  }
0x33: {  	[tilespmem:s25], [sflag:$0x2] =	stream.indirect.gather.add.f32 [hbm:s6], $0x80, s4, s30, $0xb8;
	[tilespmem:$0x1A700] =	vst v63  }
0x34: {  	_ = 	snop  }
0x35: {  	[tilespmem:s25], [sflag:$0x2] =	stream.indirect.gather.add.f32 [hbm:s7], $0x80, s16, s30, $0xb8;
	[tilespmem:$0x1A700] =	vst v63  }
0x36: {  	s29 =	simm.s32 $0x1580;
	s23 =	simm.s32 $0x0  }
0x37: {  	[tilespmem:s29], [sflag:$0x2] =	stream.indirect.gather [hbm4b:s8+s30], $0x80, s16, s30, $0xb8;
	[tilespmem:$0x1A700] =	vst v63  }
.LBB2_2:
0x38: {  	_ =	swait.ge [sflag:s0], $0x1400  }
0x39: {  	[sflag:s0] =	ssyncset.done $0x0  }
0x3a: {  	[sflag:s0] =	ssyncadd.s32 $0xFFFFEC00  }
0x3b: {  	_ =	swait.ge [sflag:s0], $0x1400  }
0x3c: {  	[sflag:s0] =	ssyncset.done $0x0  }
0x3d: {  	[sflag:s0] =	ssyncadd.s32 $0xFFFFEC00  }
0x3e: {  	s29 =	smul.u32 $0x50, s23;
	_ =	swait.ge [sflag:s0], $0x1400  }
0x3f: {  	s1 =	rddreg [dreg:$0xc]  }
0x40: {  	s1 =	sadd.s32 s29, s1  }
0x41: {  	s15 =	simm.s32 $0x0;
	[sflag:s0] =	ssyncset.done $0x0;
	s25 =	sshll.u32 s1, $0x4  }
0x42: {  	[sflag:s0] =	ssyncadd.s32 $0xFFFFEC00;
	s1 =	sshrl.u32 s1, $0x3;
	s13 =	sadd.s32 s3, s25  }
0x43: {  	[tilespmem:s5], [sflag:$0x3] =	stream.linear.gather [hbm4b:s13+s15], $0x1400, $0x38;
	[tilespmem:$0x1A700] =	vst v63  }
0x44: {  	s19 =	sadd.s32 s9, s1  }
0x45: {  	[tilespmem:s26], [sflag:$0x5] =	stream.linear.gather [hbm4b:s19+s15], $0x28, $0x38;
	[tilespmem:$0x1A700] =	vst v63  }
0x46: {  	_ =	swait.ge [sflag:s24], $0x28  }
0x47: {  	[sflag:s24] =	ssyncset.done $0x0  }
0x48: {  	s22 =	sadd.s32 s10, s1;
	[sflag:s24] =	ssyncadd.s32 $0xFFFFFFD8  }
0x49: {  	[tilespmem:s31], [sflag:$0x5] =	stream.linear.gather [hbm4b:s22+s15], $0x28, $0x38;
	[tilespmem:$0x1A700] =	vst v63  }
0x4a: {  	_ =	swait.ge [sflag:s24], $0x28  }
0x4b: {  	[sflag:s24] =	ssyncset.done $0x0  }
0x4c: {  	s2 =	simm.s32 $0x2A80;
	s1 =	sadd.s32 s11, s1;
	[sflag:s24] =	ssyncadd.s32 $0xFFFFFFD8  }
0x4d: {  	[tilespmem:s2], [sflag:$0x5] =	stream.linear.gather [hbm4b:s1+s15], $0x28, $0x38;
	[tilespmem:$0x1A700] =	vst v63  }
0x4e: {  	_ =	swait.ge [sflag:s24], $0x28  }
0x4f: {  	[sflag:s24] =	ssyncset.done $0x0  }
0x50: {  	[sflag:s24] =	ssyncadd.s32 $0xFFFFFFD8  }
0x51: {  	_ =	swait.ge [sflag:s14], $0x1400  }
0x52: {  	[sflag:s14] =	ssyncset.done $0x0  }
0x53: {  	[sflag:s14] =	ssyncadd.s32 $0xFFFFEC00  }
0x54: {  	[tilespmem:s5], [sflag:$0x4] =	stream.indirect.gather.add.f32 [hbm:s6], $0x80, s26, s30, $0xb8;
	[tilespmem:$0x1A700] =	vst v63  }
0x55: {  	s28 =	simm.s32 $0x3F00;
	s13 =	simm.s32 $0x280  }
0x56: {  	[tilespmem:s5], [sflag:$0x4] =	stream.indirect.gather.add.f32 [hbm:s7], $0x80, s31, s30, $0xb8;
	[tilespmem:$0x1A700] =	vst v63  }
0x57: {  	s19 =	simm.s32 $0x1680;
	s22 =	simm.s32 $0x5400;
	s1 =	simm.s32 $0xFFFFFFFC  }
0x58: {  	[tilespmem:s28], [sflag:$0x4] =	stream.indirect.gather [hbm4b:s8+s30], $0x80, s31, s30, $0xb8;
	[tilespmem:$0x1A700] =	vst v63  }
.LBB2_3:
0x59: {  	v0 =	vld [tilespmem:s13+$0xFFFFFF00];
	_ =	sdelay $0x4  }
0x5a: {  	v0 =	vsub.f32 $0.0e+00, v0;
	_ =	sdelay $0x1  }
0x5b: {  	v0 =	vmul.f32 $1.442695020e+00, v0;
	_ =	sdelay $0x1  }
0x5c: {  	(erf) = vpow2.f32 v0;
	_ =	sdelay $0x8  }
0x5d: {  	v0 =	vpop (erf)  }
0x5e: {  	v0 =	vadd.f32 $1.000000000e+00, v0;
	_ =	sdelay $0x1  }
0x5f: {  	(erf) = vrcp.f32 v0;
	_ =	sdelay $0x2  }
0x60: {  	s16 =	sadd.s32 $0x4, s1  }
0x61: {  	v1 =	vld [tilespmem:s19+$0xFFFFFF00];
	s28 =	sand.u32 $0x30, s16  }
0x62: {  	v55 =	vld [tilespmem:s28+$0x100];
	_ =	sdelay $0x2  }
0x63: {  	s2 =	sand.u32 $0xC, s16  }
0x64: {  	v2 =	vmov s2;
	v3 =	vpop (erf)  }
0x65: {  	v0 =	vperm.xlane v55, v2;
	v1 =	vmul.f32 v3, v1;
	_ =	sdelay $0x1  }
0x66: {  	v1 =	vmul.f32 v1, v0;
	_ =	sdelay $0x1  }
0x67: {  	[tilespmem:s22+$0xFFFFFF00] =	vst v1  }
0x68: {  	v1 =	vld [tilespmem:s13+$0xFFFFFF10];
	_ =	sdelay $0x4  }
0x69: {  	v1 =	vsub.f32 $0.0e+00, v1;
	_ =	sdelay $0x1  }
0x6a: {  	v1 =	vmul.f32 $1.442695020e+00, v1;
	_ =	sdelay $0x1  }
0x6b: {  	(erf) = vpow2.f32 v1;
	_ =	sdelay $0x8  }
0x6c: {  	v1 =	vpop (erf)  }
0x6d: {  	v1 =	vadd.f32 $1.000000000e+00, v1;
	_ =	sdelay $0x1  }
0x6e: {  	(erf) = vrcp.f32 v1;
	_ =	sdelay $0x4  }
0x6f: {  	v56 =	vld [tilespmem:s19+$0xFFFFFF10];
	_ =	sdelay $0x3  }
0x70: {  	v57 =	vpop (erf)  }
0x71: {  	v1 =	vmul.f32 v57, v56;
	_ =	sdelay $0x1  }
0x72: {  	v1 =	vmul.f32 v1, v0;
	_ =	sdelay $0x1  }
0x73: {  	[tilespmem:s22+$0xFFFFFF10] =	vst v1  }
0x74: {  	v1 =	vld [tilespmem:s13+$0xFFFFFF20];
	_ =	sdelay $0x4  }
0x75: {  	v1 =	vsub.f32 $0.0e+00, v1;
	_ =	sdelay $0x1  }
0x76: {  	v1 =	vmul.f32 $1.442695020e+00, v1;
	_ =	sdelay $0x1  }
0x77: {  	(erf) = vpow2.f32 v1;
	_ =	sdelay $0x8  }
0x78: {  	v1 =	vpop (erf)  }
0x79: {  	v1 =	vadd.f32 $1.000000000e+00, v1;
	_ =	sdelay $0x1  }
0x7a: {  	(erf) = vrcp.f32 v1;
	_ =	sdelay $0x4  }
0x7b: {  	v58 =	vld [tilespmem:s19+$0xFFFFFF20];
	_ =	sdelay $0x3  }
0x7c: {  	v59 =	vpop (erf)  }
0x7d: {  	v1 =	vmul.f32 v59, v58;
	_ =	sdelay $0x1  }
0x7e: {  	v1 =	vmul.f32 v1, v0;
	_ =	sdelay $0x1  }
0x7f: {  	[tilespmem:s22+$0xFFFFFF20] =	vst v1  }
0x80: {  	v1 =	vld [tilespmem:s13+$0xFFFFFF30];
	_ =	sdelay $0x4  }
0x81: {  	v1 =	vsub.f32 $0.0e+00, v1;
	_ =	sdelay $0x1  }
0x82: {  	v1 =	vmul.f32 $1.442695020e+00, v1;
	_ =	sdelay $0x1  }
0x83: {  	(erf) = vpow2.f32 v1;
	_ =	sdelay $0x8  }
0x84: {  	v1 =	vpop (erf)  }
0x85: {  	v1 =	vadd.f32 $1.000000000e+00, v1;
	_ =	sdelay $0x1  }
0x86: {  	(erf) = vrcp.f32 v1;
	_ =	sdelay $0x4  }
0x87: {  	v60 =	vld [tilespmem:s19+$0xFFFFFF30];
	_ =	sdelay $0x3  }
0x88: {  	v61 =	vpop (erf)  }
0x89: {  	v1 =	vmul.f32 v61, v60;
	_ =	sdelay $0x1  }
0x8a: {  	v1 =	vmul.f32 v1, v0;
	_ =	sdelay $0x1  }
0x8b: {  	[tilespmem:s22+$0xFFFFFF30] =	vst v1  }
0x8c: {  	v1 =	vld [tilespmem:s13+$0xFFFFFF40];
	_ =	sdelay $0x4  }
0x8d: {  	v1 =	vsub.f32 $0.0e+00, v1;
	_ =	sdelay $0x1  }
0x8e: {  	v1 =	vmul.f32 $1.442695020e+00, v1;
	_ =	sdelay $0x1  }
0x8f: {  	(erf) = vpow2.f32 v1;
	_ =	sdelay $0x8  }
0x90: {  	v1 =	vpop (erf)  }
0x91: {  	v1 =	vadd.f32 $1.000000000e+00, v1;
	_ =	sdelay $0x1  }
0x92: {  	(erf) = vrcp.f32 v1;
	_ =	sdelay $0x4  }
0x93: {  	v62 =	vld [tilespmem:s19+$0xFFFFFF40];
	_ =	sdelay $0x3  }
0x94: {  	v63 =	vpop (erf)  }
0x95: {  	v1 =	vmul.f32 v63, v62;
	_ =	sdelay $0x1  }
0x96: {  	v1 =	vmul.f32 v1, v0;
	_ =	sdelay $0x1  }
0x97: {  	[tilespmem:s22+$0xFFFFFF40] =	vst v1  }
0x98: {  	v1 =	vld [tilespmem:s13+$0xFFFFFF50];
	_ =	sdelay $0x4  }
0x99: {  	v1 =	vsub.f32 $0.0e+00, v1;
	_ =	sdelay $0x1  }
0x9a: {  	v1 =	vmul.f32 $1.442695020e+00, v1;
	_ =	sdelay $0x1  }
0x9b: {  	(erf) = vpow2.f32 v1;
	_ =	sdelay $0x8  }
0x9c: {  	v1 =	vpop (erf)  }
0x9d: {  	v1 =	vadd.f32 $1.000000000e+00, v1;
	_ =	sdelay $0x1  }
0x9e: {  	(erf) = vrcp.f32 v1;
	_ =	sdelay $0x4  }
0x9f: {  	v4 =	vld [tilespmem:s19+$0xFFFFFF50];
	_ =	sdelay $0x3  }
0xa0: {  	v5 =	vpop (erf)  }
0xa1: {  	v1 =	vmul.f32 v5, v4;
	_ =	sdelay $0x1  }
0xa2: {  	v1 =	vmul.f32 v1, v0;
	_ =	sdelay $0x1  }
0xa3: {  	[tilespmem:s22+$0xFFFFFF50] =	vst v1  }
0xa4: {  	v1 =	vld [tilespmem:s13+$0xFFFFFF60];
	_ =	sdelay $0x4  }
0xa5: {  	v1 =	vsub.f32 $0.0e+00, v1;
	_ =	sdelay $0x1  }
0xa6: {  	v1 =	vmul.f32 $1.442695020e+00, v1;
	_ =	sdelay $0x1  }
0xa7: {  	(erf) = vpow2.f32 v1;
	_ =	sdelay $0x8  }
0xa8: {  	v1 =	vpop (erf)  }
0xa9: {  	v1 =	vadd.f32 $1.000000000e+00, v1;
	_ =	sdelay $0x1  }
0xaa: {  	(erf) = vrcp.f32 v1;
	_ =	sdelay $0x4  }
0xab: {  	v6 =	vld [tilespmem:s19+$0xFFFFFF60];
	_ =	sdelay $0x3  }
0xac: {  	v7 =	vpop (erf)  }
0xad: {  	v1 =	vmul.f32 v7, v6;
	_ =	sdelay $0x1  }
0xae: {  	v1 =	vmul.f32 v1, v0;
	_ =	sdelay $0x1  }
0xaf: {  	[tilespmem:s22+$0xFFFFFF60] =	vst v1  }
0xb0: {  	v1 =	vld [tilespmem:s13+$0xFFFFFF70];
	_ =	sdelay $0x4  }
0xb1: {  	v1 =	vsub.f32 $0.0e+00, v1;
	_ =	sdelay $0x1  }
0xb2: {  	v1 =	vmul.f32 $1.442695020e+00, v1;
	_ =	sdelay $0x1  }
0xb3: {  	(erf) = vpow2.f32 v1;
	_ =	sdelay $0x8  }
0xb4: {  	v1 =	vpop (erf)  }
0xb5: {  	v1 =	vadd.f32 $1.000000000e+00, v1;
	_ =	sdelay $0x1  }
0xb6: {  	(erf) = vrcp.f32 v1;
	_ =	sdelay $0x4  }
0xb7: {  	v8 =	vld [tilespmem:s19+$0xFFFFFF70];
	_ =	sdelay $0x3  }
0xb8: {  	v9 =	vpop (erf)  }
0xb9: {  	v1 =	vmul.f32 v9, v8;
	_ =	sdelay $0x1  }
0xba: {  	v0 =	vmul.f32 v1, v0;
	_ =	sdelay $0x1  }
0xbb: {  	[tilespmem:s22+$0xFFFFFF70] =	vst v0  }
0xbc: {  	v0 =	vld [tilespmem:s13+$0xFFFFFF80];
	_ =	sdelay $0x4  }
0xbd: {  	v0 =	vsub.f32 $0.0e+00, v0;
	_ =	sdelay $0x1  }
0xbe: {  	v0 =	vmul.f32 $1.442695020e+00, v0;
	_ =	sdelay $0x1  }
0xbf: {  	(erf) = vpow2.f32 v0;
	_ =	sdelay $0x8  }
0xc0: {  	v0 =	vpop (erf)  }
0xc1: {  	v0 =	vadd.f32 $1.000000000e+00, v0;
	_ =	sdelay $0x1  }
0xc2: {  	(erf) = vrcp.f32 v0;
	_ =	sdelay $0x3  }
0xc3: {  	v10 =	vld [tilespmem:s28+$0x100]  }
0xc4: {  	v11 =	vld [tilespmem:s19+$0xFFFFFF80]  }
0xc5: {  	s2 =	sand.u32 $0xFFFFFFF0, s15  }
0xc6: {  	s1 =	ssub.s32 s1, s2  }
0xc7: {  	s2 =	sadd.s32 $0x5, s1  }
0xc8: {  	v12 =	vmov s2;
	v13 =	vpop (erf)  }
0xc9: {  	v0 =	vperm.xlane v10, v12;
	v1 =	vmul.f32 v13, v11;
	_ =	sdelay $0x1  }
0xca: {  	v1 =	vmul.f32 v1, v0;
	_ =	sdelay $0x1  }
0xcb: {  	[tilespmem:s22+$0xFFFFFF80] =	vst v1  }
0xcc: {  	v1 =	vld [tilespmem:s13+$0xFFFFFF90];
	_ =	sdelay $0x4  }
0xcd: {  	v1 =	vsub.f32 $0.0e+00, v1;
	_ =	sdelay $0x1  }
0xce: {  	v1 =	vmul.f32 $1.442695020e+00, v1;
	_ =	sdelay $0x1  }
0xcf: {  	(erf) = vpow2.f32 v1;
	_ =	sdelay $0x8  }
0xd0: {  	v1 =	vpop (erf)  }
0xd1: {  	v1 =	vadd.f32 $1.000000000e+00, v1;
	_ =	sdelay $0x1  }
0xd2: {  	(erf) = vrcp.f32 v1;
	_ =	sdelay $0x4  }
0xd3: {  	v14 =	vld [tilespmem:s19+$0xFFFFFF90];
	_ =	sdelay $0x3  }
0xd4: {  	v15 =	vpop (erf)  }
0xd5: {  	v1 =	vmul.f32 v15, v14;
	_ =	sdelay $0x1  }
0xd6: {  	v1 =	vmul.f32 v1, v0;
	_ =	sdelay $0x1  }
0xd7: {  	[tilespmem:s22+$0xFFFFFF90] =	vst v1  }
0xd8: {  	v1 =	vld [tilespmem:s13+$0xFFFFFFA0];
	_ =	sdelay $0x4  }
0xd9: {  	v1 =	vsub.f32 $0.0e+00, v1;
	_ =	sdelay $0x1  }
0xda: {  	v1 =	vmul.f32 $1.442695020e+00, v1;
	_ =	sdelay $0x1  }
0xdb: {  	(erf) = vpow2.f32 v1;
	_ =	sdelay $0x8  }
0xdc: {  	v1 =	vpop (erf)  }
0xdd: {  	v1 =	vadd.f32 $1.000000000e+00, v1;
	_ =	sdelay $0x1  }
0xde: {  	(erf) = vrcp.f32 v1;
	_ =	sdelay $0x4  }
0xdf: {  	v16 =	vld [tilespmem:s19+$0xFFFFFFA0];
	_ =	sdelay $0x3  }
0xe0: {  	v17 =	vpop (erf)  }
0xe1: {  	v1 =	vmul.f32 v17, v16;
	_ =	sdelay $0x1  }
0xe2: {  	v1 =	vmul.f32 v1, v0;
	_ =	sdelay $0x1  }
0xe3: {  	[tilespmem:s22+$0xFFFFFFA0] =	vst v1  }
0xe4: {  	v1 =	vld [tilespmem:s13+$0xFFFFFFB0];
	_ =	sdelay $0x4  }
0xe5: {  	v1 =	vsub.f32 $0.0e+00, v1;
	_ =	sdelay $0x1  }
0xe6: {  	v1 =	vmul.f32 $1.442695020e+00, v1;
	_ =	sdelay $0x1  }
0xe7: {  	(erf) = vpow2.f32 v1;
	_ =	sdelay $0x8  }
0xe8: {  	v1 =	vpop (erf)  }
0xe9: {  	v1 =	vadd.f32 $1.000000000e+00, v1;
	_ =	sdelay $0x1  }
0xea: {  	(erf) = vrcp.f32 v1;
	_ =	sdelay $0x4  }
0xeb: {  	v18 =	vld [tilespmem:s19+$0xFFFFFFB0];
	_ =	sdelay $0x3  }
0xec: {  	v19 =	vpop (erf)  }
0xed: {  	v1 =	vmul.f32 v19, v18;
	_ =	sdelay $0x1  }
0xee: {  	v1 =	vmul.f32 v1, v0;
	_ =	sdelay $0x1  }
0xef: {  	[tilespmem:s22+$0xFFFFFFB0] =	vst v1  }
0xf0: {  	v1 =	vld [tilespmem:s13+$0xFFFFFFC0];
	_ =	sdelay $0x4  }
0xf1: {  	v1 =	vsub.f32 $0.0e+00, v1;
	_ =	sdelay $0x1  }
0xf2: {  	v1 =	vmul.f32 $1.442695020e+00, v1;
	_ =	sdelay $0x1  }
0xf3: {  	(erf) = vpow2.f32 v1;
	_ =	sdelay $0x8  }
0xf4: {  	v1 =	vpop (erf)  }
0xf5: {  	v1 =	vadd.f32 $1.000000000e+00, v1;
	_ =	sdelay $0x1  }
0xf6: {  	(erf) = vrcp.f32 v1;
	_ =	sdelay $0x4  }
0xf7: {  	v20 =	vld [tilespmem:s19+$0xFFFFFFC0];
	_ =	sdelay $0x3  }
0xf8: {  	v21 =	vpop (erf)  }
0xf9: {  	v1 =	vmul.f32 v21, v20;
	_ =	sdelay $0x1  }
0xfa: {  	v1 =	vmul.f32 v1, v0;
	_ =	sdelay $0x1  }
0xfb: {  	[tilespmem:s22+$0xFFFFFFC0] =	vst v1  }
0xfc: {  	v1 =	vld [tilespmem:s13+$0xFFFFFFD0];
	_ =	sdelay $0x4  }
0xfd: {  	v1 =	vsub.f32 $0.0e+00, v1;
	_ =	sdelay $0x1  }
0xfe: {  	v1 =	vmul.f32 $1.442695020e+00, v1;
	_ =	sdelay $0x1  }
0xff: {  	(erf) = vpow2.f32 v1;
	_ =	sdelay $0x8  }
0x100: {  	v1 =	vpop (erf)  }
0x101: {  	v1 =	vadd.f32 $1.000000000e+00, v1;
	_ =	sdelay $0x1  }
0x102: {  	(erf) = vrcp.f32 v1;
	_ =	sdelay $0x4  }
0x103: {  	v22 =	vld [tilespmem:s19+$0xFFFFFFD0];
	_ =	sdelay $0x3  }
0x104: {  	v23 =	vpop (erf)  }
0x105: {  	v1 =	vmul.f32 v23, v22;
	_ =	sdelay $0x1  }
0x106: {  	v1 =	vmul.f32 v1, v0;
	_ =	sdelay $0x1  }
0x107: {  	[tilespmem:s22+$0xFFFFFFD0] =	vst v1  }
0x108: {  	v1 =	vld [tilespmem:s13+$0xFFFFFFE0];
	_ =	sdelay $0x4  }
0x109: {  	v1 =	vsub.f32 $0.0e+00, v1;
	_ =	sdelay $0x1  }
0x10a: {  	v1 =	vmul.f32 $1.442695020e+00, v1;
	_ =	sdelay $0x1  }
0x10b: {  	(erf) = vpow2.f32 v1;
	_ =	sdelay $0x8  }
0x10c: {  	v1 =	vpop (erf)  }
0x10d: {  	v1 =	vadd.f32 $1.000000000e+00, v1;
	_ =	sdelay $0x1  }
0x10e: {  	(erf) = vrcp.f32 v1;
	_ =	sdelay $0x4  }
0x10f: {  	v24 =	vld [tilespmem:s19+$0xFFFFFFE0];
	_ =	sdelay $0x3  }
0x110: {  	v25 =	vpop (erf)  }
0x111: {  	v1 =	vmul.f32 v25, v24;
	_ =	sdelay $0x1  }
0x112: {  	v1 =	vmul.f32 v1, v0;
	_ =	sdelay $0x1  }
0x113: {  	[tilespmem:s22+$0xFFFFFFE0] =	vst v1  }
0x114: {  	v1 =	vld [tilespmem:s13+$0xFFFFFFF0];
	_ =	sdelay $0x4  }
0x115: {  	v1 =	vsub.f32 $0.0e+00, v1;
	_ =	sdelay $0x1  }
0x116: {  	v1 =	vmul.f32 $1.442695020e+00, v1;
	_ =	sdelay $0x1  }
0x117: {  	(erf) = vpow2.f32 v1;
	_ =	sdelay $0x8  }
0x118: {  	v1 =	vpop (erf)  }
0x119: {  	v1 =	vadd.f32 $1.000000000e+00, v1;
	_ =	sdelay $0x1  }
0x11a: {  	(erf) = vrcp.f32 v1;
	_ =	sdelay $0x4  }
0x11b: {  	v26 =	vld [tilespmem:s19+$0xFFFFFFF0];
	_ =	sdelay $0x3  }
0x11c: {  	v27 =	vpop (erf)  }
0x11d: {  	v1 =	vmul.f32 v27, v26;
	_ =	sdelay $0x1  }
0x11e: {  	v0 =	vmul.f32 v1, v0;
	_ =	sdelay $0x1  }
0x11f: {  	[tilespmem:s22+$0xFFFFFFF0] =	vst v0  }
0x120: {  	v0 =	vld [tilespmem:s13+$0x0];
	_ =	sdelay $0x4  }
0x121: {  	v0 =	vsub.f32 $0.0e+00, v0;
	_ =	sdelay $0x1  }
0x122: {  	v0 =	vmul.f32 $1.442695020e+00, v0;
	_ =	sdelay $0x1  }
0x123: {  	(erf) = vpow2.f32 v0;
	_ =	sdelay $0x8  }
0x124: {  	v0 =	vpop (erf)  }
0x125: {  	v0 =	vadd.f32 $1.000000000e+00, v0;
	_ =	sdelay $0x1  }
0x126: {  	(erf) = vrcp.f32 v0;
	_ =	sdelay $0x3  }
0x127: {  	v28 =	vld [tilespmem:s28+$0x100]  }
0x128: {  	v29 =	vld [tilespmem:s19+$0x0];
	_ =	sdelay $0x2  }
0x129: {  	s2 =	sadd.s32 $0x6, s1  }
0x12a: {  	v30 =	vmov s2;
	v31 =	vpop (erf)  }
0x12b: {  	v0 =	vperm.xlane v28, v30;
	v1 =	vmul.f32 v31, v29;
	_ =	sdelay $0x1  }
0x12c: {  	v1 =	vmul.f32 v1, v0;
	_ =	sdelay $0x1  }
0x12d: {  	[tilespmem:s22+$0x0] =	vst v1  }
0x12e: {  	v1 =	vld [tilespmem:s13+$0x10];
	_ =	sdelay $0x4  }
0x12f: {  	v1 =	vsub.f32 $0.0e+00, v1;
	_ =	sdelay $0x1  }
0x130: {  	v1 =	vmul.f32 $1.442695020e+00, v1;
	_ =	sdelay $0x1  }
0x131: {  	(erf) = vpow2.f32 v1;
	_ =	sdelay $0x8  }
0x132: {  	v1 =	vpop (erf)  }
0x133: {  	v1 =	vadd.f32 $1.000000000e+00, v1;
	_ =	sdelay $0x1  }
0x134: {  	(erf) = vrcp.f32 v1;
	_ =	sdelay $0x4  }
0x135: {  	v32 =	vld [tilespmem:s19+$0x10];
	_ =	sdelay $0x3  }
0x136: {  	v33 =	vpop (erf)  }
0x137: {  	v1 =	vmul.f32 v33, v32;
	_ =	sdelay $0x1  }
0x138: {  	v1 =	vmul.f32 v1, v0;
	_ =	sdelay $0x1  }
0x139: {  	[tilespmem:s22+$0x10] =	vst v1  }
0x13a: {  	v1 =	vld [tilespmem:s13+$0x20];
	_ =	sdelay $0x4  }
0x13b: {  	v1 =	vsub.f32 $0.0e+00, v1;
	_ =	sdelay $0x1  }
0x13c: {  	v1 =	vmul.f32 $1.442695020e+00, v1;
	_ =	sdelay $0x1  }
0x13d: {  	(erf) = vpow2.f32 v1;
	_ =	sdelay $0x8  }
0x13e: {  	v1 =	vpop (erf)  }
0x13f: {  	v1 =	vadd.f32 $1.000000000e+00, v1;
	_ =	sdelay $0x1  }
0x140: {  	(erf) = vrcp.f32 v1;
	_ =	sdelay $0x4  }
0x141: {  	v34 =	vld [tilespmem:s19+$0x20];
	_ =	sdelay $0x3  }
0x142: {  	v35 =	vpop (erf)  }
0x143: {  	v1 =	vmul.f32 v35, v34;
	_ =	sdelay $0x1  }
0x144: {  	v1 =	vmul.f32 v1, v0;
	_ =	sdelay $0x1  }
0x145: {  	[tilespmem:s22+$0x20] =	vst v1  }
0x146: {  	v1 =	vld [tilespmem:s13+$0x30];
	_ =	sdelay $0x4  }
0x147: {  	v1 =	vsub.f32 $0.0e+00, v1;
	_ =	sdelay $0x1  }
0x148: {  	v1 =	vmul.f32 $1.442695020e+00, v1;
	_ =	sdelay $0x1  }
0x149: {  	(erf) = vpow2.f32 v1;
	_ =	sdelay $0x8  }
0x14a: {  	v1 =	vpop (erf)  }
0x14b: {  	v1 =	vadd.f32 $1.000000000e+00, v1;
	_ =	sdelay $0x1  }
0x14c: {  	(erf) = vrcp.f32 v1;
	_ =	sdelay $0x4  }
0x14d: {  	v36 =	vld [tilespmem:s19+$0x30];
	_ =	sdelay $0x3  }
0x14e: {  	v37 =	vpop (erf)  }
0x14f: {  	v1 =	vmul.f32 v37, v36;
	_ =	sdelay $0x1  }
0x150: {  	v1 =	vmul.f32 v1, v0;
	_ =	sdelay $0x1  }
0x151: {  	[tilespmem:s22+$0x30] =	vst v1  }
0x152: {  	v1 =	vld [tilespmem:s13+$0x40];
	_ =	sdelay $0x4  }
0x153: {  	v1 =	vsub.f32 $0.0e+00, v1;
	_ =	sdelay $0x1  }
0x154: {  	v1 =	vmul.f32 $1.442695020e+00, v1;
	_ =	sdelay $0x1  }
0x155: {  	(erf) = vpow2.f32 v1;
	_ =	sdelay $0x8  }
0x156: {  	v1 =	vpop (erf)  }
0x157: {  	v1 =	vadd.f32 $1.000000000e+00, v1;
	_ =	sdelay $0x1  }
0x158: {  	(erf) = vrcp.f32 v1;
	_ =	sdelay $0x4  }
0x159: {  	v38 =	vld [tilespmem:s19+$0x40];
	_ =	sdelay $0x3  }
0x15a: {  	v39 =	vpop (erf)  }
0x15b: {  	v1 =	vmul.f32 v39, v38;
	_ =	sdelay $0x1  }
0x15c: {  	v1 =	vmul.f32 v1, v0;
	_ =	sdelay $0x1  }
0x15d: {  	[tilespmem:s22+$0x40] =	vst v1  }
0x15e: {  	v1 =	vld [tilespmem:s13+$0x50];
	_ =	sdelay $0x4  }
0x15f: {  	v1 =	vsub.f32 $0.0e+00, v1;
	_ =	sdelay $0x1  }
0x160: {  	v1 =	vmul.f32 $1.442695020e+00, v1;
	_ =	sdelay $0x1  }
0x161: {  	(erf) = vpow2.f32 v1;
	_ =	sdelay $0x8  }
0x162: {  	v1 =	vpop (erf)  }
0x163: {  	v1 =	vadd.f32 $1.000000000e+00, v1;
	_ =	sdelay $0x1  }
0x164: {  	(erf) = vrcp.f32 v1;
	_ =	sdelay $0x4  }
0x165: {  	v40 =	vld [tilespmem:s19+$0x50];
	_ =	sdelay $0x3  }
0x166: {  	v41 =	vpop (erf)  }
0x167: {  	v1 =	vmul.f32 v41, v40;
	_ =	sdelay $0x1  }
0x168: {  	v1 =	vmul.f32 v1, v0;
	_ =	sdelay $0x1  }
0x169: {  	[tilespmem:s22+$0x50] =	vst v1  }
0x16a: {  	v1 =	vld [tilespmem:s13+$0x60];
	_ =	sdelay $0x4  }
0x16b: {  	v1 =	vsub.f32 $0.0e+00, v1;
	_ =	sdelay $0x1  }
0x16c: {  	v1 =	vmul.f32 $1.442695020e+00, v1;
	_ =	sdelay $0x1  }
0x16d: {  	(erf) = vpow2.f32 v1;
	_ =	sdelay $0x8  }
0x16e: {  	v1 =	vpop (erf)  }
0x16f: {  	v1 =	vadd.f32 $1.000000000e+00, v1;
	_ =	sdelay $0x1  }
0x170: {  	(erf) = vrcp.f32 v1;
	_ =	sdelay $0x4  }
0x171: {  	v42 =	vld [tilespmem:s19+$0x60];
	_ =	sdelay $0x3  }
0x172: {  	v43 =	vpop (erf)  }
0x173: {  	v1 =	vmul.f32 v43, v42;
	_ =	sdelay $0x1  }
0x174: {  	v1 =	vmul.f32 v1, v0;
	_ =	sdelay $0x1  }
0x175: {  	[tilespmem:s22+$0x60] =	vst v1  }
0x176: {  	v1 =	vld [tilespmem:s13+$0x70];
	_ =	sdelay $0x4  }
0x177: {  	v1 =	vsub.f32 $0.0e+00, v1;
	_ =	sdelay $0x1  }
0x178: {  	v1 =	vmul.f32 $1.442695020e+00, v1;
	_ =	sdelay $0x1  }
0x179: {  	(erf) = vpow2.f32 v1;
	_ =	sdelay $0x8  }
0x17a: {  	v1 =	vpop (erf)  }
0x17b: {  	v1 =	vadd.f32 $1.000000000e+00, v1;
	_ =	sdelay $0x1  }
0x17c: {  	(erf) = vrcp.f32 v1;
	_ =	sdelay $0x4  }
0x17d: {  	v44 =	vld [tilespmem:s19+$0x70];
	_ =	sdelay $0x3  }
0x17e: {  	v45 =	vpop (erf)  }
0x17f: {  	v1 =	vmul.f32 v45, v44;
	_ =	sdelay $0x1  }
0x180: {  	v0 =	vmul.f32 v1, v0;
	_ =	sdelay $0x1  }
0x181: {  	[tilespmem:s22+$0x70] =	vst v0  }
0x182: {  	v0 =	vld [tilespmem:s13+$0x80];
	_ =	sdelay $0x4  }
0x183: {  	v0 =	vsub.f32 $0.0e+00, v0;
	_ =	sdelay $0x1  }
0x184: {  	v0 =	vmul.f32 $1.442695020e+00, v0;
	_ =	sdelay $0x1  }
0x185: {  	(erf) = vpow2.f32 v0;
	_ =	sdelay $0x8  }
0x186: {  	v0 =	vpop (erf)  }
0x187: {  	v0 =	vadd.f32 $1.000000000e+00, v0;
	_ =	sdelay $0x1  }
0x188: {  	(erf) = vrcp.f32 v0;
	_ =	sdelay $0x3  }
0x189: {  	v46 =	vld [tilespmem:s28+$0x100]  }
0x18a: {  	v47 =	vld [tilespmem:s19+$0x80];
	_ =	sdelay $0x2  }
0x18b: {  	s1 =	sadd.s32 $0x7, s1  }
0x18c: {  	v48 =	vmov s1;
	v49 =	vpop (erf)  }
0x18d: {  	v0 =	vperm.xlane v46, v48;
	v1 =	vmul.f32 v49, v47;
	_ =	sdelay $0x1  }
0x18e: {  	v1 =	vmul.f32 v1, v0;
	_ =	sdelay $0x1  }
0x18f: {  	[tilespmem:s22+$0x80] =	vst v1  }
0x190: {  	v1 =	vld [tilespmem:s13+$0x90];
	_ =	sdelay $0x4  }
0x191: {  	v1 =	vsub.f32 $0.0e+00, v1;
	_ =	sdelay $0x1  }
0x192: {  	v1 =	vmul.f32 $1.442695020e+00, v1;
	_ =	sdelay $0x1  }
0x193: {  	(erf) = vpow2.f32 v1;
	_ =	sdelay $0x8  }
0x194: {  	v1 =	vpop (erf)  }
0x195: {  	v1 =	vadd.f32 $1.000000000e+00, v1;
	_ =	sdelay $0x1  }
0x196: {  	(erf) = vrcp.f32 v1;
	_ =	sdelay $0x4  }
0x197: {  	v50 =	vld [tilespmem:s19+$0x90];
	_ =	sdelay $0x3  }
0x198: {  	v51 =	vpop (erf)  }
0x199: {  	v1 =	vmul.f32 v51, v50;
	_ =	sdelay $0x1  }
0x19a: {  	v1 =	vmul.f32 v1, v0;
	_ =	sdelay $0x1  }
0x19b: {  	[tilespmem:s22+$0x90] =	vst v1  }
0x19c: {  	v1 =	vld [tilespmem:s13+$0xA0];
	_ =	sdelay $0x4  }
0x19d: {  	v1 =	vsub.f32 $0.0e+00, v1;
	_ =	sdelay $0x1  }
0x19e: {  	v1 =	vmul.f32 $1.442695020e+00, v1;
	_ =	sdelay $0x1  }
0x19f: {  	(erf) = vpow2.f32 v1;
	_ =	sdelay $0x8  }
0x1a0: {  	v1 =	vpop (erf)  }
0x1a1: {  	v1 =	vadd.f32 $1.000000000e+00, v1;
	_ =	sdelay $0x1  }
0x1a2: {  	(erf) = vrcp.f32 v1;
	_ =	sdelay $0x4  }
0x1a3: {  	v52 =	vld [tilespmem:s19+$0xA0];
	_ =	sdelay $0x3  }
0x1a4: {  	v53 =	vpop (erf)  }
0x1a5: {  	v1 =	vmul.f32 v53, v52;
	_ =	sdelay $0x1  }
0x1a6: {  	v1 =	vmul.f32 v1, v0;
	_ =	sdelay $0x1  }
0x1a7: {  	[tilespmem:s22+$0xA0] =	vst v1  }
0x1a8: {  	v1 =	vld [tilespmem:s13+$0xB0];
	_ =	sdelay $0x4  }
0x1a9: {  	v1 =	vsub.f32 $0.0e+00, v1;
	_ =	sdelay $0x1  }
0x1aa: {  	v1 =	vmul.f32 $1.442695020e+00, v1;
	_ =	sdelay $0x1  }
0x1ab: {  	(erf) = vpow2.f32 v1;
	_ =	sdelay $0x8  }
0x1ac: {  	v1 =	vpop (erf)  }
0x1ad: {  	v1 =	vadd.f32 $1.000000000e+00, v1;
	_ =	sdelay $0x1  }
0x1ae: {  	(erf) = vrcp.f32 v1;
	_ =	sdelay $0x4  }
0x1af: {  	v54 =	vld [tilespmem:s19+$0xB0];
	_ =	sdelay $0x3  }
0x1b0: {  	v55 =	vpop (erf)  }
0x1b1: {  	v1 =	vmul.f32 v55, v54;
	_ =	sdelay $0x1  }
0x1b2: {  	v1 =	vmul.f32 v1, v0;
	_ =	sdelay $0x1  }
0x1b3: {  	[tilespmem:s22+$0xB0] =	vst v1  }
0x1b4: {  	v1 =	vld [tilespmem:s13+$0xC0];
	_ =	sdelay $0x4  }
0x1b5: {  	v1 =	vsub.f32 $0.0e+00, v1;
	_ =	sdelay $0x1  }
0x1b6: {  	v1 =	vmul.f32 $1.442695020e+00, v1;
	_ =	sdelay $0x1  }
0x1b7: {  	(erf) = vpow2.f32 v1;
	_ =	sdelay $0x8  }
0x1b8: {  	v1 =	vpop (erf)  }
0x1b9: {  	v1 =	vadd.f32 $1.000000000e+00, v1;
	_ =	sdelay $0x1  }
0x1ba: {  	(erf) = vrcp.f32 v1;
	_ =	sdelay $0x4  }
0x1bb: {  	v56 =	vld [tilespmem:s19+$0xC0];
	_ =	sdelay $0x3  }
0x1bc: {  	v57 =	vpop (erf)  }
0x1bd: {  	v1 =	vmul.f32 v57, v56;
	_ =	sdelay $0x1  }
0x1be: {  	v1 =	vmul.f32 v1, v0;
	_ =	sdelay $0x1  }
0x1bf: {  	[tilespmem:s22+$0xC0] =	vst v1  }
0x1c0: {  	v1 =	vld [tilespmem:s13+$0xD0];
	_ =	sdelay $0x4  }
0x1c1: {  	v1 =	vsub.f32 $0.0e+00, v1;
	_ =	sdelay $0x1  }
0x1c2: {  	v1 =	vmul.f32 $1.442695020e+00, v1;
	_ =	sdelay $0x1  }
0x1c3: {  	(erf) = vpow2.f32 v1;
	_ =	sdelay $0x8  }
0x1c4: {  	v1 =	vpop (erf)  }
0x1c5: {  	v1 =	vadd.f32 $1.000000000e+00, v1;
	_ =	sdelay $0x1  }
0x1c6: {  	(erf) = vrcp.f32 v1;
	_ =	sdelay $0x4  }
0x1c7: {  	v58 =	vld [tilespmem:s19+$0xD0];
	_ =	sdelay $0x3  }
0x1c8: {  	v59 =	vpop (erf)  }
0x1c9: {  	v1 =	vmul.f32 v59, v58;
	_ =	sdelay $0x1  }
0x1ca: {  	v1 =	vmul.f32 v1, v0;
	_ =	sdelay $0x1  }
0x1cb: {  	[tilespmem:s22+$0xD0] =	vst v1  }
0x1cc: {  	v1 =	vld [tilespmem:s13+$0xE0];
	_ =	sdelay $0x4  }
0x1cd: {  	v1 =	vsub.f32 $0.0e+00, v1;
	_ =	sdelay $0x1  }
0x1ce: {  	v1 =	vmul.f32 $1.442695020e+00, v1;
	_ =	sdelay $0x1  }
0x1cf: {  	(erf) = vpow2.f32 v1;
	_ =	sdelay $0x8  }
0x1d0: {  	v1 =	vpop (erf)  }
0x1d1: {  	v1 =	vadd.f32 $1.000000000e+00, v1;
	_ =	sdelay $0x1  }
0x1d2: {  	(erf) = vrcp.f32 v1;
	_ =	sdelay $0x4  }
0x1d3: {  	v60 =	vld [tilespmem:s19+$0xE0];
	_ =	sdelay $0x3  }
0x1d4: {  	v61 =	vpop (erf)  }
0x1d5: {  	v1 =	vmul.f32 v61, v60;
	_ =	sdelay $0x1  }
0x1d6: {  	v1 =	vmul.f32 v1, v0;
	_ =	sdelay $0x1  }
0x1d7: {  	[tilespmem:s22+$0xE0] =	vst v1  }
0x1d8: {  	v1 =	vld [tilespmem:s13+$0xF0];
	_ =	sdelay $0x4  }
0x1d9: {  	v1 =	vsub.f32 $0.0e+00, v1;
	_ =	sdelay $0x1  }
0x1da: {  	v1 =	vmul.f32 $1.442695020e+00, v1;
	_ =	sdelay $0x1  }
0x1db: {  	(erf) = vpow2.f32 v1;
	_ =	sdelay $0x8  }
0x1dc: {  	v1 =	vpop (erf)  }
0x1dd: {  	v1 =	vadd.f32 $1.000000000e+00, v1;
	_ =	sdelay $0x1  }
0x1de: {  	(erf) = vrcp.f32 v1;
	_ =	sdelay $0x4  }
0x1df: {  	v62 =	vld [tilespmem:s19+$0xF0];
	_ =	sdelay $0x3  }
0x1e0: {  	p0 =	slt.u32 s16, $0x24;
	v63 =	vpop (erf)  }
.Ltmp0:
0x1e1: {  	v1 =	vmul.f32 v63, v62;
	(pc) =	sbr.rel @p0 .LBB2_3-.Ltmp0, $4  }
0x1e2: {  	_ = 	snop  }
0x1e3: {  	v0 =	vmul.f32 v1, v0  }
0x1e4: {  	s15 =	sadd.s32 $0x4, s15;
	s1 =	smov.u32 s16  }
0x1e5: {  	s19 =	sadd.s32 $0x200, s19;
	s13 =	sadd.s32 $0x200, s13;
	[tilespmem:s22+$0xF0] =	vst v0;
	s22 =	sadd.s32 $0x200, s22  }
0x1e6: {  	s1 =	sadd.s32 s20, s29  }
0x1e7: {  	s1 =	sshll.u32 s1, $0x4  }
0x1e8: {  	s2 =	simm.s32 $0x180;
	s1 =	sadd.s32 s12, s1  }
0x1e9: {  	[hbm4b:s1+s4] =	stream.linear.scatter [tilespmem:s2], [sflag:$0x5], $0x1400, $0x38;
	[tilespmem:$0x1A700] =	vst v63  }
0x1ea: {  	_ =	swait.ge [sflag:s24], $0x1400  }
0x1eb: {  	[sflag:s24] =	ssyncset.done $0x0  }
0x1ec: {  	[sflag:s24] =	ssyncadd.s32 $0xFFFFEC00  }
0x1ed: {  	s28 =	rddreg [dreg:$0x3]  }
0x1ee: {  	[spmem:s28] =	stream.indirect.scatter.add.f32 [tilespmem:s17], [sflag:$0x5], $0x80, s4, s30, $0xb8;
	[tilespmem:$0x1A700] =	vst v63  }
0x1ef: {  	_ =	swait.ge [sflag:s24], $0x1400  }
0x1f0: {  	[sflag:s24] =	ssyncset.done $0x0  }
0x1f1: {  	[sflag:s24] =	ssyncadd.s32 $0xFFFFEC00  }
0x1f2: {  	_ =	swait.ge [sflag:s18], $0x1400  }
0x1f3: {  	[sflag:s18] =	ssyncset.done $0x0  }
0x1f4: {  	[sflag:s18] =	ssyncadd.s32 $0xFFFFEC00  }
0x1f5: {  	_ =	swait.ge [sflag:s18], $0x1400  }
0x1f6: {  	[sflag:s18] =	ssyncset.done $0x0  }
0x1f7: {  	p0 =	seq.s32 s23, $0x7C;
	[sflag:s18] =	ssyncadd.s32 $0xFFFFEC00  }
0x1f8: {  	s13 =	simm.s32 @!p0 $0x0;
	s1 =	sadd.s32 @!p0 s29, s21;
	_ =	swait.ge [sflag:s18], $0x1400  }
0x1f9: {  	s15 =	simm.s32 @!p0 $0x180;
	s2 =	sshll.u32 @!p0 s1, $0x4;
	[sflag:s18] =	ssyncset.done $0x0  }
0x1fa: {  	s1 =	sshrl.u32 @!p0 s1, $0x3;
	s2 =	sadd.s32 @!p0 s3, s2;
	[sflag:s18] =	ssyncadd.s32 $0xFFFFEC00  }
0x1fb: {  	[tilespmem:s15], [sflag:$0x1] =	stream.linear.gather @!p0 [hbm4b:s2+s13], $0x1400, $0x38;
	[tilespmem:$0x1A700] =	vst v63  }
0x1fc: {  	s2 =	sadd.s32 @!p0 s9, s1  }
0x1fd: {  	[tilespmem:s13], [sflag:$0x5] =	stream.linear.gather @!p0 [hbm4b:s2+s13], $0x28, $0x38;
	[tilespmem:$0x1A700] =	vst v63  }
0x1fe: {  	s2 =	simm.s32 @!p0 $0x5  }
0x1ff: {  	_ =	swait.ge @!p0 [sflag:s2], $0x28  }
0x200: {  	[sflag:s2] =	ssyncset.done @!p0 $0x0  }
0x201: {  	s19 =	simm.s32 @!p0 $0x80;
	s16 =	sadd.s32 @!p0 s10, s1;
	[sflag:s2] =	ssyncadd.s32 @!p0 $0xFFFFFFD8  }
0x202: {  	[tilespmem:s19], [sflag:$0x5] =	stream.linear.gather @!p0 [hbm4b:s16+s13], $0x28, $0x38;
	[tilespmem:$0x1A700] =	vst v63  }
0x203: {  	_ =	swait.ge @!p0 [sflag:s2], $0x28  }
0x204: {  	[sflag:s2] =	ssyncset.done @!p0 $0x0  }
0x205: {  	s1 =	sadd.s32 @!p0 s11, s1;
	s16 =	simm.s32 @!p0 $0x100;
	[sflag:s2] =	ssyncadd.s32 @!p0 $0xFFFFFFD8  }
0x206: {  	[tilespmem:s16], [sflag:$0x5] =	stream.linear.gather @!p0 [hbm4b:s1+s13], $0x28, $0x38;
	[tilespmem:$0x1A700] =	vst v63  }
0x207: {  	_ =	swait.ge @!p0 [sflag:s2], $0x28  }
0x208: {  	[sflag:s2] =	ssyncset.done @!p0 $0x0  }
0x209: {  	s1 =	simm.s32 @!p0 $0x1;
	[sflag:s2] =	ssyncadd.s32 @!p0 $0xFFFFFFD8  }
0x20a: {  	_ =	swait.ge @!p0 [sflag:s1], $0x1400  }
0x20b: {  	[sflag:s1] =	ssyncset.done @!p0 $0x0  }
0x20c: {  	[sflag:s1] =	ssyncadd.s32 @!p0 $0xFFFFEC00;
	s1 =	simm.s32 @!p0 $0x28  }
0x20d: {  	[tilespmem:s15], [sflag:$0x2] =	stream.indirect.gather.add.f32 @!p0 [hbm:s6], $0x80, s13, s1, $0xb8;
	[tilespmem:$0x1A700] =	vst v63  }
0x20e: {  	_ = 	snop  }
0x20f: {  	[tilespmem:s15], [sflag:$0x2] =	stream.indirect.gather.add.f32 @!p0 [hbm:s7], $0x80, s19, s1, $0xb8;
	[tilespmem:$0x1A700] =	vst v63  }
0x210: {  	s22 =	simm.s32 $0x5400;
	s2 =	simm.s32 @!p0 $0x1580;
	s13 =	simm.s32 $0x2C00  }
0x211: {  	[tilespmem:s2], [sflag:$0x2] =	stream.indirect.gather @!p0 [hbm4b:s8+s1], $0x80, s19, s1, $0xb8;
	[tilespmem:$0x1A700] =	vst v63  }
0x212: {  	s15 =	simm.s32 $0x0;
	s1 =	simm.s32 $0xFFFFFFFC;
	s19 =	simm.s32 $0x4000  }
.LBB2_5:
0x213: {  	v0 =	vld [tilespmem:s13+$0xFFFFFF00];
	_ =	sdelay $0x4  }
0x214: {  	v0 =	vsub.f32 $0.0e+00, v0;
	_ =	sdelay $0x1  }
0x215: {  	v0 =	vmul.f32 $1.442695020e+00, v0;
	_ =	sdelay $0x1  }
0x216: {  	(erf) = vpow2.f32 v0;
	_ =	sdelay $0x8  }
0x217: {  	v0 =	vpop (erf)  }
0x218: {  	v0 =	vadd.f32 $1.000000000e+00, v0;
	_ =	sdelay $0x1  }
0x219: {  	(erf) = vrcp.f32 v0;
	_ =	sdelay $0x2  }
0x21a: {  	s16 =	sadd.s32 $0x4, s1  }
0x21b: {  	v1 =	vld [tilespmem:s19+$0xFFFFFF00];
	s28 =	sand.u32 $0x30, s16  }
0x21c: {  	v55 =	vld [tilespmem:s28+$0x2A80];
	_ =	sdelay $0x2  }
0x21d: {  	s2 =	sand.u32 $0xC, s16  }
0x21e: {  	v2 =	vmov s2;
	v3 =	vpop (erf)  }
0x21f: {  	v0 =	vperm.xlane v55, v2;
	v1 =	vmul.f32 v3, v1;
	_ =	sdelay $0x1  }
0x220: {  	v1 =	vmul.f32 v1, v0;
	_ =	sdelay $0x1  }
0x221: {  	[tilespmem:s22+$0xFFFFFF00] =	vst v1  }
0x222: {  	v1 =	vld [tilespmem:s13+$0xFFFFFF10];
	_ =	sdelay $0x4  }
0x223: {  	v1 =	vsub.f32 $0.0e+00, v1;
	_ =	sdelay $0x1  }
0x224: {  	v1 =	vmul.f32 $1.442695020e+00, v1;
	_ =	sdelay $0x1  }
0x225: {  	(erf) = vpow2.f32 v1;
	_ =	sdelay $0x8  }
0x226: {  	v1 =	vpop (erf)  }
0x227: {  	v1 =	vadd.f32 $1.000000000e+00, v1;
	_ =	sdelay $0x1  }
0x228: {  	(erf) = vrcp.f32 v1;
	_ =	sdelay $0x4  }
0x229: {  	v56 =	vld [tilespmem:s19+$0xFFFFFF10];
	_ =	sdelay $0x3  }
0x22a: {  	v57 =	vpop (erf)  }
0x22b: {  	v1 =	vmul.f32 v57, v56;
	_ =	sdelay $0x1  }
0x22c: {  	v1 =	vmul.f32 v1, v0;
	_ =	sdelay $0x1  }
0x22d: {  	[tilespmem:s22+$0xFFFFFF10] =	vst v1  }
0x22e: {  	v1 =	vld [tilespmem:s13+$0xFFFFFF20];
	_ =	sdelay $0x4  }
0x22f: {  	v1 =	vsub.f32 $0.0e+00, v1;
	_ =	sdelay $0x1  }
0x230: {  	v1 =	vmul.f32 $1.442695020e+00, v1;
	_ =	sdelay $0x1  }
0x231: {  	(erf) = vpow2.f32 v1;
	_ =	sdelay $0x8  }
0x232: {  	v1 =	vpop (erf)  }
0x233: {  	v1 =	vadd.f32 $1.000000000e+00, v1;
	_ =	sdelay $0x1  }
0x234: {  	(erf) = vrcp.f32 v1;
	_ =	sdelay $0x4  }
0x235: {  	v58 =	vld [tilespmem:s19+$0xFFFFFF20];
	_ =	sdelay $0x3  }
0x236: {  	v59 =	vpop (erf)  }
0x237: {  	v1 =	vmul.f32 v59, v58;
	_ =	sdelay $0x1  }
0x238: {  	v1 =	vmul.f32 v1, v0;
	_ =	sdelay $0x1  }
0x239: {  	[tilespmem:s22+$0xFFFFFF20] =	vst v1  }
0x23a: {  	v1 =	vld [tilespmem:s13+$0xFFFFFF30];
	_ =	sdelay $0x4  }
0x23b: {  	v1 =	vsub.f32 $0.0e+00, v1;
	_ =	sdelay $0x1  }
0x23c: {  	v1 =	vmul.f32 $1.442695020e+00, v1;
	_ =	sdelay $0x1  }
0x23d: {  	(erf) = vpow2.f32 v1;
	_ =	sdelay $0x8  }
0x23e: {  	v1 =	vpop (erf)  }
0x23f: {  	v1 =	vadd.f32 $1.000000000e+00, v1;
	_ =	sdelay $0x1  }
0x240: {  	(erf) = vrcp.f32 v1;
	_ =	sdelay $0x4  }
0x241: {  	v60 =	vld [tilespmem:s19+$0xFFFFFF30];
	_ =	sdelay $0x3  }
0x242: {  	v61 =	vpop (erf)  }
0x243: {  	v1 =	vmul.f32 v61, v60;
	_ =	sdelay $0x1  }
0x244: {  	v1 =	vmul.f32 v1, v0;
	_ =	sdelay $0x1  }
0x245: {  	[tilespmem:s22+$0xFFFFFF30] =	vst v1  }
0x246: {  	v1 =	vld [tilespmem:s13+$0xFFFFFF40];
	_ =	sdelay $0x4  }
0x247: {  	v1 =	vsub.f32 $0.0e+00, v1;
	_ =	sdelay $0x1  }
0x248: {  	v1 =	vmul.f32 $1.442695020e+00, v1;
	_ =	sdelay $0x1  }
0x249: {  	(erf) = vpow2.f32 v1;
	_ =	sdelay $0x8  }
0x24a: {  	v1 =	vpop (erf)  }
0x24b: {  	v1 =	vadd.f32 $1.000000000e+00, v1;
	_ =	sdelay $0x1  }
0x24c: {  	(erf) = vrcp.f32 v1;
	_ =	sdelay $0x4  }
0x24d: {  	v62 =	vld [tilespmem:s19+$0xFFFFFF40];
	_ =	sdelay $0x3  }
0x24e: {  	v63 =	vpop (erf)  }
0x24f: {  	v1 =	vmul.f32 v63, v62;
	_ =	sdelay $0x1  }
0x250: {  	v1 =	vmul.f32 v1, v0;
	_ =	sdelay $0x1  }
0x251: {  	[tilespmem:s22+$0xFFFFFF40] =	vst v1  }
0x252: {  	v1 =	vld [tilespmem:s13+$0xFFFFFF50];
	_ =	sdelay $0x4  }
0x253: {  	v1 =	vsub.f32 $0.0e+00, v1;
	_ =	sdelay $0x1  }
0x254: {  	v1 =	vmul.f32 $1.442695020e+00, v1;
	_ =	sdelay $0x1  }
0x255: {  	(erf) = vpow2.f32 v1;
	_ =	sdelay $0x8  }
0x256: {  	v1 =	vpop (erf)  }
0x257: {  	v1 =	vadd.f32 $1.000000000e+00, v1;
	_ =	sdelay $0x1  }
0x258: {  	(erf) = vrcp.f32 v1;
	_ =	sdelay $0x4  }
0x259: {  	v4 =	vld [tilespmem:s19+$0xFFFFFF50];
	_ =	sdelay $0x3  }
0x25a: {  	v5 =	vpop (erf)  }
0x25b: {  	v1 =	vmul.f32 v5, v4;
	_ =	sdelay $0x1  }
0x25c: {  	v1 =	vmul.f32 v1, v0;
	_ =	sdelay $0x1  }
0x25d: {  	[tilespmem:s22+$0xFFFFFF50] =	vst v1  }
0x25e: {  	v1 =	vld [tilespmem:s13+$0xFFFFFF60];
	_ =	sdelay $0x4  }
0x25f: {  	v1 =	vsub.f32 $0.0e+00, v1;
	_ =	sdelay $0x1  }
0x260: {  	v1 =	vmul.f32 $1.442695020e+00, v1;
	_ =	sdelay $0x1  }
0x261: {  	(erf) = vpow2.f32 v1;
	_ =	sdelay $0x8  }
0x262: {  	v1 =	vpop (erf)  }
0x263: {  	v1 =	vadd.f32 $1.000000000e+00, v1;
	_ =	sdelay $0x1  }
0x264: {  	(erf) = vrcp.f32 v1;
	_ =	sdelay $0x4  }
0x265: {  	v6 =	vld [tilespmem:s19+$0xFFFFFF60];
	_ =	sdelay $0x3  }
0x266: {  	v7 =	vpop (erf)  }
0x267: {  	v1 =	vmul.f32 v7, v6;
	_ =	sdelay $0x1  }
0x268: {  	v1 =	vmul.f32 v1, v0;
	_ =	sdelay $0x1  }
0x269: {  	[tilespmem:s22+$0xFFFFFF60] =	vst v1  }
0x26a: {  	v1 =	vld [tilespmem:s13+$0xFFFFFF70];
	_ =	sdelay $0x4  }
0x26b: {  	v1 =	vsub.f32 $0.0e+00, v1;
	_ =	sdelay $0x1  }
0x26c: {  	v1 =	vmul.f32 $1.442695020e+00, v1;
	_ =	sdelay $0x1  }
0x26d: {  	(erf) = vpow2.f32 v1;
	_ =	sdelay $0x8  }
0x26e: {  	v1 =	vpop (erf)  }
0x26f: {  	v1 =	vadd.f32 $1.000000000e+00, v1;
	_ =	sdelay $0x1  }
0x270: {  	(erf) = vrcp.f32 v1;
	_ =	sdelay $0x4  }
0x271: {  	v8 =	vld [tilespmem:s19+$0xFFFFFF70];
	_ =	sdelay $0x3  }
0x272: {  	v9 =	vpop (erf)  }
0x273: {  	v1 =	vmul.f32 v9, v8;
	_ =	sdelay $0x1  }
0x274: {  	v0 =	vmul.f32 v1, v0;
	_ =	sdelay $0x1  }
0x275: {  	[tilespmem:s22+$0xFFFFFF70] =	vst v0  }
0x276: {  	v0 =	vld [tilespmem:s13+$0xFFFFFF80];
	_ =	sdelay $0x4  }
0x277: {  	v0 =	vsub.f32 $0.0e+00, v0;
	_ =	sdelay $0x1  }
0x278: {  	v0 =	vmul.f32 $1.442695020e+00, v0;
	_ =	sdelay $0x1  }
0x279: {  	(erf) = vpow2.f32 v0;
	_ =	sdelay $0x8  }
0x27a: {  	v0 =	vpop (erf)  }
0x27b: {  	v0 =	vadd.f32 $1.000000000e+00, v0;
	_ =	sdelay $0x1  }
0x27c: {  	(erf) = vrcp.f32 v0;
	_ =	sdelay $0x3  }
0x27d: {  	v10 =	vld [tilespmem:s28+$0x2A80]  }
0x27e: {  	v11 =	vld [tilespmem:s19+$0xFFFFFF80]  }
0x27f: {  	s29 =	sand.u32 $0xFFFFFFF0, s15  }
0x280: {  	s1 =	ssub.s32 s1, s29  }
0x281: {  	s2 =	sadd.s32 $0x5, s1  }
0x282: {  	v12 =	vmov s2;
	v13 =	vpop (erf)  }
0x283: {  	v0 =	vperm.xlane v10, v12;
	v1 =	vmul.f32 v13, v11;
	_ =	sdelay $0x1  }
0x284: {  	v1 =	vmul.f32 v1, v0;
	_ =	sdelay $0x1  }
0x285: {  	[tilespmem:s22+$0xFFFFFF80] =	vst v1  }
0x286: {  	v1 =	vld [tilespmem:s13+$0xFFFFFF90];
	_ =	sdelay $0x4  }
0x287: {  	v1 =	vsub.f32 $0.0e+00, v1;
	_ =	sdelay $0x1  }
0x288: {  	v1 =	vmul.f32 $1.442695020e+00, v1;
	_ =	sdelay $0x1  }
0x289: {  	(erf) = vpow2.f32 v1;
	_ =	sdelay $0x8  }
0x28a: {  	v1 =	vpop (erf)  }
0x28b: {  	v1 =	vadd.f32 $1.000000000e+00, v1;
	_ =	sdelay $0x1  }
0x28c: {  	(erf) = vrcp.f32 v1;
	_ =	sdelay $0x4  }
0x28d: {  	v14 =	vld [tilespmem:s19+$0xFFFFFF90];
	_ =	sdelay $0x3  }
0x28e: {  	v15 =	vpop (erf)  }
0x28f: {  	v1 =	vmul.f32 v15, v14;
	_ =	sdelay $0x1  }
0x290: {  	v1 =	vmul.f32 v1, v0;
	_ =	sdelay $0x1  }
0x291: {  	[tilespmem:s22+$0xFFFFFF90] =	vst v1  }
0x292: {  	v1 =	vld [tilespmem:s13+$0xFFFFFFA0];
	_ =	sdelay $0x4  }
0x293: {  	v1 =	vsub.f32 $0.0e+00, v1;
	_ =	sdelay $0x1  }
0x294: {  	v1 =	vmul.f32 $1.442695020e+00, v1;
	_ =	sdelay $0x1  }
0x295: {  	(erf) = vpow2.f32 v1;
	_ =	sdelay $0x8  }
0x296: {  	v1 =	vpop (erf)  }
0x297: {  	v1 =	vadd.f32 $1.000000000e+00, v1;
	_ =	sdelay $0x1  }
0x298: {  	(erf) = vrcp.f32 v1;
	_ =	sdelay $0x4  }
0x299: {  	v16 =	vld [tilespmem:s19+$0xFFFFFFA0];
	_ =	sdelay $0x3  }
0x29a: {  	v17 =	vpop (erf)  }
0x29b: {  	v1 =	vmul.f32 v17, v16;
	_ =	sdelay $0x1  }
0x29c: {  	v1 =	vmul.f32 v1, v0;
	_ =	sdelay $0x1  }
0x29d: {  	[tilespmem:s22+$0xFFFFFFA0] =	vst v1  }
0x29e: {  	v1 =	vld [tilespmem:s13+$0xFFFFFFB0];
	_ =	sdelay $0x4  }
0x29f: {  	v1 =	vsub.f32 $0.0e+00, v1;
	_ =	sdelay $0x1  }
0x2a0: {  	v1 =	vmul.f32 $1.442695020e+00, v1;
	_ =	sdelay $0x1  }
0x2a1: {  	(erf) = vpow2.f32 v1;
	_ =	sdelay $0x8  }
0x2a2: {  	v1 =	vpop (erf)  }
0x2a3: {  	v1 =	vadd.f32 $1.000000000e+00, v1;
	_ =	sdelay $0x1  }
0x2a4: {  	(erf) = vrcp.f32 v1;
	_ =	sdelay $0x4  }
0x2a5: {  	v18 =	vld [tilespmem:s19+$0xFFFFFFB0];
	_ =	sdelay $0x3  }
0x2a6: {  	v19 =	vpop (erf)  }
0x2a7: {  	v1 =	vmul.f32 v19, v18;
	_ =	sdelay $0x1  }
0x2a8: {  	v1 =	vmul.f32 v1, v0;
	_ =	sdelay $0x1  }
0x2a9: {  	[tilespmem:s22+$0xFFFFFFB0] =	vst v1  }
0x2aa: {  	v1 =	vld [tilespmem:s13+$0xFFFFFFC0];
	_ =	sdelay $0x4  }
0x2ab: {  	v1 =	vsub.f32 $0.0e+00, v1;
	_ =	sdelay $0x1  }
0x2ac: {  	v1 =	vmul.f32 $1.442695020e+00, v1;
	_ =	sdelay $0x1  }
0x2ad: {  	(erf) = vpow2.f32 v1;
	_ =	sdelay $0x8  }
0x2ae: {  	v1 =	vpop (erf)  }
0x2af: {  	v1 =	vadd.f32 $1.000000000e+00, v1;
	_ =	sdelay $0x1  }
0x2b0: {  	(erf) = vrcp.f32 v1;
	_ =	sdelay $0x4  }
0x2b1: {  	v20 =	vld [tilespmem:s19+$0xFFFFFFC0];
	_ =	sdelay $0x3  }
0x2b2: {  	v21 =	vpop (erf)  }
0x2b3: {  	v1 =	vmul.f32 v21, v20;
	_ =	sdelay $0x1  }
0x2b4: {  	v1 =	vmul.f32 v1, v0;
	_ =	sdelay $0x1  }
0x2b5: {  	[tilespmem:s22+$0xFFFFFFC0] =	vst v1  }
0x2b6: {  	v1 =	vld [tilespmem:s13+$0xFFFFFFD0];
	_ =	sdelay $0x4  }
0x2b7: {  	v1 =	vsub.f32 $0.0e+00, v1;
	_ =	sdelay $0x1  }
0x2b8: {  	v1 =	vmul.f32 $1.442695020e+00, v1;
	_ =	sdelay $0x1  }
0x2b9: {  	(erf) = vpow2.f32 v1;
	_ =	sdelay $0x8  }
0x2ba: {  	v1 =	vpop (erf)  }
0x2bb: {  	v1 =	vadd.f32 $1.000000000e+00, v1;
	_ =	sdelay $0x1  }
0x2bc: {  	(erf) = vrcp.f32 v1;
	_ =	sdelay $0x4  }
0x2bd: {  	v22 =	vld [tilespmem:s19+$0xFFFFFFD0];
	_ =	sdelay $0x3  }
0x2be: {  	v23 =	vpop (erf)  }
0x2bf: {  	v1 =	vmul.f32 v23, v22;
	_ =	sdelay $0x1  }
0x2c0: {  	v1 =	vmul.f32 v1, v0;
	_ =	sdelay $0x1  }
0x2c1: {  	[tilespmem:s22+$0xFFFFFFD0] =	vst v1  }
0x2c2: {  	v1 =	vld [tilespmem:s13+$0xFFFFFFE0];
	_ =	sdelay $0x4  }
0x2c3: {  	v1 =	vsub.f32 $0.0e+00, v1;
	_ =	sdelay $0x1  }
0x2c4: {  	v1 =	vmul.f32 $1.442695020e+00, v1;
	_ =	sdelay $0x1  }
0x2c5: {  	(erf) = vpow2.f32 v1;
	_ =	sdelay $0x8  }
0x2c6: {  	v1 =	vpop (erf)  }
0x2c7: {  	v1 =	vadd.f32 $1.000000000e+00, v1;
	_ =	sdelay $0x1  }
0x2c8: {  	(erf) = vrcp.f32 v1;
	_ =	sdelay $0x4  }
0x2c9: {  	v24 =	vld [tilespmem:s19+$0xFFFFFFE0];
	_ =	sdelay $0x3  }
0x2ca: {  	v25 =	vpop (erf)  }
0x2cb: {  	v1 =	vmul.f32 v25, v24;
	_ =	sdelay $0x1  }
0x2cc: {  	v1 =	vmul.f32 v1, v0;
	_ =	sdelay $0x1  }
0x2cd: {  	[tilespmem:s22+$0xFFFFFFE0] =	vst v1  }
0x2ce: {  	v1 =	vld [tilespmem:s13+$0xFFFFFFF0];
	_ =	sdelay $0x4  }
0x2cf: {  	v1 =	vsub.f32 $0.0e+00, v1;
	_ =	sdelay $0x1  }
0x2d0: {  	v1 =	vmul.f32 $1.442695020e+00, v1;
	_ =	sdelay $0x1  }
0x2d1: {  	(erf) = vpow2.f32 v1;
	_ =	sdelay $0x8  }
0x2d2: {  	v1 =	vpop (erf)  }
0x2d3: {  	v1 =	vadd.f32 $1.000000000e+00, v1;
	_ =	sdelay $0x1  }
0x2d4: {  	(erf) = vrcp.f32 v1;
	_ =	sdelay $0x4  }
0x2d5: {  	v26 =	vld [tilespmem:s19+$0xFFFFFFF0];
	_ =	sdelay $0x3  }
0x2d6: {  	v27 =	vpop (erf)  }
0x2d7: {  	v1 =	vmul.f32 v27, v26;
	_ =	sdelay $0x1  }
0x2d8: {  	v0 =	vmul.f32 v1, v0;
	_ =	sdelay $0x1  }
0x2d9: {  	[tilespmem:s22+$0xFFFFFFF0] =	vst v0  }
0x2da: {  	v0 =	vld [tilespmem:s13+$0x0];
	_ =	sdelay $0x4  }
0x2db: {  	v0 =	vsub.f32 $0.0e+00, v0;
	_ =	sdelay $0x1  }
0x2dc: {  	v0 =	vmul.f32 $1.442695020e+00, v0;
	_ =	sdelay $0x1  }
0x2dd: {  	(erf) = vpow2.f32 v0;
	_ =	sdelay $0x8  }
0x2de: {  	v0 =	vpop (erf)  }
0x2df: {  	v0 =	vadd.f32 $1.000000000e+00, v0;
	_ =	sdelay $0x1  }
0x2e0: {  	(erf) = vrcp.f32 v0;
	_ =	sdelay $0x3  }
0x2e1: {  	v28 =	vld [tilespmem:s28+$0x2A80]  }
0x2e2: {  	v29 =	vld [tilespmem:s19+$0x0];
	_ =	sdelay $0x2  }
0x2e3: {  	s29 =	sadd.s32 $0x6, s1  }
0x2e4: {  	v30 =	vmov s29;
	v31 =	vpop (erf)  }
0x2e5: {  	v0 =	vperm.xlane v28, v30;
	v1 =	vmul.f32 v31, v29;
	_ =	sdelay $0x1  }
0x2e6: {  	v1 =	vmul.f32 v1, v0;
	_ =	sdelay $0x1  }
0x2e7: {  	[tilespmem:s22+$0x0] =	vst v1  }
0x2e8: {  	v1 =	vld [tilespmem:s13+$0x10];
	_ =	sdelay $0x4  }
0x2e9: {  	v1 =	vsub.f32 $0.0e+00, v1;
	_ =	sdelay $0x1  }
0x2ea: {  	v1 =	vmul.f32 $1.442695020e+00, v1;
	_ =	sdelay $0x1  }
0x2eb: {  	(erf) = vpow2.f32 v1;
	_ =	sdelay $0x8  }
0x2ec: {  	v1 =	vpop (erf)  }
0x2ed: {  	v1 =	vadd.f32 $1.000000000e+00, v1;
	_ =	sdelay $0x1  }
0x2ee: {  	(erf) = vrcp.f32 v1;
	_ =	sdelay $0x4  }
0x2ef: {  	v32 =	vld [tilespmem:s19+$0x10];
	_ =	sdelay $0x3  }
0x2f0: {  	v33 =	vpop (erf)  }
0x2f1: {  	v1 =	vmul.f32 v33, v32;
	_ =	sdelay $0x1  }
0x2f2: {  	v1 =	vmul.f32 v1, v0;
	_ =	sdelay $0x1  }
0x2f3: {  	[tilespmem:s22+$0x10] =	vst v1  }
0x2f4: {  	v1 =	vld [tilespmem:s13+$0x20];
	_ =	sdelay $0x4  }
0x2f5: {  	v1 =	vsub.f32 $0.0e+00, v1;
	_ =	sdelay $0x1  }
0x2f6: {  	v1 =	vmul.f32 $1.442695020e+00, v1;
	_ =	sdelay $0x1  }
0x2f7: {  	(erf) = vpow2.f32 v1;
	_ =	sdelay $0x8  }
0x2f8: {  	v1 =	vpop (erf)  }
0x2f9: {  	v1 =	vadd.f32 $1.000000000e+00, v1;
	_ =	sdelay $0x1  }
0x2fa: {  	(erf) = vrcp.f32 v1;
	_ =	sdelay $0x4  }
0x2fb: {  	v34 =	vld [tilespmem:s19+$0x20];
	_ =	sdelay $0x3  }
0x2fc: {  	v35 =	vpop (erf)  }
0x2fd: {  	v1 =	vmul.f32 v35, v34;
	_ =	sdelay $0x1  }
0x2fe: {  	v1 =	vmul.f32 v1, v0;
	_ =	sdelay $0x1  }
0x2ff: {  	[tilespmem:s22+$0x20] =	vst v1  }
0x300: {  	v1 =	vld [tilespmem:s13+$0x30];
	_ =	sdelay $0x4  }
0x301: {  	v1 =	vsub.f32 $0.0e+00, v1;
	_ =	sdelay $0x1  }
0x302: {  	v1 =	vmul.f32 $1.442695020e+00, v1;
	_ =	sdelay $0x1  }
0x303: {  	(erf) = vpow2.f32 v1;
	_ =	sdelay $0x8  }
0x304: {  	v1 =	vpop (erf)  }
0x305: {  	v1 =	vadd.f32 $1.000000000e+00, v1;
	_ =	sdelay $0x1  }
0x306: {  	(erf) = vrcp.f32 v1;
	_ =	sdelay $0x4  }
0x307: {  	v36 =	vld [tilespmem:s19+$0x30];
	_ =	sdelay $0x3  }
0x308: {  	v37 =	vpop (erf)  }
0x309: {  	v1 =	vmul.f32 v37, v36;
	_ =	sdelay $0x1  }
0x30a: {  	v1 =	vmul.f32 v1, v0;
	_ =	sdelay $0x1  }
0x30b: {  	[tilespmem:s22+$0x30] =	vst v1  }
0x30c: {  	v1 =	vld [tilespmem:s13+$0x40];
	_ =	sdelay $0x4  }
0x30d: {  	v1 =	vsub.f32 $0.0e+00, v1;
	_ =	sdelay $0x1  }
0x30e: {  	v1 =	vmul.f32 $1.442695020e+00, v1;
	_ =	sdelay $0x1  }
0x30f: {  	(erf) = vpow2.f32 v1;
	_ =	sdelay $0x8  }
0x310: {  	v1 =	vpop (erf)  }
0x311: {  	v1 =	vadd.f32 $1.000000000e+00, v1;
	_ =	sdelay $0x1  }
0x312: {  	(erf) = vrcp.f32 v1;
	_ =	sdelay $0x4  }
0x313: {  	v38 =	vld [tilespmem:s19+$0x40];
	_ =	sdelay $0x3  }
0x314: {  	v39 =	vpop (erf)  }
0x315: {  	v1 =	vmul.f32 v39, v38;
	_ =	sdelay $0x1  }
0x316: {  	v1 =	vmul.f32 v1, v0;
	_ =	sdelay $0x1  }
0x317: {  	[tilespmem:s22+$0x40] =	vst v1  }
0x318: {  	v1 =	vld [tilespmem:s13+$0x50];
	_ =	sdelay $0x4  }
0x319: {  	v1 =	vsub.f32 $0.0e+00, v1;
	_ =	sdelay $0x1  }
0x31a: {  	v1 =	vmul.f32 $1.442695020e+00, v1;
	_ =	sdelay $0x1  }
0x31b: {  	(erf) = vpow2.f32 v1;
	_ =	sdelay $0x8  }
0x31c: {  	v1 =	vpop (erf)  }
0x31d: {  	v1 =	vadd.f32 $1.000000000e+00, v1;
	_ =	sdelay $0x1  }
0x31e: {  	(erf) = vrcp.f32 v1;
	_ =	sdelay $0x4  }
0x31f: {  	v40 =	vld [tilespmem:s19+$0x50];
	_ =	sdelay $0x3  }
0x320: {  	v41 =	vpop (erf)  }
0x321: {  	v1 =	vmul.f32 v41, v40;
	_ =	sdelay $0x1  }
0x322: {  	v1 =	vmul.f32 v1, v0;
	_ =	sdelay $0x1  }
0x323: {  	[tilespmem:s22+$0x50] =	vst v1  }
0x324: {  	v1 =	vld [tilespmem:s13+$0x60];
	_ =	sdelay $0x4  }
0x325: {  	v1 =	vsub.f32 $0.0e+00, v1;
	_ =	sdelay $0x1  }
0x326: {  	v1 =	vmul.f32 $1.442695020e+00, v1;
	_ =	sdelay $0x1  }
0x327: {  	(erf) = vpow2.f32 v1;
	_ =	sdelay $0x8  }
0x328: {  	v1 =	vpop (erf)  }
0x329: {  	v1 =	vadd.f32 $1.000000000e+00, v1;
	_ =	sdelay $0x1  }
0x32a: {  	(erf) = vrcp.f32 v1;
	_ =	sdelay $0x4  }
0x32b: {  	v42 =	vld [tilespmem:s19+$0x60];
	_ =	sdelay $0x3  }
0x32c: {  	v43 =	vpop (erf)  }
0x32d: {  	v1 =	vmul.f32 v43, v42;
	_ =	sdelay $0x1  }
0x32e: {  	v1 =	vmul.f32 v1, v0;
	_ =	sdelay $0x1  }
0x32f: {  	[tilespmem:s22+$0x60] =	vst v1  }
0x330: {  	v1 =	vld [tilespmem:s13+$0x70];
	_ =	sdelay $0x4  }
0x331: {  	v1 =	vsub.f32 $0.0e+00, v1;
	_ =	sdelay $0x1  }
0x332: {  	v1 =	vmul.f32 $1.442695020e+00, v1;
	_ =	sdelay $0x1  }
0x333: {  	(erf) = vpow2.f32 v1;
	_ =	sdelay $0x8  }
0x334: {  	v1 =	vpop (erf)  }
0x335: {  	v1 =	vadd.f32 $1.000000000e+00, v1;
	_ =	sdelay $0x1  }
0x336: {  	(erf) = vrcp.f32 v1;
	_ =	sdelay $0x4  }
0x337: {  	v44 =	vld [tilespmem:s19+$0x70];
	_ =	sdelay $0x3  }
0x338: {  	v45 =	vpop (erf)  }
0x339: {  	v1 =	vmul.f32 v45, v44;
	_ =	sdelay $0x1  }
0x33a: {  	v0 =	vmul.f32 v1, v0;
	_ =	sdelay $0x1  }
0x33b: {  	[tilespmem:s22+$0x70] =	vst v0  }
0x33c: {  	v0 =	vld [tilespmem:s13+$0x80];
	_ =	sdelay $0x4  }
0x33d: {  	v0 =	vsub.f32 $0.0e+00, v0;
	_ =	sdelay $0x1  }
0x33e: {  	v0 =	vmul.f32 $1.442695020e+00, v0;
	_ =	sdelay $0x1  }
0x33f: {  	(erf) = vpow2.f32 v0;
	_ =	sdelay $0x8  }
0x340: {  	v0 =	vpop (erf)  }
0x341: {  	v0 =	vadd.f32 $1.000000000e+00, v0;
	_ =	sdelay $0x1  }
0x342: {  	(erf) = vrcp.f32 v0;
	_ =	sdelay $0x3  }
0x343: {  	v46 =	vld [tilespmem:s28+$0x2A80]  }
0x344: {  	v47 =	vld [tilespmem:s19+$0x80];
	_ =	sdelay $0x2  }
0x345: {  	s1 =	sadd.s32 $0x7, s1  }
0x346: {  	v48 =	vmov s1;
	v49 =	vpop (erf)  }
0x347: {  	v0 =	vperm.xlane v46, v48;
	v1 =	vmul.f32 v49, v47;
	_ =	sdelay $0x1  }
0x348: {  	v1 =	vmul.f32 v1, v0;
	_ =	sdelay $0x1  }
0x349: {  	[tilespmem:s22+$0x80] =	vst v1  }
0x34a: {  	v1 =	vld [tilespmem:s13+$0x90];
	_ =	sdelay $0x4  }
0x34b: {  	v1 =	vsub.f32 $0.0e+00, v1;
	_ =	sdelay $0x1  }
0x34c: {  	v1 =	vmul.f32 $1.442695020e+00, v1;
	_ =	sdelay $0x1  }
0x34d: {  	(erf) = vpow2.f32 v1;
	_ =	sdelay $0x8  }
0x34e: {  	v1 =	vpop (erf)  }
0x34f: {  	v1 =	vadd.f32 $1.000000000e+00, v1;
	_ =	sdelay $0x1  }
0x350: {  	(erf) = vrcp.f32 v1;
	_ =	sdelay $0x4  }
0x351: {  	v50 =	vld [tilespmem:s19+$0x90];
	_ =	sdelay $0x3  }
0x352: {  	v51 =	vpop (erf)  }
0x353: {  	v1 =	vmul.f32 v51, v50;
	_ =	sdelay $0x1  }
0x354: {  	v1 =	vmul.f32 v1, v0;
	_ =	sdelay $0x1  }
0x355: {  	[tilespmem:s22+$0x90] =	vst v1  }
0x356: {  	v1 =	vld [tilespmem:s13+$0xA0];
	_ =	sdelay $0x4  }
0x357: {  	v1 =	vsub.f32 $0.0e+00, v1;
	_ =	sdelay $0x1  }
0x358: {  	v1 =	vmul.f32 $1.442695020e+00, v1;
	_ =	sdelay $0x1  }
0x359: {  	(erf) = vpow2.f32 v1;
	_ =	sdelay $0x8  }
0x35a: {  	v1 =	vpop (erf)  }
0x35b: {  	v1 =	vadd.f32 $1.000000000e+00, v1;
	_ =	sdelay $0x1  }
0x35c: {  	(erf) = vrcp.f32 v1;
	_ =	sdelay $0x4  }
0x35d: {  	v52 =	vld [tilespmem:s19+$0xA0];
	_ =	sdelay $0x3  }
0x35e: {  	v53 =	vpop (erf)  }
0x35f: {  	v1 =	vmul.f32 v53, v52;
	_ =	sdelay $0x1  }
0x360: {  	v1 =	vmul.f32 v1, v0;
	_ =	sdelay $0x1  }
0x361: {  	[tilespmem:s22+$0xA0] =	vst v1  }
0x362: {  	v1 =	vld [tilespmem:s13+$0xB0];
	_ =	sdelay $0x4  }
0x363: {  	v1 =	vsub.f32 $0.0e+00, v1;
	_ =	sdelay $0x1  }
0x364: {  	v1 =	vmul.f32 $1.442695020e+00, v1;
	_ =	sdelay $0x1  }
0x365: {  	(erf) = vpow2.f32 v1;
	_ =	sdelay $0x8  }
0x366: {  	v1 =	vpop (erf)  }
0x367: {  	v1 =	vadd.f32 $1.000000000e+00, v1;
	_ =	sdelay $0x1  }
0x368: {  	(erf) = vrcp.f32 v1;
	_ =	sdelay $0x4  }
0x369: {  	v54 =	vld [tilespmem:s19+$0xB0];
	_ =	sdelay $0x3  }
0x36a: {  	v55 =	vpop (erf)  }
0x36b: {  	v1 =	vmul.f32 v55, v54;
	_ =	sdelay $0x1  }
0x36c: {  	v1 =	vmul.f32 v1, v0;
	_ =	sdelay $0x1  }
0x36d: {  	[tilespmem:s22+$0xB0] =	vst v1  }
0x36e: {  	v1 =	vld [tilespmem:s13+$0xC0];
	_ =	sdelay $0x4  }
0x36f: {  	v1 =	vsub.f32 $0.0e+00, v1;
	_ =	sdelay $0x1  }
0x370: {  	v1 =	vmul.f32 $1.442695020e+00, v1;
	_ =	sdelay $0x1  }
0x371: {  	(erf) = vpow2.f32 v1;
	_ =	sdelay $0x8  }
0x372: {  	v1 =	vpop (erf)  }
0x373: {  	v1 =	vadd.f32 $1.000000000e+00, v1;
	_ =	sdelay $0x1  }
0x374: {  	(erf) = vrcp.f32 v1;
	_ =	sdelay $0x4  }
0x375: {  	v56 =	vld [tilespmem:s19+$0xC0];
	_ =	sdelay $0x3  }
0x376: {  	v57 =	vpop (erf)  }
0x377: {  	v1 =	vmul.f32 v57, v56;
	_ =	sdelay $0x1  }
0x378: {  	v1 =	vmul.f32 v1, v0;
	_ =	sdelay $0x1  }
0x379: {  	[tilespmem:s22+$0xC0] =	vst v1  }
0x37a: {  	v1 =	vld [tilespmem:s13+$0xD0];
	_ =	sdelay $0x4  }
0x37b: {  	v1 =	vsub.f32 $0.0e+00, v1;
	_ =	sdelay $0x1  }
0x37c: {  	v1 =	vmul.f32 $1.442695020e+00, v1;
	_ =	sdelay $0x1  }
0x37d: {  	(erf) = vpow2.f32 v1;
	_ =	sdelay $0x8  }
0x37e: {  	v1 =	vpop (erf)  }
0x37f: {  	v1 =	vadd.f32 $1.000000000e+00, v1;
	_ =	sdelay $0x1  }
0x380: {  	(erf) = vrcp.f32 v1;
	_ =	sdelay $0x4  }
0x381: {  	v58 =	vld [tilespmem:s19+$0xD0];
	_ =	sdelay $0x3  }
0x382: {  	v59 =	vpop (erf)  }
0x383: {  	v1 =	vmul.f32 v59, v58;
	_ =	sdelay $0x1  }
0x384: {  	v1 =	vmul.f32 v1, v0;
	_ =	sdelay $0x1  }
0x385: {  	[tilespmem:s22+$0xD0] =	vst v1  }
0x386: {  	v1 =	vld [tilespmem:s13+$0xE0];
	_ =	sdelay $0x4  }
0x387: {  	v1 =	vsub.f32 $0.0e+00, v1;
	_ =	sdelay $0x1  }
0x388: {  	v1 =	vmul.f32 $1.442695020e+00, v1;
	_ =	sdelay $0x1  }
0x389: {  	(erf) = vpow2.f32 v1;
	_ =	sdelay $0x8  }
0x38a: {  	v1 =	vpop (erf)  }
0x38b: {  	v1 =	vadd.f32 $1.000000000e+00, v1;
	_ =	sdelay $0x1  }
0x38c: {  	(erf) = vrcp.f32 v1;
	_ =	sdelay $0x4  }
0x38d: {  	v60 =	vld [tilespmem:s19+$0xE0];
	_ =	sdelay $0x3  }
0x38e: {  	v61 =	vpop (erf)  }
0x38f: {  	v1 =	vmul.f32 v61, v60;
	_ =	sdelay $0x1  }
0x390: {  	v1 =	vmul.f32 v1, v0;
	_ =	sdelay $0x1  }
0x391: {  	[tilespmem:s22+$0xE0] =	vst v1  }
0x392: {  	v1 =	vld [tilespmem:s13+$0xF0];
	_ =	sdelay $0x4  }
0x393: {  	v1 =	vsub.f32 $0.0e+00, v1;
	_ =	sdelay $0x1  }
0x394: {  	v1 =	vmul.f32 $1.442695020e+00, v1;
	_ =	sdelay $0x1  }
0x395: {  	(erf) = vpow2.f32 v1;
	_ =	sdelay $0x8  }
0x396: {  	v1 =	vpop (erf)  }
0x397: {  	v1 =	vadd.f32 $1.000000000e+00, v1;
	_ =	sdelay $0x1  }
0x398: {  	(erf) = vrcp.f32 v1;
	_ =	sdelay $0x4  }
0x399: {  	v62 =	vld [tilespmem:s19+$0xF0];
	_ =	sdelay $0x3  }
0x39a: {  	p0 =	slt.u32 s16, $0x24;
	v63 =	vpop (erf)  }
.Ltmp1:
0x39b: {  	v1 =	vmul.f32 v63, v62;
	(pc) =	sbr.rel @p0 .LBB2_5-.Ltmp1, $4  }
0x39c: {  	_ = 	snop  }
0x39d: {  	v0 =	vmul.f32 v1, v0  }
0x39e: {  	s15 =	sadd.s32 $0x4, s15;
	s1 =	smov.u32 s16  }
0x39f: {  	s19 =	sadd.s32 $0x200, s19;
	s13 =	sadd.s32 $0x200, s13;
	[tilespmem:s22+$0xF0] =	vst v0;
	s22 =	sadd.s32 $0x200, s22  }
0x3a0: {  	s1 =	sadd.s32 s12, s25  }
0x3a1: {  	[hbm4b:s1+s4] =	stream.linear.scatter [tilespmem:s5], [sflag:$0x5], $0x1400, $0x38;
	[tilespmem:$0x1A700] =	vst v63  }
0x3a2: {  	_ =	swait.ge [sflag:s24], $0x1400  }
0x3a3: {  	s23 =	sadd.s32 $0x1, s23;
	[sflag:s24] =	ssyncset.done $0x0  }
0x3a4: {  	p0 =	sne.s32 s23, $0x7D;
	[sflag:s24] =	ssyncadd.s32 $0xFFFFEC00  }
.Ltmp2:
0x3a5: {  	s29 =	rddreg [dreg:$0x3];
	(pc) =	sbr.rel @p0 .LBB2_2-.Ltmp2, $4  }
0x3a6: {  	[spmem:s29] =	stream.indirect.scatter.add.f32 [tilespmem:s17], [sflag:$0x5], $0x80, s26, s30, $0xb8;
	[tilespmem:$0x1A700] =	vst v63  }
0x3a7: {  	_ =	swait.ge [sflag:s24], $0x1400  }
0x3a8: {  	[sflag:s24] =	ssyncset.done $0x0  }
0x3a9: {  	[sflag:s24] =	ssyncadd.s32 $0xFFFFEC00  }
0x3aa: {  	[bflag:$0x0] =	sbarrier.arrive $0xFFFF  }
0x3ab: {  	s13 =	rddreg [dreg:$0x7]  }
0x3ac: {  	s1 =	rddreg [dreg:$0xe]  }
0x3ad: {  	s2 =	rddreg [dreg:$0x10]  }
0x3ae: {  	[hbm:s1], [sflag:s13] =	dma.local [spmem:s2], $0x2800  }
0x3af: {  	_ =	swait.ge [sflag:s24], $0x2800  }
0x3b0: {  	s28 =	rddreg [dreg:$0xf]  }
0x3b1: {  	s29 =	rddreg [dreg:$0xd];
	s2 =	sadd.s32 $0x1, s28  }
0x3b2: {  	p0 =	sne.s32 s2, s29  }
.Ltmp3:
0x3b3: {  	_ = 	snop;
	(pc) =	sbr.rel @p0 .LBB2_1-.Ltmp3, $3  }
0x3b4: {  	_ =	sdelay $0x1  }
0x3b5: {  	[sflag:s24] =	ssyncset.done $0x0  }
0x3b6: {  	[sflag:s24] =	ssyncadd.s32 $0xFFFFD800  }
0x3b7: {  	_ =	sfence.sel $0x180000  }
0x3b8: {  	[bflag:$0x0] =	sbarrier.arrive $0xFFFF  }
0x3b9: {  	_ =	strace $0x90000047  }
0x3ba: {  	s0 =	stileid.u32;
	[bflag:$0x2] =	sbarrier.arrive $0xFFFF  }
0x3bb: {  	p0 =	sne.s32 s0, $0x0;
	s0 =	rddreg [dreg:$0x4]  }
0x3bc: {  	s0 =	sadd.s32 @!p0 $0x100000, s0  }
0x3bd: {  	[sflag:s0] =	ssyncadd.tile.s32 @!p0 $0x1;
	_ =	shalt  }
.Lfunc_end2:
_tile_overlayer_lowered:
.L_overlay_start_2:
0x3be: {  	(tag) =	ssettag $0x2  }
0x3bf: {  	s0 =	rddreg [dreg:$0x0];
	s2 =	stileid.u32  }
0x3c0: {  	s1 =	rddreg [dreg:$0x1];
	p0 =	sne.s32 s2, $0x0  }
0x3c1: {  	s3 =	rddreg [dreg:$0x2];
	[bflag:$0x3] =	sbarrier.arrive $0xFFFF;
	s2 =	simm.s32 @!p0 $0x1C05  }
0x3c2: {  	[timem:s3], [sflag:s2] =	dma.local @!p0 [hbm:s0], s1  }
0x3c3: {  	s0 =	simm.s32 @!p0 $0x5  }
0x3c4: {  	_ =	swait.ge @!p0 [sflag:s0], s1  }
0x3c5: {  	s1 =	ssub.s32 @!p0 $0x0, s1;
	[sflag:s0] =	ssyncset.done @!p0 $0x0  }
0x3c6: {  	[sflag:s0] =	ssyncadd.s32 @!p0 s1  }
0x3c7: {  	[bflag:$0x3] =	sbarrier.arrive $0xFFFF  }
0x3c8: {  	_ =	shalt  }

</sc_bundles>
